<compile_context>
chip_gen: v7x
topology: tpu7x:2x2x1
jax: 0.10.2.dev20260603
libtpu: 0.0.44.dev20260713+nightly
codegen_flags: <defaults>
</compile_context>

<pallas_src>
import functools

import jax
import jax.numpy as jnp
from jax import lax
from jax.experimental import pallas as pl
from jax.experimental.pallas import tpu as pltpu
from jax.experimental.pallas import tpu_sc as plsc

N = 100000
E = 6400000
NC = 2
NS = 16
NW = NC * NS
L = 16

NP_ROWS = 6272
NP = NP_ROWS * 16
EPT = E // NW

CH_A = 800
CHUNKS_A = EPT // CH_A
CH_C = 1000
CHUNKS_C = EPT // CH_C
ZROWS = NP_ROWS // NS

_mesh = plsc.VectorSubcoreMesh(core_axis_name="c", subcore_axis_name="s")
_SC_PARAMS = pltpu.CompilerParams(
    needs_layout_passes=False, use_tc_tiling_on_sc=False)


@functools.partial(
    pl.kernel,
    out_type=(jax.ShapeDtypeStruct((NC, NP_ROWS, 16), jnp.float32),
              jax.ShapeDtypeStruct((NC, NS, NP_ROWS, 16), jnp.float32)),
    mesh=_mesh,
    compiler_params=_SC_PARAMS,
    scratch_types=[
        pltpu.VMEM((NP_ROWS, 16), jnp.float32),
        [pltpu.VMEM((CH_A,), jnp.int32)] * 2,
        pltpu.VMEM((ZROWS, 16), jnp.float32),
        pltpu.VMEM((ZROWS, 16), jnp.float32),
        [pltpu.SemaphoreType.DMA] * 2,
    ],
)
def _deg_kernel(edges, zeros_hbm, out, stage, hist_v, idx_vs, acc_v, tmp_v,
                isems):
    c = lax.axis_index("c")
    s = lax.axis_index("s")
    wid = s * NC + c
    pltpu.sync_copy(zeros_hbm, hist_v)

    ones = jnp.ones((L,), jnp.float32)

    def group(g, _):
        descs = []
        for b in range(2):
            base = wid * EPT + (g * 2 + b) * CH_A
            descs.append(pltpu.async_copy(
                edges.at[0, pl.ds(base, CH_A)], idx_vs[b], isems[b]))
        for b in range(2):
            descs[b].wait()
            for t in range(CH_A // L):
                v = idx_vs[b][pl.ds(t * L, L)]
                row = lax.shift_right_logical(v, 4)
                col = lax.bitwise_and(v, 15)
                plsc.addupdate_scatter(hist_v, [row, col], ones)
        return 0

    lax.fori_loop(0, CHUNKS_A // 2, group, 0)

    pltpu.sync_copy(hist_v, stage.at[c, s])
    plsc.subcore_barrier()

    def vinit(i, _):
        acc_v[i, :] = hist_v[s * ZROWS + i, :]
        return 0

    lax.fori_loop(0, ZROWS, vinit, 0)
    for t in range(NS - 1):
        other = lax.rem(s + 1 + t, NS)
        pltpu.sync_copy(stage.at[c, other, pl.ds(s * ZROWS, ZROWS)], tmp_v)

        def vadd(i, _):
            acc_v[i, :] = acc_v[i, :] + tmp_v[i, :]
            return 0

        lax.fori_loop(0, ZROWS, vadd, 0)
    pltpu.sync_copy(acc_v, out.at[c, pl.ds(s * ZROWS, ZROWS)])


NP_AGG = 100016
ZROWS_AGG = NP_AGG // NS


@functools.partial(
    pl.kernel,
    out_type=jax.ShapeDtypeStruct((NC, NP_AGG, 16), jnp.float32),
    mesh=_mesh,
    compiler_params=_SC_PARAMS,
    scratch_types=[
        pltpu.VMEM((CH_C, 16), jnp.float32),
        pltpu.VMEM((CH_C,), jnp.int32),
        pltpu.VMEM((CH_C,), jnp.int32),
        pltpu.VMEM_SHARED((NP_AGG, 16), jnp.float32),
        pltpu.SemaphoreType.DMA,
    ],
)
def _agg_kernel(feat, edges, zeros_hbm, out, rows_v, src_v, dst_v, agg_sh,
                sem):
    c = lax.axis_index("c")
    s = lax.axis_index("s")
    wid = s * NC + c
    pltpu.sync_copy(zeros_hbm, agg_sh.at[pl.ds(s * ZROWS_AGG, ZROWS_AGG)])
    plsc.subcore_barrier()

    def chunk(i, _):
        base = wid * EPT + i * CH_C
        d0 = pltpu.async_copy(edges.at[0, pl.ds(base, CH_C)], src_v, sem)
        d1 = pltpu.async_copy(edges.at[1, pl.ds(base, CH_C)], dst_v, sem)
        d0.wait()
        d1.wait()
        pltpu.async_copy(feat.at[src_v], rows_v, sem).wait()
        pltpu.async_copy(rows_v, agg_sh.at[dst_v], sem, add=True).wait()
        return 0

    lax.fori_loop(0, CHUNKS_C, chunk, 0)

    plsc.subcore_barrier()
    pltpu.sync_copy(agg_sh.at[pl.ds(s * ZROWS_AGG, ZROWS_AGG)],
                    out.at[c, pl.ds(s * ZROWS_AGG, ZROWS_AGG)])


R_B = 6272


def _feat_body(x_ref, deg_ref, feat_ref):
    i = pl.program_id(0)
    xs = x_ref[:, 15:25]
    deg = deg_ref[0] + deg_ref[1]
    norm = jnp.where(deg > 0.0, lax.rsqrt(deg), 0.0)
    rows = i * R_B + lax.broadcasted_iota(jnp.int32, (R_B, 1), 0)
    real = rows < N
    val = jnp.where(real, xs * norm, 0.0)
    cnt = jnp.where(real, 1.0, 0.0)
    feat_ref[...] = jnp.concatenate(
        [val, cnt, jnp.zeros((R_B, 5), jnp.float32)], axis=1)


_feat_kernel = pl.pallas_call(
    _feat_body,
    grid=(NP // R_B,),
    in_specs=[
        pl.BlockSpec((R_B, 128), lambda i: (i, 0)),
        pl.BlockSpec((NC, R_B, 1), lambda i: (0, i, 0)),
    ],
    out_specs=pl.BlockSpec((R_B, 16), lambda i: (i, 0)),
    out_shape=jax.ShapeDtypeStruct((NP, 16), jnp.float32),
)


R_D = 5000


def _proj_body(p_ref, w1_ref, b1_ref, w2_ref, b2_ref, out_ref):
    agg = p_ref[0] + p_ref[1]
    deg = agg[:, 10:11]
    norm = jnp.where(deg > 0.0, lax.rsqrt(deg), 0.0)
    h = jnp.dot(agg * norm, w1_ref[...],
                preferred_element_type=jnp.float32) + b1_ref[...]
    out_ref[...] = jnp.dot(h, w2_ref[...],
                           preferred_element_type=jnp.float32) + b2_ref[...]


_proj_kernel = pl.pallas_call(
    _proj_body,
    grid=(N // R_D,),
    in_specs=[
        pl.BlockSpec((NC, R_D, 16), lambda i: (0, i, 0)),
        pl.BlockSpec((16, 16), lambda i: (0, 0)),
        pl.BlockSpec((1, 16), lambda i: (0, 0)),
        pl.BlockSpec((16, 16), lambda i: (0, 0)),
        pl.BlockSpec((1, 16), lambda i: (0, 0)),
    ],
    out_specs=pl.BlockSpec((R_D, 16), lambda i: (i, 0)),
    out_shape=jax.ShapeDtypeStruct((N, 16), jnp.float32),
)


def kernel(x, edge_index, W1, b1, W2, b2):
    edges = edge_index.astype(jnp.int32)
    zeros2d = jnp.zeros((NP_ROWS, 16), jnp.float32)
    zeros_agg = jnp.zeros((ZROWS_AGG, 16), jnp.float32)

    deg, _ = _deg_kernel(edges, zeros2d)
    out_deg = deg.reshape(NC, NP, 1)

    feat = _feat_kernel(x, out_deg)
    partials = _agg_kernel(feat, edges, zeros_agg)

    w1p = jnp.zeros((16, 16), jnp.float32).at[:10].set(W1)
    return _proj_kernel(partials, w1p,
                        b1.reshape(1, 16), W2, b2.reshape(1, 16))

# --- scband reference (transcript-rebuilt; emitter-appended) ---
"""Pipeline reference for scband-gcn-75050258530542 (READ-ONLY COPY).

The authoritative reference and input builder live on the scoring server;
editing this copy changes nothing except your own understanding.
"""

import jax, jax.numpy as jnp
import numpy as np

N_NODES = 100000
N_EDGES = 6400000
IN_DIM = 10
HIDDEN_DIM = 16
OUT_DIM = 16


def setup_inputs(seed: int = 0) -> dict:
    key = jax.random.key(seed)
    k_x, k_e, k_w1, k_b1, k_w2, k_b2 = jax.random.split(key, 6)
    x = jax.random.normal(k_x, (N_NODES, 128), dtype=jnp.float32)
    edge_index = jax.random.randint(k_e, (2, N_EDGES), 0, N_NODES, dtype=jnp.int64)
    # GraphConv weight (glorot) and bias
    W1 = jax.random.normal(k_w1, (IN_DIM, HIDDEN_DIM), dtype=jnp.float32) * (2.0 / (IN_DIM + HIDDEN_DIM)) ** 0.5
    b1 = jnp.zeros((HIDDEN_DIM,), dtype=jnp.float32)
    # nn.Linear weight/bias
    W2 = jax.random.normal(k_w2, (HIDDEN_DIM, OUT_DIM), dtype=jnp.float32) * (1.0 / HIDDEN_DIM) ** 0.5
    b2 = jax.random.uniform(k_b2, (OUT_DIM,), dtype=jnp.float32, minval=-(1.0 / HIDDEN_DIM) ** 0.5, maxval=(1.0 / HIDDEN_DIM) ** 0.5)
    return {"x": x, "edge_index": edge_index, "W1": W1, "b1": b1, "W2": W2, "b2": b2}


def reference(x, edge_index, W1, b1, W2, b2):
    # forward: x = x[:, 15:25]; h = GraphConv(graph, x); out = Linear(h)
    xs = x[:, 15:25]
    src = edge_index[0]
    dst = edge_index[1]
    n = xs.shape[0]
    ones = jnp.ones((src.shape[0],), dtype=jnp.float32)
    # DGL GraphConv norm='both': symmetric normalization
    out_deg = jnp.zeros((n,), dtype=jnp.float32).at[src].add(ones)
    in_deg = jnp.zeros((n,), dtype=jnp.float32).at[dst].add(ones)
    norm_src = jnp.where(out_deg > 0, out_deg ** -0.5, 0.0)
    norm_dst = jnp.where(in_deg > 0, in_deg ** -0.5, 0.0)
    feat = xs * norm_src[:, None]
    msg = jnp.take(feat, src, axis=0)              # gather over 6.4M edges
    agg = jnp.zeros((n, feat.shape[1]), dtype=feat.dtype).at[dst].add(msg)  # scatter-add
    h = agg * norm_dst[:, None]
    h = h @ W1 + b1
    out = h @ W2 + b2
    return out

if __name__ == "__main__":
    import jax
    _d = setup_inputs()
    print(jax.jit(kernel)(*tuple(_d.values())))

</pallas_src>

<mosaic_0001>
#map = affine_map<(d0, d1) -> (0, 0)>
#map1 = affine_map<(d0, d1) -> (0, 0, 0)>
#map2 = affine_map<(d0, d1) -> (0, 0, 0, 0)>
module attributes {stable_mosaic.version = 14 : i64} {
  func.func @_deg_kernel(%arg0: i32, %arg1: i32, %arg2: memref<2x6400000xi32, #tpu.memory_space<hbm>>, %arg3: memref<6272x16xf32, #tpu.memory_space<hbm>>, %arg4: memref<2x6272x16xf32, #tpu.memory_space<hbm>>, %arg5: memref<2x16x6272x16xf32, #tpu.memory_space<hbm>>, %arg6: memref<6272x16xf32, #tpu.memory_space<vmem>>, %arg7: memref<800xi32, #tpu.memory_space<vmem>>, %arg8: memref<800xi32, #tpu.memory_space<vmem>>, %arg9: memref<392x16xf32, #tpu.memory_space<vmem>>, %arg10: memref<392x16xf32, #tpu.memory_space<vmem>>, %arg11: memref<!tpu.dma_semaphore, #tpu.memory_space<semaphore_mem>>, %arg12: memref<!tpu.dma_semaphore, #tpu.memory_space<semaphore_mem>>) attributes {dimension_semantics = [#tpu.dimension_semantics<core_parallel>, #tpu.dimension_semantics<subcore_parallel>], iteration_bounds = array<i64: 2, 16>, scalar_prefetch = 0 : i64, scratch_operands = 7 : i64, tpu.core_type = #tpu.core_type<sc_vector_subcore>, window_params = [{transform_indices = #map}, {transform_indices = #map}, {transform_indices = #map1}, {transform_indices = #map2}]} {
    %mul3A = arith.constant 2 : i32
    %mul3A_0 = arith.muli %arg1, %mul3A : i32
    %add3A = arith.addi %mul3A_0, %arg0 : i32
    "tpu.region"() ({
      %run_scoped3A = tpu.sem_alloc : memref<!tpu.dma_semaphore, #tpu.memory_space<semaphore_mem>>
      tpu.enqueue_dma source(%arg3 : memref<6272x16xf32, #tpu.memory_space<hbm>>) target(%arg6 : memref<6272x16xf32, #tpu.memory_space<vmem>>) target_semaphore(%run_scoped3A : memref<!tpu.dma_semaphore, #tpu.memory_space<semaphore_mem>>)
      tpu.wait_dma2 semaphore(%run_scoped3A : memref<!tpu.dma_semaphore, #tpu.memory_space<semaphore_mem>>) src(%arg3 : memref<6272x16xf32, #tpu.memory_space<hbm>>) dst(%arg6 : memref<6272x16xf32, #tpu.memory_space<vmem>>)
      tpu.yield
    }) : () -> ()
    %broadcast_in_dim3A = arith.constant 1.000000e+00 : f32
    %broadcast_in_dim3A_1 = vector.broadcast %broadcast_in_dim3A : f32 to vector<16xf32>
    %scan3A = arith.constant 0 : i32
    %scan3A_2 = arith.constant 0 : i32
    %scan3A_3 = arith.constant 125 : i32
    %scan3A_4 = arith.addi %scan3A_2, %scan3A_3 : i32
    %scan3A_5 = arith.constant 1 : i32
    %scan3A_6 = scf.for %scan3A_241 = %scan3A_2 to %scan3A_4 step %scan3A_5 iter_args(%scan3A_242 = %scan3A) -> (i32)  : i32 {
      %mul3A_243 = arith.constant 200000 : i32
      %mul3A_244 = arith.muli %add3A, %mul3A_243 : i32
      %mul3A_245 = arith.constant 2 : i32
      %mul3A_246 = arith.muli %scan3A_241, %mul3A_245 : i32
      %add3A_247 = arith.constant 0 : i32
      %add3A_248 = arith.addi %mul3A_246, %add3A_247 : i32
      %mul3A_249 = arith.constant 800 : i32
      %mul3A_250 = arith.muli %add3A_248, %mul3A_249 : i32
      %add3A_251 = arith.addi %mul3A_244, %mul3A_250 : i32
      %dma_start3A = arith.constant 0 : i32
      %dma_start3A_252 = tpu.memref_slice %arg2[%dma_start3A, %add3A_251] : memref<2x6400000xi32, #tpu.memory_space<hbm>> -> memref<1x800xi32, #tpu.memory_space<hbm>>
      %dma_start3A_253 = tpu.memref_squeeze %dma_start3A_252 : memref<1x800xi32, #tpu.memory_space<hbm>> -> memref<800xi32, #tpu.memory_space<hbm>>
      %dma_start3A_254 = tpu.memref_slice %arg2[%dma_start3A, %add3A_251] : memref<2x6400000xi32, #tpu.memory_space<hbm>> -> memref<1x800xi32, #tpu.memory_space<hbm>>
      %dma_start3A_255 = tpu.memref_squeeze %dma_start3A_254 : memref<1x800xi32, #tpu.memory_space<hbm>> -> memref<800xi32, #tpu.memory_space<hbm>>
      tpu.enqueue_dma source(%dma_start3A_255 : memref<800xi32, #tpu.memory_space<hbm>>) target(%arg7 : memref<800xi32, #tpu.memory_space<vmem>>) target_semaphore(%arg11 : memref<!tpu.dma_semaphore, #tpu.memory_space<semaphore_mem>>)
      %mul3A_256 = arith.constant 200000 : i32
      %mul3A_257 = arith.muli %add3A, %mul3A_256 : i32
      %mul3A_258 = arith.constant 2 : i32
      %mul3A_259 = arith.muli %scan3A_241, %mul3A_258 : i32
      %add3A_260 = arith.constant 1 : i32
      %add3A_261 = arith.addi %mul3A_259, %add3A_260 : i32
      %mul3A_262 = arith.constant 800 : i32
      %mul3A_263 = arith.muli %add3A_261, %mul3A_262 : i32
      %add3A_264 = arith.addi %mul3A_257, %mul3A_263 : i32
      %dma_start3A_265 = arith.constant 0 : i32
      %dma_start3A_266 = tpu.memref_slice %arg2[%dma_start3A_265, %add3A_264] : memref<2x6400000xi32, #tpu.memory_space<hbm>> -> memref<1x800xi32, #tpu.memory_space<hbm>>
      %dma_start3A_267 = tpu.memref_squeeze %dma_start3A_266 : memref<1x800xi32, #tpu.memory_space<hbm>> -> memref<800xi32, #tpu.memory_space<hbm>>
      %dma_start3A_268 = tpu.memref_slice %arg2[%dma_start3A_265, %add3A_264] : memref<2x6400000xi32, #tpu.memory_space<hbm>> -> memref<1x800xi32, #tpu.memory_space<hbm>>
      %dma_start3A_269 = tpu.memref_squeeze %dma_start3A_268 : memref<1x800xi32, #tpu.memory_space<hbm>> -> memref<800xi32, #tpu.memory_space<hbm>>
      tpu.enqueue_dma source(%dma_start3A_269 : memref<800xi32, #tpu.memory_space<hbm>>) target(%arg8 : memref<800xi32, #tpu.memory_space<vmem>>) target_semaphore(%arg12 : memref<!tpu.dma_semaphore, #tpu.memory_space<semaphore_mem>>)
      %dma_wait3A = arith.constant 0 : i32
      %dma_wait3A_270 = tpu.memref_slice %arg2[%dma_wait3A, %add3A_251] : memref<2x6400000xi32, #tpu.memory_space<hbm>> -> memref<1x800xi32, #tpu.memory_space<hbm>>
      %dma_wait3A_271 = tpu.memref_squeeze %dma_wait3A_270 : memref<1x800xi32, #tpu.memory_space<hbm>> -> memref<800xi32, #tpu.memory_space<hbm>>
      %dma_wait3A_272 = tpu.memref_slice %arg2[%dma_wait3A, %add3A_251] : memref<2x6400000xi32, #tpu.memory_space<hbm>> -> memref<1x800xi32, #tpu.memory_space<hbm>>
      %dma_wait3A_273 = tpu.memref_squeeze %dma_wait3A_272 : memref<1x800xi32, #tpu.memory_space<hbm>> -> memref<800xi32, #tpu.memory_space<hbm>>
      tpu.wait_dma2 semaphore(%arg11 : memref<!tpu.dma_semaphore, #tpu.memory_space<semaphore_mem>>) src(%dma_wait3A_273 : memref<800xi32, #tpu.memory_space<hbm>>) dst(%arg7 : memref<800xi32, #tpu.memory_space<vmem>>)
      %get3A = arith.constant 0 : index
      %get3A_274 = tpu.vector_load %arg7[%get3A] {strides = array<i32>} : memref<800xi32, #tpu.memory_space<vmem>>, vector<16xi32>,
      %shift_right_logical3A = arith.constant 4 : i32
      %shift_right_logical3A_275 = vector.broadcast %shift_right_logical3A : i32 to vector<16xi32>
      %shift_right_logical3A_276 = arith.shrui %get3A_274, %shift_right_logical3A_275 : vector<16xi32>
      %and3A = arith.constant 15 : i32
      %and3A_277 = vector.broadcast %and3A : i32 to vector<16xi32>
      %and3A_278 = arith.andi %get3A_274, %and3A_277 : vector<16xi32>
      tpu.vector_store_idx %arg6[%shift_right_logical3A_276, %and3A_278], %broadcast_in_dim3A_1 {add = true} : memref<6272x16xf32, #tpu.memory_space<vmem>>[vector<16xi32>, vector<16xi32>], vector<16xf32>,
      %get3A_279 = arith.constant 16 : index
      %get3A_280 = tpu.vector_load %arg7[%get3A_279] {strides = array<i32>} : memref<800xi32, #tpu.memory_space<vmem>>, vector<16xi32>,
      %shift_right_logical3A_281 = arith.constant 4 : i32
      %shift_right_logical3A_282 = vector.broadcast %shift_right_logical3A_281 : i32 to vector<16xi32>
      %shift_right_logical3A_283 = arith.shrui %get3A_280, %shift_right_logical3A_282 : vector<16xi32>
      %and3A_284 = arith.constant 15 : i32
      %and3A_285 = vector.broadcast %and3A_284 : i32 to vector<16xi32>
      %and3A_286 = arith.andi %get3A_280, %and3A_285 : vector<16xi32>
      tpu.vector_store_idx %arg6[%shift_right_logical3A_283, %and3A_286], %broadcast_in_dim3A_1 {add = true} : memref<6272x16xf32, #tpu.memory_space<vmem>>[vector<16xi32>, vector<16xi32>], vector<16xf32>,
      %get3A_287 = arith.constant 32 : index
      %get3A_288 = tpu.vector_load %arg7[%get3A_287] {strides = array<i32>} : memref<800xi32, #tpu.memory_space<vmem>>, vector<16xi32>,
      %shift_right_logical3A_289 = arith.constant 4 : i32
      %shift_right_logical3A_290 = vector.broadcast %shift_right_logical3A_289 : i32 to vector<16xi32>
      %shift_right_logical3A_291 = arith.shrui %get3A_288, %shift_right_logical3A_290 : vector<16xi32>
      %and3A_292 = arith.constant 15 : i32
      %and3A_293 = vector.broadcast %and3A_292 : i32 to vector<16xi32>
      %and3A_294 = arith.andi %get3A_288, %and3A_293 : vector<16xi32>
      tpu.vector_store_idx %arg6[%shift_right_logical3A_291, %and3A_294], %broadcast_in_dim3A_1 {add = true} : memref<6272x16xf32, #tpu.memory_space<vmem>>[vector<16xi32>, vector<16xi32>], vector<16xf32>,
      %get3A_295 = arith.constant 48 : index
      %get3A_296 = tpu.vector_load %arg7[%get3A_295] {strides = array<i32>} : memref<800xi32, #tpu.memory_space<vmem>>, vector<16xi32>,
      %shift_right_logical3A_297 = arith.constant 4 : i32
      %shift_right_logical3A_298 = vector.broadcast %shift_right_logical3A_297 : i32 to vector<16xi32>
      %shift_right_logical3A_299 = arith.shrui %get3A_296, %shift_right_logical3A_298 : vector<16xi32>
      %and3A_300 = arith.constant 15 : i32
      %and3A_301 = vector.broadcast %and3A_300 : i32 to vector<16xi32>
      %and3A_302 = arith.andi %get3A_296, %and3A_301 : vector<16xi32>
      tpu.vector_store_idx %arg6[%shift_right_logical3A_299, %and3A_302], %broadcast_in_dim3A_1 {add = true} : memref<6272x16xf32, #tpu.memory_space<vmem>>[vector<16xi32>, vector<16xi32>], vector<16xf32>,
      %get3A_303 = arith.constant 64 : index
      %get3A_304 = tpu.vector_load %arg7[%get3A_303] {strides = array<i32>} : memref<800xi32, #tpu.memory_space<vmem>>, vector<16xi32>,
      %shift_right_logical3A_305 = arith.constant 4 : i32
      %shift_right_logical3A_306 = vector.broadcast %shift_right_logical3A_305 : i32 to vector<16xi32>
      %shift_right_logical3A_307 = arith.shrui %get3A_304, %shift_right_logical3A_306 : vector<16xi32>
      %and3A_308 = arith.constant 15 : i32
      %and3A_309 = vector.broadcast %and3A_308 : i32 to vector<16xi32>
      %and3A_310 = arith.andi %get3A_304, %and3A_309 : vector<16xi32>
      tpu.vector_store_idx %arg6[%shift_right_logical3A_307, %and3A_310], %broadcast_in_dim3A_1 {add = true} : memref<6272x16xf32, #tpu.memory_space<vmem>>[vector<16xi32>, vector<16xi32>], vector<16xf32>,
      %get3A_311 = arith.constant 80 : index
      %get3A_312 = tpu.vector_load %arg7[%get3A_311] {strides = array<i32>} : memref<800xi32, #tpu.memory_space<vmem>>, vector<16xi32>,
      %shift_right_logical3A_313 = arith.constant 4 : i32
      %shift_right_logical3A_314 = vector.broadcast %shift_right_logical3A_313 : i32 to vector<16xi32>
      %shift_right_logical3A_315 = arith.shrui %get3A_312, %shift_right_logical3A_314 : vector<16xi32>
      %and3A_316 = arith.constant 15 : i32
      %and3A_317 = vector.broadcast %and3A_316 : i32 to vector<16xi32>
      %and3A_318 = arith.andi %get3A_312, %and3A_317 : vector<16xi32>
      tpu.vector_store_idx %arg6[%shift_right_logical3A_315, %and3A_318], %broadcast_in_dim3A_1 {add = true} : memref<6272x16xf32, #tpu.memory_space<vmem>>[vector<16xi32>, vector<16xi32>], vector<16xf32>,
      %get3A_319 = arith.constant 96 : index
      %get3A_320 = tpu.vector_load %arg7[%get3A_319] {strides = array<i32>} : memref<800xi32, #tpu.memory_space<vmem>>, vector<16xi32>,
      %shift_right_logical3A_321 = arith.constant 4 : i32
      %shift_right_logical3A_322 = vector.broadcast %shift_right_logical3A_321 : i32 to vector<16xi32>
      %shift_right_logical3A_323 = arith.shrui %get3A_320, %shift_right_logical3A_322 : vector<16xi32>
      %and3A_324 = arith.constant 15 : i32
      %and3A_325 = vector.broadcast %and3A_324 : i32 to vector<16xi32>
      %and3A_326 = arith.andi %get3A_320, %and3A_325 : vector<16xi32>
      tpu.vector_store_idx %arg6[%shift_right_logical3A_323, %and3A_326], %broadcast_in_dim3A_1 {add = true} : memref<6272x16xf32, #tpu.memory_space<vmem>>[vector<16xi32>, vector<16xi32>], vector<16xf32>,
      %get3A_327 = arith.constant 112 : index
      %get3A_328 = tpu.vector_load %arg7[%get3A_327] {strides = array<i32>} : memref<800xi32, #tpu.memory_space<vmem>>, vector<16xi32>,
      %shift_right_logical3A_329 = arith.constant 4 : i32
      %shift_right_logical3A_330 = vector.broadcast %shift_right_logical3A_329 : i32 to vector<16xi32>
      %shift_right_logical3A_331 = arith.shrui %get3A_328, %shift_right_logical3A_330 : vector<16xi32>
      %and3A_332 = arith.constant 15 : i32
      %and3A_333 = vector.broadcast %and3A_332 : i32 to vector<16xi32>
      %and3A_334 = arith.andi %get3A_328, %and3A_333 : vector<16xi32>
      tpu.vector_store_idx %arg6[%shift_right_logical3A_331, %and3A_334], %broadcast_in_dim3A_1 {add = true} : memref<6272x16xf32, #tpu.memory_space<vmem>>[vector<16xi32>, vector<16xi32>], vector<16xf32>,
      %get3A_335 = arith.constant 128 : index
      %get3A_336 = tpu.vector_load %arg7[%get3A_335] {strides = array<i32>} : memref<800xi32, #tpu.memory_space<vmem>>, vector<16xi32>,
      %shift_right_logical3A_337 = arith.constant 4 : i32
      %shift_right_logical3A_338 = vector.broadcast %shift_right_logical3A_337 : i32 to vector<16xi32>
      %shift_right_logical3A_339 = arith.shrui %get3A_336, %shift_right_logical3A_338 : vector<16xi32>
      %and3A_340 = arith.constant 15 : i32
      %and3A_341 = vector.broadcast %and3A_340 : i32 to vector<16xi32>
      %and3A_342 = arith.andi %get3A_336, %and3A_341 : vector<16xi32>
      tpu.vector_store_idx %arg6[%shift_right_logical3A_339, %and3A_342], %broadcast_in_dim3A_1 {add = true} : memref<6272x16xf32, #tpu.memory_space<vmem>>[vector<16xi32>, vector<16xi32>], vector<16xf32>,
      %get3A_343 = arith.constant 144 : index
      %get3A_344 = tpu.vector_load %arg7[%get3A_343] {strides = array<i32>} : memref<800xi32, #tpu.memory_space<vmem>>, vector<16xi32>,
      %shift_right_logical3A_345 = arith.constant 4 : i32
      %shift_right_logical3A_346 = vector.broadcast %shift_right_logical3A_345 : i32 to vector<16xi32>
      %shift_right_logical3A_347 = arith.shrui %get3A_344, %shift_right_logical3A_346 : vector<16xi32>
      %and3A_348 = arith.constant 15 : i32
      %and3A_349 = vector.broadcast %and3A_348 : i32 to vector<16xi32>
      %and3A_350 = arith.andi %get3A_344, %and3A_349 : vector<16xi32>
      tpu.vector_store_idx %arg6[%shift_right_logical3A_347, %and3A_350], %broadcast_in_dim3A_1 {add = true} : memref<6272x16xf32, #tpu.memory_space<vmem>>[vector<16xi32>, vector<16xi32>], vector<16xf32>,
      %get3A_351 = arith.constant 160 : index
      %get3A_352 = tpu.vector_load %arg7[%get3A_351] {strides = array<i32>} : memref<800xi32, #tpu.memory_space<vmem>>, vector<16xi32>,
      %shift_right_logical3A_353 = arith.constant 4 : i32
      %shift_right_logical3A_354 = vector.broadcast %shift_right_logical3A_353 : i32 to vector<16xi32>
      %shift_right_logical3A_355 = arith.shrui %get3A_352, %shift_right_logical3A_354 : vector<16xi32>
      %and3A_356 = arith.constant 15 : i32
      %and3A_357 = vector.broadcast %and3A_356 : i32 to vector<16xi32>
      %and3A_358 = arith.andi %get3A_352, %and3A_357 : vector<16xi32>
      tpu.vector_store_idx %arg6[%shift_right_logical3A_355, %and3A_358], %broadcast_in_dim3A_1 {add = true} : memref<6272x16xf32, #tpu.memory_space<vmem>>[vector<16xi32>, vector<16xi32>], vector<16xf32>,
      %get3A_359 = arith.constant 176 : index
      %get3A_360 = tpu.vector_load %arg7[%get3A_359] {strides = array<i32>} : memref<800xi32, #tpu.memory_space<vmem>>, vector<16xi32>,
      %shift_right_logical3A_361 = arith.constant 4 : i32
      %shift_right_logical3A_362 = vector.broadcast %shift_right_logical3A_361 : i32 to vector<16xi32>
      %shift_right_logical3A_363 = arith.shrui %get3A_360, %shift_right_logical3A_362 : vector<16xi32>
      %and3A_364 = arith.constant 15 : i32
      %and3A_365 = vector.broadcast %and3A_364 : i32 to vector<16xi32>
      %and3A_366 = arith.andi %get3A_360, %and3A_365 : vector<16xi32>
      tpu.vector_store_idx %arg6[%shift_right_logical3A_363, %and3A_366], %broadcast_in_dim3A_1 {add = true} : memref<6272x16xf32, #tpu.memory_space<vmem>>[vector<16xi32>, vector<16xi32>], vector<16xf32>,
      %get3A_367 = arith.constant 192 : index
      %get3A_368 = tpu.vector_load %arg7[%get3A_367] {strides = array<i32>} : memref<800xi32, #tpu.memory_space<vmem>>, vector<16xi32>,
      %shift_right_logical3A_369 = arith.constant 4 : i32
      %shift_right_logical3A_370 = vector.broadcast %shift_right_logical3A_369 : i32 to vector<16xi32>
      %shift_right_logical3A_371 = arith.shrui %get3A_368, %shift_right_logical3A_370 : vector<16xi32>
      %and3A_372 = arith.constant 15 : i32
      %and3A_373 = vector.broadcast %and3A_372 : i32 to vector<16xi32>
      %and3A_374 = arith.andi %get3A_368, %and3A_373 : vector<16xi32>
      tpu.vector_store_idx %arg6[%shift_right_logical3A_371, %and3A_374], %broadcast_in_dim3A_1 {add = true} : memref<6272x16xf32, #tpu.memory_space<vmem>>[vector<16xi32>, vector<16xi32>], vector<16xf32>,
      %get3A_375 = arith.constant 208 : index
      %get3A_376 = tpu.vector_load %arg7[%get3A_375] {strides = array<i32>} : memref<800xi32, #tpu.memory_space<vmem>>, vector<16xi32>,
      %shift_right_logical3A_377 = arith.constant 4 : i32
      %shift_right_logical3A_378 = vector.broadcast %shift_right_logical3A_377 : i32 to vector<16xi32>
      %shift_right_logical3A_379 = arith.shrui %get3A_376, %shift_right_logical3A_378 : vector<16xi32>
      %and3A_380 = arith.constant 15 : i32
      %and3A_381 = vector.broadcast %and3A_380 : i32 to vector<16xi32>
      %and3A_382 = arith.andi %get3A_376, %and3A_381 : vector<16xi32>
      tpu.vector_store_idx %arg6[%shift_right_logical3A_379, %and3A_382], %broadcast_in_dim3A_1 {add = true} : memref<6272x16xf32, #tpu.memory_space<vmem>>[vector<16xi32>, vector<16xi32>], vector<16xf32>,
      %get3A_383 = arith.constant 224 : index
      %get3A_384 = tpu.vector_load %arg7[%get3A_383] {strides = array<i32>} : memref<800xi32, #tpu.memory_space<vmem>>, vector<16xi32>,
      %shift_right_logical3A_385 = arith.constant 4 : i32
      %shift_right_logical3A_386 = vector.broadcast %shift_right_logical3A_385 : i32 to vector<16xi32>
      %shift_right_logical3A_387 = arith.shrui %get3A_384, %shift_right_logical3A_386 : vector<16xi32>
      %and3A_388 = arith.constant 15 : i32
      %and3A_389 = vector.broadcast %and3A_388 : i32 to vector<16xi32>
      %and3A_390 = arith.andi %get3A_384, %and3A_389 : vector<16xi32>
      tpu.vector_store_idx %arg6[%shift_right_logical3A_387, %and3A_390], %broadcast_in_dim3A_1 {add = true} : memref<6272x16xf32, #tpu.memory_space<vmem>>[vector<16xi32>, vector<16xi32>], vector<16xf32>,
      %get3A_391 = arith.constant 240 : index
      %get3A_392 = tpu.vector_load %arg7[%get3A_391] {strides = array<i32>} : memref<800xi32, #tpu.memory_space<vmem>>, vector<16xi32>,
      %shift_right_logical3A_393 = arith.constant 4 : i32
      %shift_right_logical3A_394 = vector.broadcast %shift_right_logical3A_393 : i32 to vector<16xi32>
      %shift_right_logical3A_395 = arith.shrui %get3A_392, %shift_right_logical3A_394 : vector<16xi32>
      %and3A_396 = arith.constant 15 : i32
      %and3A_397 = vector.broadcast %and3A_396 : i32 to vector<16xi32>
      %and3A_398 = arith.andi %get3A_392, %and3A_397 : vector<16xi32>
      tpu.vector_store_idx %arg6[%shift_right_logical3A_395, %and3A_398], %broadcast_in_dim3A_1 {add = true} : memref<6272x16xf32, #tpu.memory_space<vmem>>[vector<16xi32>, vector<16xi32>], vector<16xf32>,
      %get3A_399 = arith.constant 256 : index
      %get3A_400 = tpu.vector_load %arg7[%get3A_399] {strides = array<i32>} : memref<800xi32, #tpu.memory_space<vmem>>, vector<16xi32>,
      %shift_right_logical3A_401 = arith.constant 4 : i32
      %shift_right_logical3A_402 = vector.broadcast %shift_right_logical3A_401 : i32 to vector<16xi32>
      %shift_right_logical3A_403 = arith.shrui %get3A_400, %shift_right_logical3A_402 : vector<16xi32>
      %and3A_404 = arith.constant 15 : i32
      %and3A_405 = vector.broadcast %and3A_404 : i32 to vector<16xi32>
      %and3A_406 = arith.andi %get3A_400, %and3A_405 : vector<16xi32>
      tpu.vector_store_idx %arg6[%shift_right_logical3A_403, %and3A_406], %broadcast_in_dim3A_1 {add = true} : memref<6272x16xf32, #tpu.memory_space<vmem>>[vector<16xi32>, vector<16xi32>], vector<16xf32>,
      %get3A_407 = arith.constant 272 : index
      %get3A_408 = tpu.vector_load %arg7[%get3A_407] {strides = array<i32>} : memref<800xi32, #tpu.memory_space<vmem>>, vector<16xi32>,
      %shift_right_logical3A_409 = arith.constant 4 : i32
      %shift_right_logical3A_410 = vector.broadcast %shift_right_logical3A_409 : i32 to vector<16xi32>
      %shift_right_logical3A_411 = arith.shrui %get3A_408, %shift_right_logical3A_410 : vector<16xi32>
      %and3A_412 = arith.constant 15 : i32
      %and3A_413 = vector.broadcast %and3A_412 : i32 to vector<16xi32>
      %and3A_414 = arith.andi %get3A_408, %and3A_413 : vector<16xi32>
      tpu.vector_store_idx %arg6[%shift_right_logical3A_411, %and3A_414], %broadcast_in_dim3A_1 {add = true} : memref<6272x16xf32, #tpu.memory_space<vmem>>[vector<16xi32>, vector<16xi32>], vector<16xf32>,
      %get3A_415 = arith.constant 288 : index
      %get3A_416 = tpu.vector_load %arg7[%get3A_415] {strides = array<i32>} : memref<800xi32, #tpu.memory_space<vmem>>, vector<16xi32>,
      %shift_right_logical3A_417 = arith.constant 4 : i32
      %shift_right_logical3A_418 = vector.broadcast %shift_right_logical3A_417 : i32 to vector<16xi32>
      %shift_right_logical3A_419 = arith.shrui %get3A_416, %shift_right_logical3A_418 : vector<16xi32>
      %and3A_420 = arith.constant 15 : i32
      %and3A_421 = vector.broadcast %and3A_420 : i32 to vector<16xi32>
      %and3A_422 = arith.andi %get3A_416, %and3A_421 : vector<16xi32>
      tpu.vector_store_idx %arg6[%shift_right_logical3A_419, %and3A_422], %broadcast_in_dim3A_1 {add = true} : memref<6272x16xf32, #tpu.memory_space<vmem>>[vector<16xi32>, vector<16xi32>], vector<16xf32>,
      %get3A_423 = arith.constant 304 : index
      %get3A_424 = tpu.vector_load %arg7[%get3A_423] {strides = array<i32>} : memref<800xi32, #tpu.memory_space<vmem>>, vector<16xi32>,
      %shift_right_logical3A_425 = arith.constant 4 : i32
      %shift_right_logical3A_426 = vector.broadcast %shift_right_logical3A_425 : i32 to vector<16xi32>
      %shift_right_logical3A_427 = arith.shrui %get3A_424, %shift_right_logical3A_426 : vector<16xi32>
      %and3A_428 = arith.constant 15 : i32
      %and3A_429 = vector.broadcast %and3A_428 : i32 to vector<16xi32>
      %and3A_430 = arith.andi %get3A_424, %and3A_429 : vector<16xi32>
      tpu.vector_store_idx %arg6[%shift_right_logical3A_427, %and3A_430], %broadcast_in_dim3A_1 {add = true} : memref<6272x16xf32, #tpu.memory_space<vmem>>[vector<16xi32>, vector<16xi32>], vector<16xf32>,
      %get3A_431 = arith.constant 320 : index
      %get3A_432 = tpu.vector_load %arg7[%get3A_431] {strides = array<i32>} : memref<800xi32, #tpu.memory_space<vmem>>, vector<16xi32>,
      %shift_right_logical3A_433 = arith.constant 4 : i32
      %shift_right_logical3A_434 = vector.broadcast %shift_right_logical3A_433 : i32 to vector<16xi32>
      %shift_right_logical3A_435 = arith.shrui %get3A_432, %shift_right_logical3A_434 : vector<16xi32>
      %and3A_436 = arith.constant 15 : i32
      %and3A_437 = vector.broadcast %and3A_436 : i32 to vector<16xi32>
      %and3A_438 = arith.andi %get3A_432, %and3A_437 : vector<16xi32>
      tpu.vector_store_idx %arg6[%shift_right_logical3A_435, %and3A_438], %broadcast_in_dim3A_1 {add = true} : memref<6272x16xf32, #tpu.memory_space<vmem>>[vector<16xi32>, vector<16xi32>], vector<16xf32>,
      %get3A_439 = arith.constant 336 : index
      %get3A_440 = tpu.vector_load %arg7[%get3A_439] {strides = array<i32>} : memref<800xi32, #tpu.memory_space<vmem>>, vector<16xi32>,
      %shift_right_logical3A_441 = arith.constant 4 : i32
      %shift_right_logical3A_442 = vector.broadcast %shift_right_logical3A_441 : i32 to vector<16xi32>
      %shift_right_logical3A_443 = arith.shrui %get3A_440, %shift_right_logical3A_442 : vector<16xi32>
      %and3A_444 = arith.constant 15 : i32
      %and3A_445 = vector.broadcast %and3A_444 : i32 to vector<16xi32>
      %and3A_446 = arith.andi %get3A_440, %and3A_445 : vector<16xi32>
      tpu.vector_store_idx %arg6[%shift_right_logical3A_443, %and3A_446], %broadcast_in_dim3A_1 {add = true} : memref<6272x16xf32, #tpu.memory_space<vmem>>[vector<16xi32>, vector<16xi32>], vector<16xf32>,
      %get3A_447 = arith.constant 352 : index
      %get3A_448 = tpu.vector_load %arg7[%get3A_447] {strides = array<i32>} : memref<800xi32, #tpu.memory_space<vmem>>, vector<16xi32>,
      %shift_right_logical3A_449 = arith.constant 4 : i32
      %shift_right_logical3A_450 = vector.broadcast %shift_right_logical3A_449 : i32 to vector<16xi32>
      %shift_right_logical3A_451 = arith.shrui %get3A_448, %shift_right_logical3A_450 : vector<16xi32>
      %and3A_452 = arith.constant 15 : i32
      %and3A_453 = vector.broadcast %and3A_452 : i32 to vector<16xi32>
      %and3A_454 = arith.andi %get3A_448, %and3A_453 : vector<16xi32>
      tpu.vector_store_idx %arg6[%shift_right_logical3A_451, %and3A_454], %broadcast_in_dim3A_1 {add = true} : memref<6272x16xf32, #tpu.memory_space<vmem>>[vector<16xi32>, vector<16xi32>], vector<16xf32>,
      %get3A_455 = arith.constant 368 : index
      %get3A_456 = tpu.vector_load %arg7[%get3A_455] {strides = array<i32>} : memref<800xi32, #tpu.memory_space<vmem>>, vector<16xi32>,
      %shift_right_logical3A_457 = arith.constant 4 : i32
      %shift_right_logical3A_458 = vector.broadcast %shift_right_logical3A_457 : i32 to vector<16xi32>
      %shift_right_logical3A_459 = arith.shrui %get3A_456, %shift_right_logical3A_458 : vector<16xi32>
      %and3A_460 = arith.constant 15 : i32
      %and3A_461 = vector.broadcast %and3A_460 : i32 to vector<16xi32>
      %and3A_462 = arith.andi %get3A_456, %and3A_461 : vector<16xi32>
      tpu.vector_store_idx %arg6[%shift_right_logical3A_459, %and3A_462], %broadcast_in_dim3A_1 {add = true} : memref<6272x16xf32, #tpu.memory_space<vmem>>[vector<16xi32>, vector<16xi32>], vector<16xf32>,
      %get3A_463 = arith.constant 384 : index
      %get3A_464 = tpu.vector_load %arg7[%get3A_463] {strides = array<i32>} : memref<800xi32, #tpu.memory_space<vmem>>, vector<16xi32>,
      %shift_right_logical3A_465 = arith.constant 4 : i32
      %shift_right_logical3A_466 = vector.broadcast %shift_right_logical3A_465 : i32 to vector<16xi32>
      %shift_right_logical3A_467 = arith.shrui %get3A_464, %shift_right_logical3A_466 : vector<16xi32>
      %and3A_468 = arith.constant 15 : i32
      %and3A_469 = vector.broadcast %and3A_468 : i32 to vector<16xi32>
      %and3A_470 = arith.andi %get3A_464, %and3A_469 : vector<16xi32>
      tpu.vector_store_idx %arg6[%shift_right_logical3A_467, %and3A_470], %broadcast_in_dim3A_1 {add = true} : memref<6272x16xf32, #tpu.memory_space<vmem>>[vector<16xi32>, vector<16xi32>], vector<16xf32>,
      %get3A_471 = arith.constant 400 : index
      %get3A_472 = tpu.vector_load %arg7[%get3A_471] {strides = array<i32>} : memref<800xi32, #tpu.memory_space<vmem>>, vector<16xi32>,
      %shift_right_logical3A_473 = arith.constant 4 : i32
      %shift_right_logical3A_474 = vector.broadcast %shift_right_logical3A_473 : i32 to vector<16xi32>
      %shift_right_logical3A_475 = arith.shrui %get3A_472, %shift_right_logical3A_474 : vector<16xi32>
      %and3A_476 = arith.constant 15 : i32
      %and3A_477 = vector.broadcast %and3A_476 : i32 to vector<16xi32>
      %and3A_478 = arith.andi %get3A_472, %and3A_477 : vector<16xi32>
      tpu.vector_store_idx %arg6[%shift_right_logical3A_475, %and3A_478], %broadcast_in_dim3A_1 {add = true} : memref<6272x16xf32, #tpu.memory_space<vmem>>[vector<16xi32>, vector<16xi32>], vector<16xf32>,
      %get3A_479 = arith.constant 416 : index
      %get3A_480 = tpu.vector_load %arg7[%get3A_479] {strides = array<i32>} : memref<800xi32, #tpu.memory_space<vmem>>, vector<16xi32>,
      %shift_right_logical3A_481 = arith.constant 4 : i32
      %shift_right_logical3A_482 = vector.broadcast %shift_right_logical3A_481 : i32 to vector<16xi32>
      %shift_right_logical3A_483 = arith.shrui %get3A_480, %shift_right_logical3A_482 : vector<16xi32>
      %and3A_484 = arith.constant 15 : i32
      %and3A_485 = vector.broadcast %and3A_484 : i32 to vector<16xi32>
      %and3A_486 = arith.andi %get3A_480, %and3A_485 : vector<16xi32>
      tpu.vector_store_idx %arg6[%shift_right_logical3A_483, %and3A_486], %broadcast_in_dim3A_1 {add = true} : memref<6272x16xf32, #tpu.memory_space<vmem>>[vector<16xi32>, vector<16xi32>], vector<16xf32>,
      %get3A_487 = arith.constant 432 : index
      %get3A_488 = tpu.vector_load %arg7[%get3A_487] {strides = array<i32>} : memref<800xi32, #tpu.memory_space<vmem>>, vector<16xi32>,
      %shift_right_logical3A_489 = arith.constant 4 : i32
      %shift_right_logical3A_490 = vector.broadcast %shift_right_logical3A_489 : i32 to vector<16xi32>
      %shift_right_logical3A_491 = arith.shrui %get3A_488, %shift_right_logical3A_490 : vector<16xi32>
      %and3A_492 = arith.constant 15 : i32
      %and3A_493 = vector.broadcast %and3A_492 : i32 to vector<16xi32>
      %and3A_494 = arith.andi %get3A_488, %and3A_493 : vector<16xi32>
      tpu.vector_store_idx %arg6[%shift_right_logical3A_491, %and3A_494], %broadcast_in_dim3A_1 {add = true} : memref<6272x16xf32, #tpu.memory_space<vmem>>[vector<16xi32>, vector<16xi32>], vector<16xf32>,
      %get3A_495 = arith.constant 448 : index
      %get3A_496 = tpu.vector_load %arg7[%get3A_495] {strides = array<i32>} : memref<800xi32, #tpu.memory_space<vmem>>, vector<16xi32>,
      %shift_right_logical3A_497 = arith.constant 4 : i32
      %shift_right_logical3A_498 = vector.broadcast %shift_right_logical3A_497 : i32 to vector<16xi32>
      %shift_right_logical3A_499 = arith.shrui %get3A_496, %shift_right_logical3A_498 : vector<16xi32>
      %and3A_500 = arith.constant 15 : i32
      %and3A_501 = vector.broadcast %and3A_500 : i32 to vector<16xi32>
      %and3A_502 = arith.andi %get3A_496, %and3A_501 : vector<16xi32>
      tpu.vector_store_idx %arg6[%shift_right_logical3A_499, %and3A_502], %broadcast_in_dim3A_1 {add = true} : memref<6272x16xf32, #tpu.memory_space<vmem>>[vector<16xi32>, vector<16xi32>], vector<16xf32>,
      %get3A_503 = arith.constant 464 : index
      %get3A_504 = tpu.vector_load %arg7[%get3A_503] {strides = array<i32>} : memref<800xi32, #tpu.memory_space<vmem>>, vector<16xi32>,
      %shift_right_logical3A_505 = arith.constant 4 : i32
      %shift_right_logical3A_506 = vector.broadcast %shift_right_logical3A_505 : i32 to vector<16xi32>
      %shift_right_logical3A_507 = arith.shrui %get3A_504, %shift_right_logical3A_506 : vector<16xi32>
      %and3A_508 = arith.constant 15 : i32
      %and3A_509 = vector.broadcast %and3A_508 : i32 to vector<16xi32>
      %and3A_510 = arith.andi %get3A_504, %and3A_509 : vector<16xi32>
      tpu.vector_store_idx %arg6[%shift_right_logical3A_507, %and3A_510], %broadcast_in_dim3A_1 {add = true} : memref<6272x16xf32, #tpu.memory_space<vmem>>[vector<16xi32>, vector<16xi32>], vector<16xf32>,
      %get3A_511 = arith.constant 480 : index
      %get3A_512 = tpu.vector_load %arg7[%get3A_511] {strides = array<i32>} : memref<800xi32, #tpu.memory_space<vmem>>, vector<16xi32>,
      %shift_right_logical3A_513 = arith.constant 4 : i32
      %shift_right_logical3A_514 = vector.broadcast %shift_right_logical3A_513 : i32 to vector<16xi32>
      %shift_right_logical3A_515 = arith.shrui %get3A_512, %shift_right_logical3A_514 : vector<16xi32>
      %and3A_516 = arith.constant 15 : i32
      %and3A_517 = vector.broadcast %and3A_516 : i32 to vector<16xi32>
      %and3A_518 = arith.andi %get3A_512, %and3A_517 : vector<16xi32>
      tpu.vector_store_idx %arg6[%shift_right_logical3A_515, %and3A_518], %broadcast_in_dim3A_1 {add = true} : memref<6272x16xf32, #tpu.memory_space<vmem>>[vector<16xi32>, vector<16xi32>], vector<16xf32>,
      %get3A_519 = arith.constant 496 : index
      %get3A_520 = tpu.vector_load %arg7[%get3A_519] {strides = array<i32>} : memref<800xi32, #tpu.memory_space<vmem>>, vector<16xi32>,
      %shift_right_logical3A_521 = arith.constant 4 : i32
      %shift_right_logical3A_522 = vector.broadcast %shift_right_logical3A_521 : i32 to vector<16xi32>
      %shift_right_logical3A_523 = arith.shrui %get3A_520, %shift_right_logical3A_522 : vector<16xi32>
      %and3A_524 = arith.constant 15 : i32
      %and3A_525 = vector.broadcast %and3A_524 : i32 to vector<16xi32>
      %and3A_526 = arith.andi %get3A_520, %and3A_525 : vector<16xi32>
      tpu.vector_store_idx %arg6[%shift_right_logical3A_523, %and3A_526], %broadcast_in_dim3A_1 {add = true} : memref<6272x16xf32, #tpu.memory_space<vmem>>[vector<16xi32>, vector<16xi32>], vector<16xf32>,
      %get3A_527 = arith.constant 512 : index
      %get3A_528 = tpu.vector_load %arg7[%get3A_527] {strides = array<i32>} : memref<800xi32, #tpu.memory_space<vmem>>, vector<16xi32>,
      %shift_right_logical3A_529 = arith.constant 4 : i32
      %shift_right_logical3A_530 = vector.broadcast %shift_right_logical3A_529 : i32 to vector<16xi32>
      %shift_right_logical3A_531 = arith.shrui %get3A_528, %shift_right_logical3A_530 : vector<16xi32>
      %and3A_532 = arith.constant 15 : i32
      %and3A_533 = vector.broadcast %and3A_532 : i32 to vector<16xi32>
      %and3A_534 = arith.andi %get3A_528, %and3A_533 : vector<16xi32>
      tpu.vector_store_idx %arg6[%shift_right_logical3A_531, %and3A_534], %broadcast_in_dim3A_1 {add = true} : memref<6272x16xf32, #tpu.memory_space<vmem>>[vector<16xi32>, vector<16xi32>], vector<16xf32>,
      %get3A_535 = arith.constant 528 : index
      %get3A_536 = tpu.vector_load %arg7[%get3A_535] {strides = array<i32>} : memref<800xi32, #tpu.memory_space<vmem>>, vector<16xi32>,
      %shift_right_logical3A_537 = arith.constant 4 : i32
      %shift_right_logical3A_538 = vector.broadcast %shift_right_logical3A_537 : i32 to vector<16xi32>
      %shift_right_logical3A_539 = arith.shrui %get3A_536, %shift_right_logical3A_538 : vector<16xi32>
      %and3A_540 = arith.constant 15 : i32
      %and3A_541 = vector.broadcast %and3A_540 : i32 to vector<16xi32>
      %and3A_542 = arith.andi %get3A_536, %and3A_541 : vector<16xi32>
      tpu.vector_store_idx %arg6[%shift_right_logical3A_539, %and3A_542], %broadcast_in_dim3A_1 {add = true} : memref<6272x16xf32, #tpu.memory_space<vmem>>[vector<16xi32>, vector<16xi32>], vector<16xf32>,
      %get3A_543 = arith.constant 544 : index
      %get3A_544 = tpu.vector_load %arg7[%get3A_543] {strides = array<i32>} : memref<800xi32, #tpu.memory_space<vmem>>, vector<16xi32>,
      %shift_right_logical3A_545 = arith.constant 4 : i32
      %shift_right_logical3A_546 = vector.broadcast %shift_right_logical3A_545 : i32 to vector<16xi32>
      %shift_right_logical3A_547 = arith.shrui %get3A_544, %shift_right_logical3A_546 : vector<16xi32>
      %and3A_548 = arith.constant 15 : i32
      %and3A_549 = vector.broadcast %and3A_548 : i32 to vector<16xi32>
      %and3A_550 = arith.andi %get3A_544, %and3A_549 : vector<16xi32>
      tpu.vector_store_idx %arg6[%shift_right_logical3A_547, %and3A_550], %broadcast_in_dim3A_1 {add = true} : memref<6272x16xf32, #tpu.memory_space<vmem>>[vector<16xi32>, vector<16xi32>], vector<16xf32>,
      %get3A_551 = arith.constant 560 : index
      %get3A_552 = tpu.vector_load %arg7[%get3A_551] {strides = array<i32>} : memref<800xi32, #tpu.memory_space<vmem>>, vector<16xi32>,
      %shift_right_logical3A_553 = arith.constant 4 : i32
      %shift_right_logical3A_554 = vector.broadcast %shift_right_logical3A_553 : i32 to vector<16xi32>
      %shift_right_logical3A_555 = arith.shrui %get3A_552, %shift_right_logical3A_554 : vector<16xi32>
      %and3A_556 = arith.constant 15 : i32
      %and3A_557 = vector.broadcast %and3A_556 : i32 to vector<16xi32>
      %and3A_558 = arith.andi %get3A_552, %and3A_557 : vector<16xi32>
      tpu.vector_store_idx %arg6[%shift_right_logical3A_555, %and3A_558], %broadcast_in_dim3A_1 {add = true} : memref<6272x16xf32, #tpu.memory_space<vmem>>[vector<16xi32>, vector<16xi32>], vector<16xf32>,
      %get3A_559 = arith.constant 576 : index
      %get3A_560 = tpu.vector_load %arg7[%get3A_559] {strides = array<i32>} : memref<800xi32, #tpu.memory_space<vmem>>, vector<16xi32>,
      %shift_right_logical3A_561 = arith.constant 4 : i32
      %shift_right_logical3A_562 = vector.broadcast %shift_right_logical3A_561 : i32 to vector<16xi32>
      %shift_right_logical3A_563 = arith.shrui %get3A_560, %shift_right_logical3A_562 : vector<16xi32>
      %and3A_564 = arith.constant 15 : i32
      %and3A_565 = vector.broadcast %and3A_564 : i32 to vector<16xi32>
      %and3A_566 = arith.andi %get3A_560, %and3A_565 : vector<16xi32>
      tpu.vector_store_idx %arg6[%shift_right_logical3A_563, %and3A_566], %broadcast_in_dim3A_1 {add = true} : memref<6272x16xf32, #tpu.memory_space<vmem>>[vector<16xi32>, vector<16xi32>], vector<16xf32>,
      %get3A_567 = arith.constant 592 : index
      %get3A_568 = tpu.vector_load %arg7[%get3A_567] {strides = array<i32>} : memref<800xi32, #tpu.memory_space<vmem>>, vector<16xi32>,
      %shift_right_logical3A_569 = arith.constant 4 : i32
      %shift_right_logical3A_570 = vector.broadcast %shift_right_logical3A_569 : i32 to vector<16xi32>
      %shift_right_logical3A_571 = arith.shrui %get3A_568, %shift_right_logical3A_570 : vector<16xi32>
      %and3A_572 = arith.constant 15 : i32
      %and3A_573 = vector.broadcast %and3A_572 : i32 to vector<16xi32>
      %and3A_574 = arith.andi %get3A_568, %and3A_573 : vector<16xi32>
      tpu.vector_store_idx %arg6[%shift_right_logical3A_571, %and3A_574], %broadcast_in_dim3A_1 {add = true} : memref<6272x16xf32, #tpu.memory_space<vmem>>[vector<16xi32>, vector<16xi32>], vector<16xf32>,
      %get3A_575 = arith.constant 608 : index
      %get3A_576 = tpu.vector_load %arg7[%get3A_575] {strides = array<i32>} : memref<800xi32, #tpu.memory_space<vmem>>, vector<16xi32>,
      %shift_right_logical3A_577 = arith.constant 4 : i32
      %shift_right_logical3A_578 = vector.broadcast %shift_right_logical3A_577 : i32 to vector<16xi32>
      %shift_right_logical3A_579 = arith.shrui %get3A_576, %shift_right_logical3A_578 : vector<16xi32>
      %and3A_580 = arith.constant 15 : i32
      %and3A_581 = vector.broadcast %and3A_580 : i32 to vector<16xi32>
      %and3A_582 = arith.andi %get3A_576, %and3A_581 : vector<16xi32>
      tpu.vector_store_idx %arg6[%shift_right_logical3A_579, %and3A_582], %broadcast_in_dim3A_1 {add = true} : memref<6272x16xf32, #tpu.memory_space<vmem>>[vector<16xi32>, vector<16xi32>], vector<16xf32>,
      %get3A_583 = arith.constant 624 : index
      %get3A_584 = tpu.vector_load %arg7[%get3A_583] {strides = array<i32>} : memref<800xi32, #tpu.memory_space<vmem>>, vector<16xi32>,
      %shift_right_logical3A_585 = arith.constant 4 : i32
      %shift_right_logical3A_586 = vector.broadcast %shift_right_logical3A_585 : i32 to vector<16xi32>
      %shift_right_logical3A_587 = arith.shrui %get3A_584, %shift_right_logical3A_586 : vector<16xi32>
      %and3A_588 = arith.constant 15 : i32
      %and3A_589 = vector.broadcast %and3A_588 : i32 to vector<16xi32>
      %and3A_590 = arith.andi %get3A_584, %and3A_589 : vector<16xi32>
      tpu.vector_store_idx %arg6[%shift_right_logical3A_587, %and3A_590], %broadcast_in_dim3A_1 {add = true} : memref<6272x16xf32, #tpu.memory_space<vmem>>[vector<16xi32>, vector<16xi32>], vector<16xf32>,
      %get3A_591 = arith.constant 640 : index
      %get3A_592 = tpu.vector_load %arg7[%get3A_591] {strides = array<i32>} : memref<800xi32, #tpu.memory_space<vmem>>, vector<16xi32>,
      %shift_right_logical3A_593 = arith.constant 4 : i32
      %shift_right_logical3A_594 = vector.broadcast %shift_right_logical3A_593 : i32 to vector<16xi32>
      %shift_right_logical3A_595 = arith.shrui %get3A_592, %shift_right_logical3A_594 : vector<16xi32>
      %and3A_596 = arith.constant 15 : i32
      %and3A_597 = vector.broadcast %and3A_596 : i32 to vector<16xi32>
      %and3A_598 = arith.andi %get3A_592, %and3A_597 : vector<16xi32>
      tpu.vector_store_idx %arg6[%shift_right_logical3A_595, %and3A_598], %broadcast_in_dim3A_1 {add = true} : memref<6272x16xf32, #tpu.memory_space<vmem>>[vector<16xi32>, vector<16xi32>], vector<16xf32>,
      %get3A_599 = arith.constant 656 : index
      %get3A_600 = tpu.vector_load %arg7[%get3A_599] {strides = array<i32>} : memref<800xi32, #tpu.memory_space<vmem>>, vector<16xi32>,
      %shift_right_logical3A_601 = arith.constant 4 : i32
      %shift_right_logical3A_602 = vector.broadcast %shift_right_logical3A_601 : i32 to vector<16xi32>
      %shift_right_logical3A_603 = arith.shrui %get3A_600, %shift_right_logical3A_602 : vector<16xi32>
      %and3A_604 = arith.constant 15 : i32
      %and3A_605 = vector.broadcast %and3A_604 : i32 to vector<16xi32>
      %and3A_606 = arith.andi %get3A_600, %and3A_605 : vector<16xi32>
      tpu.vector_store_idx %arg6[%shift_right_logical3A_603, %and3A_606], %broadcast_in_dim3A_1 {add = true} : memref<6272x16xf32, #tpu.memory_space<vmem>>[vector<16xi32>, vector<16xi32>], vector<16xf32>,
      %get3A_607 = arith.constant 672 : index
      %get3A_608 = tpu.vector_load %arg7[%get3A_607] {strides = array<i32>} : memref<800xi32, #tpu.memory_space<vmem>>, vector<16xi32>,
      %shift_right_logical3A_609 = arith.constant 4 : i32
      %shift_right_logical3A_610 = vector.broadcast %shift_right_logical3A_609 : i32 to vector<16xi32>
      %shift_right_logical3A_611 = arith.shrui %get3A_608, %shift_right_logical3A_610 : vector<16xi32>
      %and3A_612 = arith.constant 15 : i32
      %and3A_613 = vector.broadcast %and3A_612 : i32 to vector<16xi32>
      %and3A_614 = arith.andi %get3A_608, %and3A_613 : vector<16xi32>
      tpu.vector_store_idx %arg6[%shift_right_logical3A_611, %and3A_614], %broadcast_in_dim3A_1 {add = true} : memref<6272x16xf32, #tpu.memory_space<vmem>>[vector<16xi32>, vector<16xi32>], vector<16xf32>,
      %get3A_615 = arith.constant 688 : index
      %get3A_616 = tpu.vector_load %arg7[%get3A_615] {strides = array<i32>} : memref<800xi32, #tpu.memory_space<vmem>>, vector<16xi32>,
      %shift_right_logical3A_617 = arith.constant 4 : i32
      %shift_right_logical3A_618 = vector.broadcast %shift_right_logical3A_617 : i32 to vector<16xi32>
      %shift_right_logical3A_619 = arith.shrui %get3A_616, %shift_right_logical3A_618 : vector<16xi32>
      %and3A_620 = arith.constant 15 : i32
      %and3A_621 = vector.broadcast %and3A_620 : i32 to vector<16xi32>
      %and3A_622 = arith.andi %get3A_616, %and3A_621 : vector<16xi32>
      tpu.vector_store_idx %arg6[%shift_right_logical3A_619, %and3A_622], %broadcast_in_dim3A_1 {add = true} : memref<6272x16xf32, #tpu.memory_space<vmem>>[vector<16xi32>, vector<16xi32>], vector<16xf32>,
      %get3A_623 = arith.constant 704 : index
      %get3A_624 = tpu.vector_load %arg7[%get3A_623] {strides = array<i32>} : memref<800xi32, #tpu.memory_space<vmem>>, vector<16xi32>,
      %shift_right_logical3A_625 = arith.constant 4 : i32
      %shift_right_logical3A_626 = vector.broadcast %shift_right_logical3A_625 : i32 to vector<16xi32>
      %shift_right_logical3A_627 = arith.shrui %get3A_624, %shift_right_logical3A_626 : vector<16xi32>
      %and3A_628 = arith.constant 15 : i32
      %and3A_629 = vector.broadcast %and3A_628 : i32 to vector<16xi32>
      %and3A_630 = arith.andi %get3A_624, %and3A_629 : vector<16xi32>
      tpu.vector_store_idx %arg6[%shift_right_logical3A_627, %and3A_630], %broadcast_in_dim3A_1 {add = true} : memref<6272x16xf32, #tpu.memory_space<vmem>>[vector<16xi32>, vector<16xi32>], vector<16xf32>,
      %get3A_631 = arith.constant 720 : index
      %get3A_632 = tpu.vector_load %arg7[%get3A_631] {strides = array<i32>} : memref<800xi32, #tpu.memory_space<vmem>>, vector<16xi32>,
      %shift_right_logical3A_633 = arith.constant 4 : i32
      %shift_right_logical3A_634 = vector.broadcast %shift_right_logical3A_633 : i32 to vector<16xi32>
      %shift_right_logical3A_635 = arith.shrui %get3A_632, %shift_right_logical3A_634 : vector<16xi32>
      %and3A_636 = arith.constant 15 : i32
      %and3A_637 = vector.broadcast %and3A_636 : i32 to vector<16xi32>
      %and3A_638 = arith.andi %get3A_632, %and3A_637 : vector<16xi32>
      tpu.vector_store_idx %arg6[%shift_right_logical3A_635, %and3A_638], %broadcast_in_dim3A_1 {add = true} : memref<6272x16xf32, #tpu.memory_space<vmem>>[vector<16xi32>, vector<16xi32>], vector<16xf32>,
      %get3A_639 = arith.constant 736 : index
      %get3A_640 = tpu.vector_load %arg7[%get3A_639] {strides = array<i32>} : memref<800xi32, #tpu.memory_space<vmem>>, vector<16xi32>,
      %shift_right_logical3A_641 = arith.constant 4 : i32
      %shift_right_logical3A_642 = vector.broadcast %shift_right_logical3A_641 : i32 to vector<16xi32>
      %shift_right_logical3A_643 = arith.shrui %get3A_640, %shift_right_logical3A_642 : vector<16xi32>
      %and3A_644 = arith.constant 15 : i32
      %and3A_645 = vector.broadcast %and3A_644 : i32 to vector<16xi32>
      %and3A_646 = arith.andi %get3A_640, %and3A_645 : vector<16xi32>
      tpu.vector_store_idx %arg6[%shift_right_logical3A_643, %and3A_646], %broadcast_in_dim3A_1 {add = true} : memref<6272x16xf32, #tpu.memory_space<vmem>>[vector<16xi32>, vector<16xi32>], vector<16xf32>,
      %get3A_647 = arith.constant 752 : index
      %get3A_648 = tpu.vector_load %arg7[%get3A_647] {strides = array<i32>} : memref<800xi32, #tpu.memory_space<vmem>>, vector<16xi32>,
      %shift_right_logical3A_649 = arith.constant 4 : i32
      %shift_right_logical3A_650 = vector.broadcast %shift_right_logical3A_649 : i32 to vector<16xi32>
      %shift_right_logical3A_651 = arith.shrui %get3A_648, %shift_right_logical3A_650 : vector<16xi32>
      %and3A_652 = arith.constant 15 : i32
      %and3A_653 = vector.broadcast %and3A_652 : i32 to vector<16xi32>
      %and3A_654 = arith.andi %get3A_648, %and3A_653 : vector<16xi32>
      tpu.vector_store_idx %arg6[%shift_right_logical3A_651, %and3A_654], %broadcast_in_dim3A_1 {add = true} : memref<6272x16xf32, #tpu.memory_space<vmem>>[vector<16xi32>, vector<16xi32>], vector<16xf32>,
      %get3A_655 = arith.constant 768 : index
      %get3A_656 = tpu.vector_load %arg7[%get3A_655] {strides = array<i32>} : memref<800xi32, #tpu.memory_space<vmem>>, vector<16xi32>,
      %shift_right_logical3A_657 = arith.constant 4 : i32
      %shift_right_logical3A_658 = vector.broadcast %shift_right_logical3A_657 : i32 to vector<16xi32>
      %shift_right_logical3A_659 = arith.shrui %get3A_656, %shift_right_logical3A_658 : vector<16xi32>
      %and3A_660 = arith.constant 15 : i32
      %and3A_661 = vector.broadcast %and3A_660 : i32 to vector<16xi32>
      %and3A_662 = arith.andi %get3A_656, %and3A_661 : vector<16xi32>
      tpu.vector_store_idx %arg6[%shift_right_logical3A_659, %and3A_662], %broadcast_in_dim3A_1 {add = true} : memref<6272x16xf32, #tpu.memory_space<vmem>>[vector<16xi32>, vector<16xi32>], vector<16xf32>,
      %get3A_663 = arith.constant 784 : index
      %get3A_664 = tpu.vector_load %arg7[%get3A_663] {strides = array<i32>} : memref<800xi32, #tpu.memory_space<vmem>>, vector<16xi32>,
      %shift_right_logical3A_665 = arith.constant 4 : i32
      %shift_right_logical3A_666 = vector.broadcast %shift_right_logical3A_665 : i32 to vector<16xi32>
      %shift_right_logical3A_667 = arith.shrui %get3A_664, %shift_right_logical3A_666 : vector<16xi32>
      %and3A_668 = arith.constant 15 : i32
      %and3A_669 = vector.broadcast %and3A_668 : i32 to vector<16xi32>
      %and3A_670 = arith.andi %get3A_664, %and3A_669 : vector<16xi32>
      tpu.vector_store_idx %arg6[%shift_right_logical3A_667, %and3A_670], %broadcast_in_dim3A_1 {add = true} : memref<6272x16xf32, #tpu.memory_space<vmem>>[vector<16xi32>, vector<16xi32>], vector<16xf32>,
      %dma_wait3A_671 = arith.constant 0 : i32
      %dma_wait3A_672 = tpu.memref_slice %arg2[%dma_wait3A_671, %add3A_264] : memref<2x6400000xi32, #tpu.memory_space<hbm>> -> memref<1x800xi32, #tpu.memory_space<hbm>>
      %dma_wait3A_673 = tpu.memref_squeeze %dma_wait3A_672 : memref<1x800xi32, #tpu.memory_space<hbm>> -> memref<800xi32, #tpu.memory_space<hbm>>
      %dma_wait3A_674 = tpu.memref_slice %arg2[%dma_wait3A_671, %add3A_264] : memref<2x6400000xi32, #tpu.memory_space<hbm>> -> memref<1x800xi32, #tpu.memory_space<hbm>>
      %dma_wait3A_675 = tpu.memref_squeeze %dma_wait3A_674 : memref<1x800xi32, #tpu.memory_space<hbm>> -> memref<800xi32, #tpu.memory_space<hbm>>
      tpu.wait_dma2 semaphore(%arg12 : memref<!tpu.dma_semaphore, #tpu.memory_space<semaphore_mem>>) src(%dma_wait3A_675 : memref<800xi32, #tpu.memory_space<hbm>>) dst(%arg8 : memref<800xi32, #tpu.memory_space<vmem>>)
      %get3A_676 = arith.constant 0 : index
      %get3A_677 = tpu.vector_load %arg8[%get3A_676] {strides = array<i32>} : memref<800xi32, #tpu.memory_space<vmem>>, vector<16xi32>,
      %shift_right_logical3A_678 = arith.constant 4 : i32
      %shift_right_logical3A_679 = vector.broadcast %shift_right_logical3A_678 : i32 to vector<16xi32>
      %shift_right_logical3A_680 = arith.shrui %get3A_677, %shift_right_logical3A_679 : vector<16xi32>
      %and3A_681 = arith.constant 15 : i32
      %and3A_682 = vector.broadcast %and3A_681 : i32 to vector<16xi32>
      %and3A_683 = arith.andi %get3A_677, %and3A_682 : vector<16xi32>
      tpu.vector_store_idx %arg6[%shift_right_logical3A_680, %and3A_683], %broadcast_in_dim3A_1 {add = true} : memref<6272x16xf32, #tpu.memory_space<vmem>>[vector<16xi32>, vector<16xi32>], vector<16xf32>,
      %get3A_684 = arith.constant 16 : index
      %get3A_685 = tpu.vector_load %arg8[%get3A_684] {strides = array<i32>} : memref<800xi32, #tpu.memory_space<vmem>>, vector<16xi32>,
      %shift_right_logical3A_686 = arith.constant 4 : i32
      %shift_right_logical3A_687 = vector.broadcast %shift_right_logical3A_686 : i32 to vector<16xi32>
      %shift_right_logical3A_688 = arith.shrui %get3A_685, %shift_right_logical3A_687 : vector<16xi32>
      %and3A_689 = arith.constant 15 : i32
      %and3A_690 = vector.broadcast %and3A_689 : i32 to vector<16xi32>
      %and3A_691 = arith.andi %get3A_685, %and3A_690 : vector<16xi32>
      tpu.vector_store_idx %arg6[%shift_right_logical3A_688, %and3A_691], %broadcast_in_dim3A_1 {add = true} : memref<6272x16xf32, #tpu.memory_space<vmem>>[vector<16xi32>, vector<16xi32>], vector<16xf32>,
      %get3A_692 = arith.constant 32 : index
      %get3A_693 = tpu.vector_load %arg8[%get3A_692] {strides = array<i32>} : memref<800xi32, #tpu.memory_space<vmem>>, vector<16xi32>,
      %shift_right_logical3A_694 = arith.constant 4 : i32
      %shift_right_logical3A_695 = vector.broadcast %shift_right_logical3A_694 : i32 to vector<16xi32>
      %shift_right_logical3A_696 = arith.shrui %get3A_693, %shift_right_logical3A_695 : vector<16xi32>
      %and3A_697 = arith.constant 15 : i32
      %and3A_698 = vector.broadcast %and3A_697 : i32 to vector<16xi32>
      %and3A_699 = arith.andi %get3A_693, %and3A_698 : vector<16xi32>
      tpu.vector_store_idx %arg6[%shift_right_logical3A_696, %and3A_699], %broadcast_in_dim3A_1 {add = true} : memref<6272x16xf32, #tpu.memory_space<vmem>>[vector<16xi32>, vector<16xi32>], vector<16xf32>,
      %get3A_700 = arith.constant 48 : index
      %get3A_701 = tpu.vector_load %arg8[%get3A_700] {strides = array<i32>} : memref<800xi32, #tpu.memory_space<vmem>>, vector<16xi32>,
      %shift_right_logical3A_702 = arith.constant 4 : i32
      %shift_right_logical3A_703 = vector.broadcast %shift_right_logical3A_702 : i32 to vector<16xi32>
      %shift_right_logical3A_704 = arith.shrui %get3A_701, %shift_right_logical3A_703 : vector<16xi32>
      %and3A_705 = arith.constant 15 : i32
      %and3A_706 = vector.broadcast %and3A_705 : i32 to vector<16xi32>
      %and3A_707 = arith.andi %get3A_701, %and3A_706 : vector<16xi32>
      tpu.vector_store_idx %arg6[%shift_right_logical3A_704, %and3A_707], %broadcast_in_dim3A_1 {add = true} : memref<6272x16xf32, #tpu.memory_space<vmem>>[vector<16xi32>, vector<16xi32>], vector<16xf32>,
      %get3A_708 = arith.constant 64 : index
      %get3A_709 = tpu.vector_load %arg8[%get3A_708] {strides = array<i32>} : memref<800xi32, #tpu.memory_space<vmem>>, vector<16xi32>,
      %shift_right_logical3A_710 = arith.constant 4 : i32
      %shift_right_logical3A_711 = vector.broadcast %shift_right_logical3A_710 : i32 to vector<16xi32>
      %shift_right_logical3A_712 = arith.shrui %get3A_709, %shift_right_logical3A_711 : vector<16xi32>
      %and3A_713 = arith.constant 15 : i32
      %and3A_714 = vector.broadcast %and3A_713 : i32 to vector<16xi32>
      %and3A_715 = arith.andi %get3A_709, %and3A_714 : vector<16xi32>
      tpu.vector_store_idx %arg6[%shift_right_logical3A_712, %and3A_715], %broadcast_in_dim3A_1 {add = true} : memref<6272x16xf32, #tpu.memory_space<vmem>>[vector<16xi32>, vector<16xi32>], vector<16xf32>,
      %get3A_716 = arith.constant 80 : index
      %get3A_717 = tpu.vector_load %arg8[%get3A_716] {strides = array<i32>} : memref<800xi32, #tpu.memory_space<vmem>>, vector<16xi32>,
      %shift_right_logical3A_718 = arith.constant 4 : i32
      %shift_right_logical3A_719 = vector.broadcast %shift_right_logical3A_718 : i32 to vector<16xi32>
      %shift_right_logical3A_720 = arith.shrui %get3A_717, %shift_right_logical3A_719 : vector<16xi32>
      %and3A_721 = arith.constant 15 : i32
      %and3A_722 = vector.broadcast %and3A_721 : i32 to vector<16xi32>
      %and3A_723 = arith.andi %get3A_717, %and3A_722 : vector<16xi32>
      tpu.vector_store_idx %arg6[%shift_right_logical3A_720, %and3A_723], %broadcast_in_dim3A_1 {add = true} : memref<6272x16xf32, #tpu.memory_space<vmem>>[vector<16xi32>, vector<16xi32>], vector<16xf32>,
      %get3A_724 = arith.constant 96 : index
      %get3A_725 = tpu.vector_load %arg8[%get3A_724] {strides = array<i32>} : memref<800xi32, #tpu.memory_space<vmem>>, vector<16xi32>,
      %shift_right_logical3A_726 = arith.constant 4 : i32
      %shift_right_logical3A_727 = vector.broadcast %shift_right_logical3A_726 : i32 to vector<16xi32>
      %shift_right_logical3A_728 = arith.shrui %get3A_725, %shift_right_logical3A_727 : vector<16xi32>
      %and3A_729 = arith.constant 15 : i32
      %and3A_730 = vector.broadcast %and3A_729 : i32 to vector<16xi32>
      %and3A_731 = arith.andi %get3A_725, %and3A_730 : vector<16xi32>
      tpu.vector_store_idx %arg6[%shift_right_logical3A_728, %and3A_731], %broadcast_in_dim3A_1 {add = true} : memref<6272x16xf32, #tpu.memory_space<vmem>>[vector<16xi32>, vector<16xi32>], vector<16xf32>,
      %get3A_732 = arith.constant 112 : index
      %get3A_733 = tpu.vector_load %arg8[%get3A_732] {strides = array<i32>} : memref<800xi32, #tpu.memory_space<vmem>>, vector<16xi32>,
      %shift_right_logical3A_734 = arith.constant 4 : i32
      %shift_right_logical3A_735 = vector.broadcast %shift_right_logical3A_734 : i32 to vector<16xi32>
      %shift_right_logical3A_736 = arith.shrui %get3A_733, %shift_right_logical3A_735 : vector<16xi32>
      %and3A_737 = arith.constant 15 : i32
      %and3A_738 = vector.broadcast %and3A_737 : i32 to vector<16xi32>
      %and3A_739 = arith.andi %get3A_733, %and3A_738 : vector<16xi32>
      tpu.vector_store_idx %arg6[%shift_right_logical3A_736, %and3A_739], %broadcast_in_dim3A_1 {add = true} : memref<6272x16xf32, #tpu.memory_space<vmem>>[vector<16xi32>, vector<16xi32>], vector<16xf32>,
      %get3A_740 = arith.constant 128 : index
      %get3A_741 = tpu.vector_load %arg8[%get3A_740] {strides = array<i32>} : memref<800xi32, #tpu.memory_space<vmem>>, vector<16xi32>,
      %shift_right_logical3A_742 = arith.constant 4 : i32
      %shift_right_logical3A_743 = vector.broadcast %shift_right_logical3A_742 : i32 to vector<16xi32>
      %shift_right_logical3A_744 = arith.shrui %get3A_741, %shift_right_logical3A_743 : vector<16xi32>
      %and3A_745 = arith.constant 15 : i32
      %and3A_746 = vector.broadcast %and3A_745 : i32 to vector<16xi32>
      %and3A_747 = arith.andi %get3A_741, %and3A_746 : vector<16xi32>
      tpu.vector_store_idx %arg6[%shift_right_logical3A_744, %and3A_747], %broadcast_in_dim3A_1 {add = true} : memref<6272x16xf32, #tpu.memory_space<vmem>>[vector<16xi32>, vector<16xi32>], vector<16xf32>,
      %get3A_748 = arith.constant 144 : index
      %get3A_749 = tpu.vector_load %arg8[%get3A_748] {strides = array<i32>} : memref<800xi32, #tpu.memory_space<vmem>>, vector<16xi32>,
      %shift_right_logical3A_750 = arith.constant 4 : i32
      %shift_right_logical3A_751 = vector.broadcast %shift_right_logical3A_750 : i32 to vector<16xi32>
      %shift_right_logical3A_752 = arith.shrui %get3A_749, %shift_right_logical3A_751 : vector<16xi32>
      %and3A_753 = arith.constant 15 : i32
      %and3A_754 = vector.broadcast %and3A_753 : i32 to vector<16xi32>
      %and3A_755 = arith.andi %get3A_749, %and3A_754 : vector<16xi32>
      tpu.vector_store_idx %arg6[%shift_right_logical3A_752, %and3A_755], %broadcast_in_dim3A_1 {add = true} : memref<6272x16xf32, #tpu.memory_space<vmem>>[vector<16xi32>, vector<16xi32>], vector<16xf32>,
      %get3A_756 = arith.constant 160 : index
      %get3A_757 = tpu.vector_load %arg8[%get3A_756] {strides = array<i32>} : memref<800xi32, #tpu.memory_space<vmem>>, vector<16xi32>,
      %shift_right_logical3A_758 = arith.constant 4 : i32
      %shift_right_logical3A_759 = vector.broadcast %shift_right_logical3A_758 : i32 to vector<16xi32>
      %shift_right_logical3A_760 = arith.shrui %get3A_757, %shift_right_logical3A_759 : vector<16xi32>
      %and3A_761 = arith.constant 15 : i32
      %and3A_762 = vector.broadcast %and3A_761 : i32 to vector<16xi32>
      %and3A_763 = arith.andi %get3A_757, %and3A_762 : vector<16xi32>
      tpu.vector_store_idx %arg6[%shift_right_logical3A_760, %and3A_763], %broadcast_in_dim3A_1 {add = true} : memref<6272x16xf32, #tpu.memory_space<vmem>>[vector<16xi32>, vector<16xi32>], vector<16xf32>,
      %get3A_764 = arith.constant 176 : index
      %get3A_765 = tpu.vector_load %arg8[%get3A_764] {strides = array<i32>} : memref<800xi32, #tpu.memory_space<vmem>>, vector<16xi32>,
      %shift_right_logical3A_766 = arith.constant 4 : i32
      %shift_right_logical3A_767 = vector.broadcast %shift_right_logical3A_766 : i32 to vector<16xi32>
      %shift_right_logical3A_768 = arith.shrui %get3A_765, %shift_right_logical3A_767 : vector<16xi32>
      %and3A_769 = arith.constant 15 : i32
      %and3A_770 = vector.broadcast %and3A_769 : i32 to vector<16xi32>
      %and3A_771 = arith.andi %get3A_765, %and3A_770 : vector<16xi32>
      tpu.vector_store_idx %arg6[%shift_right_logical3A_768, %and3A_771], %broadcast_in_dim3A_1 {add = true} : memref<6272x16xf32, #tpu.memory_space<vmem>>[vector<16xi32>, vector<16xi32>], vector<16xf32>,
      %get3A_772 = arith.constant 192 : index
      %get3A_773 = tpu.vector_load %arg8[%get3A_772] {strides = array<i32>} : memref<800xi32, #tpu.memory_space<vmem>>, vector<16xi32>,
      %shift_right_logical3A_774 = arith.constant 4 : i32
      %shift_right_logical3A_775 = vector.broadcast %shift_right_logical3A_774 : i32 to vector<16xi32>
      %shift_right_logical3A_776 = arith.shrui %get3A_773, %shift_right_logical3A_775 : vector<16xi32>
      %and3A_777 = arith.constant 15 : i32
      %and3A_778 = vector.broadcast %and3A_777 : i32 to vector<16xi32>
      %and3A_779 = arith.andi %get3A_773, %and3A_778 : vector<16xi32>
      tpu.vector_store_idx %arg6[%shift_right_logical3A_776, %and3A_779], %broadcast_in_dim3A_1 {add = true} : memref<6272x16xf32, #tpu.memory_space<vmem>>[vector<16xi32>, vector<16xi32>], vector<16xf32>,
      %get3A_780 = arith.constant 208 : index
      %get3A_781 = tpu.vector_load %arg8[%get3A_780] {strides = array<i32>} : memref<800xi32, #tpu.memory_space<vmem>>, vector<16xi32>,
      %shift_right_logical3A_782 = arith.constant 4 : i32
      %shift_right_logical3A_783 = vector.broadcast %shift_right_logical3A_782 : i32 to vector<16xi32>
      %shift_right_logical3A_784 = arith.shrui %get3A_781, %shift_right_logical3A_783 : vector<16xi32>
      %and3A_785 = arith.constant 15 : i32
      %and3A_786 = vector.broadcast %and3A_785 : i32 to vector<16xi32>
      %and3A_787 = arith.andi %get3A_781, %and3A_786 : vector<16xi32>
      tpu.vector_store_idx %arg6[%shift_right_logical3A_784, %and3A_787], %broadcast_in_dim3A_1 {add = true} : memref<6272x16xf32, #tpu.memory_space<vmem>>[vector<16xi32>, vector<16xi32>], vector<16xf32>,
      %get3A_788 = arith.constant 224 : index
      %get3A_789 = tpu.vector_load %arg8[%get3A_788] {strides = array<i32>} : memref<800xi32, #tpu.memory_space<vmem>>, vector<16xi32>,
      %shift_right_logical3A_790 = arith.constant 4 : i32
      %shift_right_logical3A_791 = vector.broadcast %shift_right_logical3A_790 : i32 to vector<16xi32>
      %shift_right_logical3A_792 = arith.shrui %get3A_789, %shift_right_logical3A_791 : vector<16xi32>
      %and3A_793 = arith.constant 15 : i32
      %and3A_794 = vector.broadcast %and3A_793 : i32 to vector<16xi32>
      %and3A_795 = arith.andi %get3A_789, %and3A_794 : vector<16xi32>
      tpu.vector_store_idx %arg6[%shift_right_logical3A_792, %and3A_795], %broadcast_in_dim3A_1 {add = true} : memref<6272x16xf32, #tpu.memory_space<vmem>>[vector<16xi32>, vector<16xi32>], vector<16xf32>,
      %get3A_796 = arith.constant 240 : index
      %get3A_797 = tpu.vector_load %arg8[%get3A_796] {strides = array<i32>} : memref<800xi32, #tpu.memory_space<vmem>>, vector<16xi32>,
      %shift_right_logical3A_798 = arith.constant 4 : i32
      %shift_right_logical3A_799 = vector.broadcast %shift_right_logical3A_798 : i32 to vector<16xi32>
      %shift_right_logical3A_800 = arith.shrui %get3A_797, %shift_right_logical3A_799 : vector<16xi32>
      %and3A_801 = arith.constant 15 : i32
      %and3A_802 = vector.broadcast %and3A_801 : i32 to vector<16xi32>
      %and3A_803 = arith.andi %get3A_797, %and3A_802 : vector<16xi32>
      tpu.vector_store_idx %arg6[%shift_right_logical3A_800, %and3A_803], %broadcast_in_dim3A_1 {add = true} : memref<6272x16xf32, #tpu.memory_space<vmem>>[vector<16xi32>, vector<16xi32>], vector<16xf32>,
      %get3A_804 = arith.constant 256 : index
      %get3A_805 = tpu.vector_load %arg8[%get3A_804] {strides = array<i32>} : memref<800xi32, #tpu.memory_space<vmem>>, vector<16xi32>,
      %shift_right_logical3A_806 = arith.constant 4 : i32
      %shift_right_logical3A_807 = vector.broadcast %shift_right_logical3A_806 : i32 to vector<16xi32>
      %shift_right_logical3A_808 = arith.shrui %get3A_805, %shift_right_logical3A_807 : vector<16xi32>
      %and3A_809 = arith.constant 15 : i32
      %and3A_810 = vector.broadcast %and3A_809 : i32 to vector<16xi32>
      %and3A_811 = arith.andi %get3A_805, %and3A_810 : vector<16xi32>
      tpu.vector_store_idx %arg6[%shift_right_logical3A_808, %and3A_811], %broadcast_in_dim3A_1 {add = true} : memref<6272x16xf32, #tpu.memory_space<vmem>>[vector<16xi32>, vector<16xi32>], vector<16xf32>,
      %get3A_812 = arith.constant 272 : index
      %get3A_813 = tpu.vector_load %arg8[%get3A_812] {strides = array<i32>} : memref<800xi32, #tpu.memory_space<vmem>>, vector<16xi32>,
      %shift_right_logical3A_814 = arith.constant 4 : i32
      %shift_right_logical3A_815 = vector.broadcast %shift_right_logical3A_814 : i32 to vector<16xi32>
      %shift_right_logical3A_816 = arith.shrui %get3A_813, %shift_right_logical3A_815 : vector<16xi32>
      %and3A_817 = arith.constant 15 : i32
      %and3A_818 = vector.broadcast %and3A_817 : i32 to vector<16xi32>
      %and3A_819 = arith.andi %get3A_813, %and3A_818 : vector<16xi32>
      tpu.vector_store_idx %arg6[%shift_right_logical3A_816, %and3A_819], %broadcast_in_dim3A_1 {add = true} : memref<6272x16xf32, #tpu.memory_space<vmem>>[vector<16xi32>, vector<16xi32>], vector<16xf32>,
      %get3A_820 = arith.constant 288 : index
      %get3A_821 = tpu.vector_load %arg8[%get3A_820] {strides = array<i32>} : memref<800xi32, #tpu.memory_space<vmem>>, vector<16xi32>,
      %shift_right_logical3A_822 = arith.constant 4 : i32
      %shift_right_logical3A_823 = vector.broadcast %shift_right_logical3A_822 : i32 to vector<16xi32>
      %shift_right_logical3A_824 = arith.shrui %get3A_821, %shift_right_logical3A_823 : vector<16xi32>
      %and3A_825 = arith.constant 15 : i32
      %and3A_826 = vector.broadcast %and3A_825 : i32 to vector<16xi32>
      %and3A_827 = arith.andi %get3A_821, %and3A_826 : vector<16xi32>
      tpu.vector_store_idx %arg6[%shift_right_logical3A_824, %and3A_827], %broadcast_in_dim3A_1 {add = true} : memref<6272x16xf32, #tpu.memory_space<vmem>>[vector<16xi32>, vector<16xi32>], vector<16xf32>,
      %get3A_828 = arith.constant 304 : index
      %get3A_829 = tpu.vector_load %arg8[%get3A_828] {strides = array<i32>} : memref<800xi32, #tpu.memory_space<vmem>>, vector<16xi32>,
      %shift_right_logical3A_830 = arith.constant 4 : i32
      %shift_right_logical3A_831 = vector.broadcast %shift_right_logical3A_830 : i32 to vector<16xi32>
      %shift_right_logical3A_832 = arith.shrui %get3A_829, %shift_right_logical3A_831 : vector<16xi32>
      %and3A_833 = arith.constant 15 : i32
      %and3A_834 = vector.broadcast %and3A_833 : i32 to vector<16xi32>
      %and3A_835 = arith.andi %get3A_829, %and3A_834 : vector<16xi32>
      tpu.vector_store_idx %arg6[%shift_right_logical3A_832, %and3A_835], %broadcast_in_dim3A_1 {add = true} : memref<6272x16xf32, #tpu.memory_space<vmem>>[vector<16xi32>, vector<16xi32>], vector<16xf32>,
      %get3A_836 = arith.constant 320 : index
      %get3A_837 = tpu.vector_load %arg8[%get3A_836] {strides = array<i32>} : memref<800xi32, #tpu.memory_space<vmem>>, vector<16xi32>,
      %shift_right_logical3A_838 = arith.constant 4 : i32
      %shift_right_logical3A_839 = vector.broadcast %shift_right_logical3A_838 : i32 to vector<16xi32>
      %shift_right_logical3A_840 = arith.shrui %get3A_837, %shift_right_logical3A_839 : vector<16xi32>
      %and3A_841 = arith.constant 15 : i32
      %and3A_842 = vector.broadcast %and3A_841 : i32 to vector<16xi32>
      %and3A_843 = arith.andi %get3A_837, %and3A_842 : vector<16xi32>
      tpu.vector_store_idx %arg6[%shift_right_logical3A_840, %and3A_843], %broadcast_in_dim3A_1 {add = true} : memref<6272x16xf32, #tpu.memory_space<vmem>>[vector<16xi32>, vector<16xi32>], vector<16xf32>,
      %get3A_844 = arith.constant 336 : index
      %get3A_845 = tpu.vector_load %arg8[%get3A_844] {strides = array<i32>} : memref<800xi32, #tpu.memory_space<vmem>>, vector<16xi32>,
      %shift_right_logical3A_846 = arith.constant 4 : i32
      %shift_right_logical3A_847 = vector.broadcast %shift_right_logical3A_846 : i32 to vector<16xi32>
      %shift_right_logical3A_848 = arith.shrui %get3A_845, %shift_right_logical3A_847 : vector<16xi32>
      %and3A_849 = arith.constant 15 : i32
      %and3A_850 = vector.broadcast %and3A_849 : i32 to vector<16xi32>
      %and3A_851 = arith.andi %get3A_845, %and3A_850 : vector<16xi32>
      tpu.vector_store_idx %arg6[%shift_right_logical3A_848, %and3A_851], %broadcast_in_dim3A_1 {add = true} : memref<6272x16xf32, #tpu.memory_space<vmem>>[vector<16xi32>, vector<16xi32>], vector<16xf32>,
      %get3A_852 = arith.constant 352 : index
      %get3A_853 = tpu.vector_load %arg8[%get3A_852] {strides = array<i32>} : memref<800xi32, #tpu.memory_space<vmem>>, vector<16xi32>,
      %shift_right_logical3A_854 = arith.constant 4 : i32
      %shift_right_logical3A_855 = vector.broadcast %shift_right_logical3A_854 : i32 to vector<16xi32>
      %shift_right_logical3A_856 = arith.shrui %get3A_853, %shift_right_logical3A_855 : vector<16xi32>
      %and3A_857 = arith.constant 15 : i32
      %and3A_858 = vector.broadcast %and3A_857 : i32 to vector<16xi32>
      %and3A_859 = arith.andi %get3A_853, %and3A_858 : vector<16xi32>
      tpu.vector_store_idx %arg6[%shift_right_logical3A_856, %and3A_859], %broadcast_in_dim3A_1 {add = true} : memref<6272x16xf32, #tpu.memory_space<vmem>>[vector<16xi32>, vector<16xi32>], vector<16xf32>,
      %get3A_860 = arith.constant 368 : index
      %get3A_861 = tpu.vector_load %arg8[%get3A_860] {strides = array<i32>} : memref<800xi32, #tpu.memory_space<vmem>>, vector<16xi32>,
      %shift_right_logical3A_862 = arith.constant 4 : i32
      %shift_right_logical3A_863 = vector.broadcast %shift_right_logical3A_862 : i32 to vector<16xi32>
      %shift_right_logical3A_864 = arith.shrui %get3A_861, %shift_right_logical3A_863 : vector<16xi32>
      %and3A_865 = arith.constant 15 : i32
      %and3A_866 = vector.broadcast %and3A_865 : i32 to vector<16xi32>
      %and3A_867 = arith.andi %get3A_861, %and3A_866 : vector<16xi32>
      tpu.vector_store_idx %arg6[%shift_right_logical3A_864, %and3A_867], %broadcast_in_dim3A_1 {add = true} : memref<6272x16xf32, #tpu.memory_space<vmem>>[vector<16xi32>, vector<16xi32>], vector<16xf32>,
      %get3A_868 = arith.constant 384 : index
      %get3A_869 = tpu.vector_load %arg8[%get3A_868] {strides = array<i32>} : memref<800xi32, #tpu.memory_space<vmem>>, vector<16xi32>,
      %shift_right_logical3A_870 = arith.constant 4 : i32
      %shift_right_logical3A_871 = vector.broadcast %shift_right_logical3A_870 : i32 to vector<16xi32>
      %shift_right_logical3A_872 = arith.shrui %get3A_869, %shift_right_logical3A_871 : vector<16xi32>
      %and3A_873 = arith.constant 15 : i32
      %and3A_874 = vector.broadcast %and3A_873 : i32 to vector<16xi32>
      %and3A_875 = arith.andi %get3A_869, %and3A_874 : vector<16xi32>
      tpu.vector_store_idx %arg6[%shift_right_logical3A_872, %and3A_875], %broadcast_in_dim3A_1 {add = true} : memref<6272x16xf32, #tpu.memory_space<vmem>>[vector<16xi32>, vector<16xi32>], vector<16xf32>,
      %get3A_876 = arith.constant 400 : index
      %get3A_877 = tpu.vector_load %arg8[%get3A_876] {strides = array<i32>} : memref<800xi32, #tpu.memory_space<vmem>>, vector<16xi32>,
      %shift_right_logical3A_878 = arith.constant 4 : i32
      %shift_right_logical3A_879 = vector.broadcast %shift_right_logical3A_878 : i32 to vector<16xi32>
      %shift_right_logical3A_880 = arith.shrui %get3A_877, %shift_right_logical3A_879 : vector<16xi32>
      %and3A_881 = arith.constant 15 : i32
      %and3A_882 = vector.broadcast %and3A_881 : i32 to vector<16xi32>
      %and3A_883 = arith.andi %get3A_877, %and3A_882 : vector<16xi32>
      tpu.vector_store_idx %arg6[%shift_right_logical3A_880, %and3A_883], %broadcast_in_dim3A_1 {add = true} : memref<6272x16xf32, #tpu.memory_space<vmem>>[vector<16xi32>, vector<16xi32>], vector<16xf32>,
      %get3A_884 = arith.constant 416 : index
      %get3A_885 = tpu.vector_load %arg8[%get3A_884] {strides = array<i32>} : memref<800xi32, #tpu.memory_space<vmem>>, vector<16xi32>,
      %shift_right_logical3A_886 = arith.constant 4 : i32
      %shift_right_logical3A_887 = vector.broadcast %shift_right_logical3A_886 : i32 to vector<16xi32>
      %shift_right_logical3A_888 = arith.shrui %get3A_885, %shift_right_logical3A_887 : vector<16xi32>
      %and3A_889 = arith.constant 15 : i32
      %and3A_890 = vector.broadcast %and3A_889 : i32 to vector<16xi32>
      %and3A_891 = arith.andi %get3A_885, %and3A_890 : vector<16xi32>
      tpu.vector_store_idx %arg6[%shift_right_logical3A_888, %and3A_891], %broadcast_in_dim3A_1 {add = true} : memref<6272x16xf32, #tpu.memory_space<vmem>>[vector<16xi32>, vector<16xi32>], vector<16xf32>,
      %get3A_892 = arith.constant 432 : index
      %get3A_893 = tpu.vector_load %arg8[%get3A_892] {strides = array<i32>} : memref<800xi32, #tpu.memory_space<vmem>>, vector<16xi32>,
      %shift_right_logical3A_894 = arith.constant 4 : i32
      %shift_right_logical3A_895 = vector.broadcast %shift_right_logical3A_894 : i32 to vector<16xi32>
      %shift_right_logical3A_896 = arith.shrui %get3A_893, %shift_right_logical3A_895 : vector<16xi32>
      %and3A_897 = arith.constant 15 : i32
      %and3A_898 = vector.broadcast %and3A_897 : i32 to vector<16xi32>
      %and3A_899 = arith.andi %get3A_893, %and3A_898 : vector<16xi32>
      tpu.vector_store_idx %arg6[%shift_right_logical3A_896, %and3A_899], %broadcast_in_dim3A_1 {add = true} : memref<6272x16xf32, #tpu.memory_space<vmem>>[vector<16xi32>, vector<16xi32>], vector<16xf32>,
      %get3A_900 = arith.constant 448 : index
      %get3A_901 = tpu.vector_load %arg8[%get3A_900] {strides = array<i32>} : memref<800xi32, #tpu.memory_space<vmem>>, vector<16xi32>,
      %shift_right_logical3A_902 = arith.constant 4 : i32
      %shift_right_logical3A_903 = vector.broadcast %shift_right_logical3A_902 : i32 to vector<16xi32>
      %shift_right_logical3A_904 = arith.shrui %get3A_901, %shift_right_logical3A_903 : vector<16xi32>
      %and3A_905 = arith.constant 15 : i32
      %and3A_906 = vector.broadcast %and3A_905 : i32 to vector<16xi32>
      %and3A_907 = arith.andi %get3A_901, %and3A_906 : vector<16xi32>
      tpu.vector_store_idx %arg6[%shift_right_logical3A_904, %and3A_907], %broadcast_in_dim3A_1 {add = true} : memref<6272x16xf32, #tpu.memory_space<vmem>>[vector<16xi32>, vector<16xi32>], vector<16xf32>,
      %get3A_908 = arith.constant 464 : index
      %get3A_909 = tpu.vector_load %arg8[%get3A_908] {strides = array<i32>} : memref<800xi32, #tpu.memory_space<vmem>>, vector<16xi32>,
      %shift_right_logical3A_910 = arith.constant 4 : i32
      %shift_right_logical3A_911 = vector.broadcast %shift_right_logical3A_910 : i32 to vector<16xi32>
      %shift_right_logical3A_912 = arith.shrui %get3A_909, %shift_right_logical3A_911 : vector<16xi32>
      %and3A_913 = arith.constant 15 : i32
      %and3A_914 = vector.broadcast %and3A_913 : i32 to vector<16xi32>
      %and3A_915 = arith.andi %get3A_909, %and3A_914 : vector<16xi32>
      tpu.vector_store_idx %arg6[%shift_right_logical3A_912, %and3A_915], %broadcast_in_dim3A_1 {add = true} : memref<6272x16xf32, #tpu.memory_space<vmem>>[vector<16xi32>, vector<16xi32>], vector<16xf32>,
      %get3A_916 = arith.constant 480 : index
      %get3A_917 = tpu.vector_load %arg8[%get3A_916] {strides = array<i32>} : memref<800xi32, #tpu.memory_space<vmem>>, vector<16xi32>,
      %shift_right_logical3A_918 = arith.constant 4 : i32
      %shift_right_logical3A_919 = vector.broadcast %shift_right_logical3A_918 : i32 to vector<16xi32>
      %shift_right_logical3A_920 = arith.shrui %get3A_917, %shift_right_logical3A_919 : vector<16xi32>
      %and3A_921 = arith.constant 15 : i32
      %and3A_922 = vector.broadcast %and3A_921 : i32 to vector<16xi32>
      %and3A_923 = arith.andi %get3A_917, %and3A_922 : vector<16xi32>
      tpu.vector_store_idx %arg6[%shift_right_logical3A_920, %and3A_923], %broadcast_in_dim3A_1 {add = true} : memref<6272x16xf32, #tpu.memory_space<vmem>>[vector<16xi32>, vector<16xi32>], vector<16xf32>,
      %get3A_924 = arith.constant 496 : index
      %get3A_925 = tpu.vector_load %arg8[%get3A_924] {strides = array<i32>} : memref<800xi32, #tpu.memory_space<vmem>>, vector<16xi32>,
      %shift_right_logical3A_926 = arith.constant 4 : i32
      %shift_right_logical3A_927 = vector.broadcast %shift_right_logical3A_926 : i32 to vector<16xi32>
      %shift_right_logical3A_928 = arith.shrui %get3A_925, %shift_right_logical3A_927 : vector<16xi32>
      %and3A_929 = arith.constant 15 : i32
      %and3A_930 = vector.broadcast %and3A_929 : i32 to vector<16xi32>
      %and3A_931 = arith.andi %get3A_925, %and3A_930 : vector<16xi32>
      tpu.vector_store_idx %arg6[%shift_right_logical3A_928, %and3A_931], %broadcast_in_dim3A_1 {add = true} : memref<6272x16xf32, #tpu.memory_space<vmem>>[vector<16xi32>, vector<16xi32>], vector<16xf32>,
      %get3A_932 = arith.constant 512 : index
      %get3A_933 = tpu.vector_load %arg8[%get3A_932] {strides = array<i32>} : memref<800xi32, #tpu.memory_space<vmem>>, vector<16xi32>,
      %shift_right_logical3A_934 = arith.constant 4 : i32
      %shift_right_logical3A_935 = vector.broadcast %shift_right_logical3A_934 : i32 to vector<16xi32>
      %shift_right_logical3A_936 = arith.shrui %get3A_933, %shift_right_logical3A_935 : vector<16xi32>
      %and3A_937 = arith.constant 15 : i32
      %and3A_938 = vector.broadcast %and3A_937 : i32 to vector<16xi32>
      %and3A_939 = arith.andi %get3A_933, %and3A_938 : vector<16xi32>
      tpu.vector_store_idx %arg6[%shift_right_logical3A_936, %and3A_939], %broadcast_in_dim3A_1 {add = true} : memref<6272x16xf32, #tpu.memory_space<vmem>>[vector<16xi32>, vector<16xi32>], vector<16xf32>,
      %get3A_940 = arith.constant 528 : index
      %get3A_941 = tpu.vector_load %arg8[%get3A_940] {strides = array<i32>} : memref<800xi32, #tpu.memory_space<vmem>>, vector<16xi32>,
      %shift_right_logical3A_942 = arith.constant 4 : i32
      %shift_right_logical3A_943 = vector.broadcast %shift_right_logical3A_942 : i32 to vector<16xi32>
      %shift_right_logical3A_944 = arith.shrui %get3A_941, %shift_right_logical3A_943 : vector<16xi32>
      %and3A_945 = arith.constant 15 : i32
      %and3A_946 = vector.broadcast %and3A_945 : i32 to vector<16xi32>
      %and3A_947 = arith.andi %get3A_941, %and3A_946 : vector<16xi32>
      tpu.vector_store_idx %arg6[%shift_right_logical3A_944, %and3A_947], %broadcast_in_dim3A_1 {add = true} : memref<6272x16xf32, #tpu.memory_space<vmem>>[vector<16xi32>, vector<16xi32>], vector<16xf32>,
      %get3A_948 = arith.constant 544 : index
      %get3A_949 = tpu.vector_load %arg8[%get3A_948] {strides = array<i32>} : memref<800xi32, #tpu.memory_space<vmem>>, vector<16xi32>,
      %shift_right_logical3A_950 = arith.constant 4 : i32
      %shift_right_logical3A_951 = vector.broadcast %shift_right_logical3A_950 : i32 to vector<16xi32>
      %shift_right_logical3A_952 = arith.shrui %get3A_949, %shift_right_logical3A_951 : vector<16xi32>
      %and3A_953 = arith.constant 15 : i32
      %and3A_954 = vector.broadcast %and3A_953 : i32 to vector<16xi32>
      %and3A_955 = arith.andi %get3A_949, %and3A_954 : vector<16xi32>
      tpu.vector_store_idx %arg6[%shift_right_logical3A_952, %and3A_955], %broadcast_in_dim3A_1 {add = true} : memref<6272x16xf32, #tpu.memory_space<vmem>>[vector<16xi32>, vector<16xi32>], vector<16xf32>,
      %get3A_956 = arith.constant 560 : index
      %get3A_957 = tpu.vector_load %arg8[%get3A_956] {strides = array<i32>} : memref<800xi32, #tpu.memory_space<vmem>>, vector<16xi32>,
      %shift_right_logical3A_958 = arith.constant 4 : i32
      %shift_right_logical3A_959 = vector.broadcast %shift_right_logical3A_958 : i32 to vector<16xi32>
      %shift_right_logical3A_960 = arith.shrui %get3A_957, %shift_right_logical3A_959 : vector<16xi32>
      %and3A_961 = arith.constant 15 : i32
      %and3A_962 = vector.broadcast %and3A_961 : i32 to vector<16xi32>
      %and3A_963 = arith.andi %get3A_957, %and3A_962 : vector<16xi32>
      tpu.vector_store_idx %arg6[%shift_right_logical3A_960, %and3A_963], %broadcast_in_dim3A_1 {add = true} : memref<6272x16xf32, #tpu.memory_space<vmem>>[vector<16xi32>, vector<16xi32>], vector<16xf32>,
      %get3A_964 = arith.constant 576 : index
      %get3A_965 = tpu.vector_load %arg8[%get3A_964] {strides = array<i32>} : memref<800xi32, #tpu.memory_space<vmem>>, vector<16xi32>,
      %shift_right_logical3A_966 = arith.constant 4 : i32
      %shift_right_logical3A_967 = vector.broadcast %shift_right_logical3A_966 : i32 to vector<16xi32>
      %shift_right_logical3A_968 = arith.shrui %get3A_965, %shift_right_logical3A_967 : vector<16xi32>
      %and3A_969 = arith.constant 15 : i32
      %and3A_970 = vector.broadcast %and3A_969 : i32 to vector<16xi32>
      %and3A_971 = arith.andi %get3A_965, %and3A_970 : vector<16xi32>
      tpu.vector_store_idx %arg6[%shift_right_logical3A_968, %and3A_971], %broadcast_in_dim3A_1 {add = true} : memref<6272x16xf32, #tpu.memory_space<vmem>>[vector<16xi32>, vector<16xi32>], vector<16xf32>,
      %get3A_972 = arith.constant 592 : index
      %get3A_973 = tpu.vector_load %arg8[%get3A_972] {strides = array<i32>} : memref<800xi32, #tpu.memory_space<vmem>>, vector<16xi32>,
      %shift_right_logical3A_974 = arith.constant 4 : i32
      %shift_right_logical3A_975 = vector.broadcast %shift_right_logical3A_974 : i32 to vector<16xi32>
      %shift_right_logical3A_976 = arith.shrui %get3A_973, %shift_right_logical3A_975 : vector<16xi32>
      %and3A_977 = arith.constant 15 : i32
      %and3A_978 = vector.broadcast %and3A_977 : i32 to vector<16xi32>
      %and3A_979 = arith.andi %get3A_973, %and3A_978 : vector<16xi32>
      tpu.vector_store_idx %arg6[%shift_right_logical3A_976, %and3A_979], %broadcast_in_dim3A_1 {add = true} : memref<6272x16xf32, #tpu.memory_space<vmem>>[vector<16xi32>, vector<16xi32>], vector<16xf32>,
      %get3A_980 = arith.constant 608 : index
      %get3A_981 = tpu.vector_load %arg8[%get3A_980] {strides = array<i32>} : memref<800xi32, #tpu.memory_space<vmem>>, vector<16xi32>,
      %shift_right_logical3A_982 = arith.constant 4 : i32
      %shift_right_logical3A_983 = vector.broadcast %shift_right_logical3A_982 : i32 to vector<16xi32>
      %shift_right_logical3A_984 = arith.shrui %get3A_981, %shift_right_logical3A_983 : vector<16xi32>
      %and3A_985 = arith.constant 15 : i32
      %and3A_986 = vector.broadcast %and3A_985 : i32 to vector<16xi32>
      %and3A_987 = arith.andi %get3A_981, %and3A_986 : vector<16xi32>
      tpu.vector_store_idx %arg6[%shift_right_logical3A_984, %and3A_987], %broadcast_in_dim3A_1 {add = true} : memref<6272x16xf32, #tpu.memory_space<vmem>>[vector<16xi32>, vector<16xi32>], vector<16xf32>,
      %get3A_988 = arith.constant 624 : index
      %get3A_989 = tpu.vector_load %arg8[%get3A_988] {strides = array<i32>} : memref<800xi32, #tpu.memory_space<vmem>>, vector<16xi32>,
      %shift_right_logical3A_990 = arith.constant 4 : i32
      %shift_right_logical3A_991 = vector.broadcast %shift_right_logical3A_990 : i32 to vector<16xi32>
      %shift_right_logical3A_992 = arith.shrui %get3A_989, %shift_right_logical3A_991 : vector<16xi32>
      %and3A_993 = arith.constant 15 : i32
      %and3A_994 = vector.broadcast %and3A_993 : i32 to vector<16xi32>
      %and3A_995 = arith.andi %get3A_989, %and3A_994 : vector<16xi32>
      tpu.vector_store_idx %arg6[%shift_right_logical3A_992, %and3A_995], %broadcast_in_dim3A_1 {add = true} : memref<6272x16xf32, #tpu.memory_space<vmem>>[vector<16xi32>, vector<16xi32>], vector<16xf32>,
      %get3A_996 = arith.constant 640 : index
      %get3A_997 = tpu.vector_load %arg8[%get3A_996] {strides = array<i32>} : memref<800xi32, #tpu.memory_space<vmem>>, vector<16xi32>,
      %shift_right_logical3A_998 = arith.constant 4 : i32
      %shift_right_logical3A_999 = vector.broadcast %shift_right_logical3A_998 : i32 to vector<16xi32>
      %shift_right_logical3A_1000 = arith.shrui %get3A_997, %shift_right_logical3A_999 : vector<16xi32>
      %and3A_1001 = arith.constant 15 : i32
      %and3A_1002 = vector.broadcast %and3A_1001 : i32 to vector<16xi32>
      %and3A_1003 = arith.andi %get3A_997, %and3A_1002 : vector<16xi32>
      tpu.vector_store_idx %arg6[%shift_right_logical3A_1000, %and3A_1003], %broadcast_in_dim3A_1 {add = true} : memref<6272x16xf32, #tpu.memory_space<vmem>>[vector<16xi32>, vector<16xi32>], vector<16xf32>,
      %get3A_1004 = arith.constant 656 : index
      %get3A_1005 = tpu.vector_load %arg8[%get3A_1004] {strides = array<i32>} : memref<800xi32, #tpu.memory_space<vmem>>, vector<16xi32>,
      %shift_right_logical3A_1006 = arith.constant 4 : i32
      %shift_right_logical3A_1007 = vector.broadcast %shift_right_logical3A_1006 : i32 to vector<16xi32>
      %shift_right_logical3A_1008 = arith.shrui %get3A_1005, %shift_right_logical3A_1007 : vector<16xi32>
      %and3A_1009 = arith.constant 15 : i32
      %and3A_1010 = vector.broadcast %and3A_1009 : i32 to vector<16xi32>
      %and3A_1011 = arith.andi %get3A_1005, %and3A_1010 : vector<16xi32>
      tpu.vector_store_idx %arg6[%shift_right_logical3A_1008, %and3A_1011], %broadcast_in_dim3A_1 {add = true} : memref<6272x16xf32, #tpu.memory_space<vmem>>[vector<16xi32>, vector<16xi32>], vector<16xf32>,
      %get3A_1012 = arith.constant 672 : index
      %get3A_1013 = tpu.vector_load %arg8[%get3A_1012] {strides = array<i32>} : memref<800xi32, #tpu.memory_space<vmem>>, vector<16xi32>,
      %shift_right_logical3A_1014 = arith.constant 4 : i32
      %shift_right_logical3A_1015 = vector.broadcast %shift_right_logical3A_1014 : i32 to vector<16xi32>
      %shift_right_logical3A_1016 = arith.shrui %get3A_1013, %shift_right_logical3A_1015 : vector<16xi32>
      %and3A_1017 = arith.constant 15 : i32
      %and3A_1018 = vector.broadcast %and3A_1017 : i32 to vector<16xi32>
      %and3A_1019 = arith.andi %get3A_1013, %and3A_1018 : vector<16xi32>
      tpu.vector_store_idx %arg6[%shift_right_logical3A_1016, %and3A_1019], %broadcast_in_dim3A_1 {add = true} : memref<6272x16xf32, #tpu.memory_space<vmem>>[vector<16xi32>, vector<16xi32>], vector<16xf32>,
      %get3A_1020 = arith.constant 688 : index
      %get3A_1021 = tpu.vector_load %arg8[%get3A_1020] {strides = array<i32>} : memref<800xi32, #tpu.memory_space<vmem>>, vector<16xi32>,
      %shift_right_logical3A_1022 = arith.constant 4 : i32
      %shift_right_logical3A_1023 = vector.broadcast %shift_right_logical3A_1022 : i32 to vector<16xi32>
      %shift_right_logical3A_1024 = arith.shrui %get3A_1021, %shift_right_logical3A_1023 : vector<16xi32>
      %and3A_1025 = arith.constant 15 : i32
      %and3A_1026 = vector.broadcast %and3A_1025 : i32 to vector<16xi32>
      %and3A_1027 = arith.andi %get3A_1021, %and3A_1026 : vector<16xi32>
      tpu.vector_store_idx %arg6[%shift_right_logical3A_1024, %and3A_1027], %broadcast_in_dim3A_1 {add = true} : memref<6272x16xf32, #tpu.memory_space<vmem>>[vector<16xi32>, vector<16xi32>], vector<16xf32>,
      %get3A_1028 = arith.constant 704 : index
      %get3A_1029 = tpu.vector_load %arg8[%get3A_1028] {strides = array<i32>} : memref<800xi32, #tpu.memory_space<vmem>>, vector<16xi32>,
      %shift_right_logical3A_1030 = arith.constant 4 : i32
      %shift_right_logical3A_1031 = vector.broadcast %shift_right_logical3A_1030 : i32 to vector<16xi32>
      %shift_right_logical3A_1032 = arith.shrui %get3A_1029, %shift_right_logical3A_1031 : vector<16xi32>
      %and3A_1033 = arith.constant 15 : i32
      %and3A_1034 = vector.broadcast %and3A_1033 : i32 to vector<16xi32>
      %and3A_1035 = arith.andi %get3A_1029, %and3A_1034 : vector<16xi32>
      tpu.vector_store_idx %arg6[%shift_right_logical3A_1032, %and3A_1035], %broadcast_in_dim3A_1 {add = true} : memref<6272x16xf32, #tpu.memory_space<vmem>>[vector<16xi32>, vector<16xi32>], vector<16xf32>,
      %get3A_1036 = arith.constant 720 : index
      %get3A_1037 = tpu.vector_load %arg8[%get3A_1036] {strides = array<i32>} : memref<800xi32, #tpu.memory_space<vmem>>, vector<16xi32>,
      %shift_right_logical3A_1038 = arith.constant 4 : i32
      %shift_right_logical3A_1039 = vector.broadcast %shift_right_logical3A_1038 : i32 to vector<16xi32>
      %shift_right_logical3A_1040 = arith.shrui %get3A_1037, %shift_right_logical3A_1039 : vector<16xi32>
      %and3A_1041 = arith.constant 15 : i32
      %and3A_1042 = vector.broadcast %and3A_1041 : i32 to vector<16xi32>
      %and3A_1043 = arith.andi %get3A_1037, %and3A_1042 : vector<16xi32>
      tpu.vector_store_idx %arg6[%shift_right_logical3A_1040, %and3A_1043], %broadcast_in_dim3A_1 {add = true} : memref<6272x16xf32, #tpu.memory_space<vmem>>[vector<16xi32>, vector<16xi32>], vector<16xf32>,
      %get3A_1044 = arith.constant 736 : index
      %get3A_1045 = tpu.vector_load %arg8[%get3A_1044] {strides = array<i32>} : memref<800xi32, #tpu.memory_space<vmem>>, vector<16xi32>,
      %shift_right_logical3A_1046 = arith.constant 4 : i32
      %shift_right_logical3A_1047 = vector.broadcast %shift_right_logical3A_1046 : i32 to vector<16xi32>
      %shift_right_logical3A_1048 = arith.shrui %get3A_1045, %shift_right_logical3A_1047 : vector<16xi32>
      %and3A_1049 = arith.constant 15 : i32
      %and3A_1050 = vector.broadcast %and3A_1049 : i32 to vector<16xi32>
      %and3A_1051 = arith.andi %get3A_1045, %and3A_1050 : vector<16xi32>
      tpu.vector_store_idx %arg6[%shift_right_logical3A_1048, %and3A_1051], %broadcast_in_dim3A_1 {add = true} : memref<6272x16xf32, #tpu.memory_space<vmem>>[vector<16xi32>, vector<16xi32>], vector<16xf32>,
      %get3A_1052 = arith.constant 752 : index
      %get3A_1053 = tpu.vector_load %arg8[%get3A_1052] {strides = array<i32>} : memref<800xi32, #tpu.memory_space<vmem>>, vector<16xi32>,
      %shift_right_logical3A_1054 = arith.constant 4 : i32
      %shift_right_logical3A_1055 = vector.broadcast %shift_right_logical3A_1054 : i32 to vector<16xi32>
      %shift_right_logical3A_1056 = arith.shrui %get3A_1053, %shift_right_logical3A_1055 : vector<16xi32>
      %and3A_1057 = arith.constant 15 : i32
      %and3A_1058 = vector.broadcast %and3A_1057 : i32 to vector<16xi32>
      %and3A_1059 = arith.andi %get3A_1053, %and3A_1058 : vector<16xi32>
      tpu.vector_store_idx %arg6[%shift_right_logical3A_1056, %and3A_1059], %broadcast_in_dim3A_1 {add = true} : memref<6272x16xf32, #tpu.memory_space<vmem>>[vector<16xi32>, vector<16xi32>], vector<16xf32>,
      %get3A_1060 = arith.constant 768 : index
      %get3A_1061 = tpu.vector_load %arg8[%get3A_1060] {strides = array<i32>} : memref<800xi32, #tpu.memory_space<vmem>>, vector<16xi32>,
      %shift_right_logical3A_1062 = arith.constant 4 : i32
      %shift_right_logical3A_1063 = vector.broadcast %shift_right_logical3A_1062 : i32 to vector<16xi32>
      %shift_right_logical3A_1064 = arith.shrui %get3A_1061, %shift_right_logical3A_1063 : vector<16xi32>
      %and3A_1065 = arith.constant 15 : i32
      %and3A_1066 = vector.broadcast %and3A_1065 : i32 to vector<16xi32>
      %and3A_1067 = arith.andi %get3A_1061, %and3A_1066 : vector<16xi32>
      tpu.vector_store_idx %arg6[%shift_right_logical3A_1064, %and3A_1067], %broadcast_in_dim3A_1 {add = true} : memref<6272x16xf32, #tpu.memory_space<vmem>>[vector<16xi32>, vector<16xi32>], vector<16xf32>,
      %get3A_1068 = arith.constant 784 : index
      %get3A_1069 = tpu.vector_load %arg8[%get3A_1068] {strides = array<i32>} : memref<800xi32, #tpu.memory_space<vmem>>, vector<16xi32>,
      %shift_right_logical3A_1070 = arith.constant 4 : i32
      %shift_right_logical3A_1071 = vector.broadcast %shift_right_logical3A_1070 : i32 to vector<16xi32>
      %shift_right_logical3A_1072 = arith.shrui %get3A_1069, %shift_right_logical3A_1071 : vector<16xi32>
      %and3A_1073 = arith.constant 15 : i32
      %and3A_1074 = vector.broadcast %and3A_1073 : i32 to vector<16xi32>
      %and3A_1075 = arith.andi %get3A_1069, %and3A_1074 : vector<16xi32>
      tpu.vector_store_idx %arg6[%shift_right_logical3A_1072, %and3A_1075], %broadcast_in_dim3A_1 {add = true} : memref<6272x16xf32, #tpu.memory_space<vmem>>[vector<16xi32>, vector<16xi32>], vector<16xf32>,
      %scan3A_1076 = arith.constant 0 : i32
      scf.yield %scan3A_1076 : i32
    }
    %scan3A_7 = arith.constant 125 : i32
    "tpu.region"() ({
      %run_scoped3A = tpu.sem_alloc : memref<!tpu.dma_semaphore, #tpu.memory_space<semaphore_mem>>
      %dma_start3A = arith.constant 0 : i32
      %dma_start3A_241 = arith.constant 0 : i32
      %dma_start3A_242 = tpu.memref_slice %arg5[%arg0, %arg1, %dma_start3A, %dma_start3A_241] : memref<2x16x6272x16xf32, #tpu.memory_space<hbm>> -> memref<1x1x6272x16xf32, #tpu.memory_space<hbm>>
      %dma_start3A_243 = tpu.memref_squeeze %dma_start3A_242 : memref<1x1x6272x16xf32, #tpu.memory_space<hbm>> -> memref<6272x16xf32, #tpu.memory_space<hbm>>
      %dma_start3A_244 = arith.constant 0 : i32
      %dma_start3A_245 = arith.constant 0 : i32
      %dma_start3A_246 = tpu.memref_slice %arg5[%arg0, %arg1, %dma_start3A_244, %dma_start3A_245] : memref<2x16x6272x16xf32, #tpu.memory_space<hbm>> -> memref<1x1x6272x16xf32, #tpu.memory_space<hbm>>
      %dma_start3A_247 = tpu.memref_squeeze %dma_start3A_246 : memref<1x1x6272x16xf32, #tpu.memory_space<hbm>> -> memref<6272x16xf32, #tpu.memory_space<hbm>>
      tpu.enqueue_dma source(%arg6 : memref<6272x16xf32, #tpu.memory_space<vmem>>) target(%dma_start3A_247 : memref<6272x16xf32, #tpu.memory_space<hbm>>) target_semaphore(%run_scoped3A : memref<!tpu.dma_semaphore, #tpu.memory_space<semaphore_mem>>)
      %dma_wait3A = arith.constant 0 : i32
      %dma_wait3A_248 = arith.constant 0 : i32
      %dma_wait3A_249 = tpu.memref_slice %arg5[%arg0, %arg1, %dma_wait3A, %dma_wait3A_248] : memref<2x16x6272x16xf32, #tpu.memory_space<hbm>> -> memref<1x1x6272x16xf32, #tpu.memory_space<hbm>>
      %dma_wait3A_250 = tpu.memref_squeeze %dma_wait3A_249 : memref<1x1x6272x16xf32, #tpu.memory_space<hbm>> -> memref<6272x16xf32, #tpu.memory_space<hbm>>
      %dma_wait3A_251 = arith.constant 0 : i32
      %dma_wait3A_252 = arith.constant 0 : i32
      %dma_wait3A_253 = tpu.memref_slice %arg5[%arg0, %arg1, %dma_wait3A_251, %dma_wait3A_252] : memref<2x16x6272x16xf32, #tpu.memory_space<hbm>> -> memref<1x1x6272x16xf32, #tpu.memory_space<hbm>>
      %dma_wait3A_254 = tpu.memref_squeeze %dma_wait3A_253 : memref<1x1x6272x16xf32, #tpu.memory_space<hbm>> -> memref<6272x16xf32, #tpu.memory_space<hbm>>
      tpu.wait_dma2 semaphore(%run_scoped3A : memref<!tpu.dma_semaphore, #tpu.memory_space<semaphore_mem>>) src(%arg6 : memref<6272x16xf32, #tpu.memory_space<vmem>>) dst(%dma_wait3A_254 : memref<6272x16xf32, #tpu.memory_space<hbm>>)
      tpu.yield
    }) : () -> ()
    %barrier3A = arith.constant 0 : index
    tpu.barrier barrier_id(%barrier3A)
    %scan3A_8 = arith.constant 0 : i32
    %scan3A_9 = arith.constant 0 : i32
    %scan3A_10 = arith.constant 392 : i32
    %scan3A_11 = arith.addi %scan3A_9, %scan3A_10 : i32
    %scan3A_12 = arith.constant 1 : i32
    %scan3A_13 = scf.for %scan3A_241 = %scan3A_9 to %scan3A_11 step %scan3A_12 iter_args(%scan3A_242 = %scan3A_8) -> (i32)  : i32 {
      %mul3A_243 = arith.constant 392 : i32
      %mul3A_244 = arith.muli %arg1, %mul3A_243 : i32
      %add3A_245 = arith.addi %mul3A_244, %scan3A_241 : i32
      %get3A = arith.index_cast %add3A_245 : i32 to index
      %get3A_246 = arith.constant 0 : index
      %get3A_247 = tpu.vector_load %arg6[%get3A, %get3A_246] {strides = array<i32>} : memref<6272x16xf32, #tpu.memory_space<vmem>>, vector<16xf32>,
      %swap3A = arith.index_cast %scan3A_241 : i32 to index
      %swap3A_248 = arith.constant 0 : index
      %swap3A_249 = tpu.vector_load %arg9[%swap3A, %swap3A_248] {strides = array<i32>} : memref<392x16xf32, #tpu.memory_space<vmem>>, vector<16xf32>,
      tpu.vector_store %arg9[%swap3A, %swap3A_248], %get3A_247 {strides = array<i32>} : memref<392x16xf32, #tpu.memory_space<vmem>>, vector<16xf32>,
      %scan3A_250 = arith.constant 0 : i32
      scf.yield %scan3A_250 : i32
    }
    %scan3A_14 = arith.constant 392 : i32
    %add3A_15 = arith.constant 1 : i32
    %add3A_16 = arith.addi %arg1, %add3A_15 : i32
    %add3A_17 = arith.constant 0 : i32
    %add3A_18 = arith.addi %add3A_16, %add3A_17 : i32
    %rem3A = arith.constant 16 : i32
    %rem3A_19 = arith.remsi %add3A_18, %rem3A : i32
    %mul3A_20 = arith.constant 392 : i32
    %mul3A_21 = arith.muli %arg1, %mul3A_20 : i32
    "tpu.region"() ({
      %run_scoped3A = tpu.sem_alloc : memref<!tpu.dma_semaphore, #tpu.memory_space<semaphore_mem>>
      %dma_start3A = arith.constant 0 : i32
      %dma_start3A_241 = tpu.memref_slice %arg5[%arg0, %rem3A_19, %mul3A_21, %dma_start3A] : memref<2x16x6272x16xf32, #tpu.memory_space<hbm>> -> memref<1x1x392x16xf32, #tpu.memory_space<hbm>>
      %dma_start3A_242 = tpu.memref_squeeze %dma_start3A_241 : memref<1x1x392x16xf32, #tpu.memory_space<hbm>> -> memref<392x16xf32, #tpu.memory_space<hbm>>
      %dma_start3A_243 = arith.constant 0 : i32
      %dma_start3A_244 = tpu.memref_slice %arg5[%arg0, %rem3A_19, %mul3A_21, %dma_start3A_243] : memref<2x16x6272x16xf32, #tpu.memory_space<hbm>> -> memref<1x1x392x16xf32, #tpu.memory_space<hbm>>
      %dma_start3A_245 = tpu.memref_squeeze %dma_start3A_244 : memref<1x1x392x16xf32, #tpu.memory_space<hbm>> -> memref<392x16xf32, #tpu.memory_space<hbm>>
      tpu.enqueue_dma source(%dma_start3A_245 : memref<392x16xf32, #tpu.memory_space<hbm>>) target(%arg10 : memref<392x16xf32, #tpu.memory_space<vmem>>) target_semaphore(%run_scoped3A : memref<!tpu.dma_semaphore, #tpu.memory_space<semaphore_mem>>)
      %dma_wait3A = arith.constant 0 : i32
      %dma_wait3A_246 = tpu.memref_slice %arg5[%arg0, %rem3A_19, %mul3A_21, %dma_wait3A] : memref<2x16x6272x16xf32, #tpu.memory_space<hbm>> -> memref<1x1x392x16xf32, #tpu.memory_space<hbm>>
      %dma_wait3A_247 = tpu.memref_squeeze %dma_wait3A_246 : memref<1x1x392x16xf32, #tpu.memory_space<hbm>> -> memref<392x16xf32, #tpu.memory_space<hbm>>
      %dma_wait3A_248 = arith.constant 0 : i32
      %dma_wait3A_249 = tpu.memref_slice %arg5[%arg0, %rem3A_19, %mul3A_21, %dma_wait3A_248] : memref<2x16x6272x16xf32, #tpu.memory_space<hbm>> -> memref<1x1x392x16xf32, #tpu.memory_space<hbm>>
      %dma_wait3A_250 = tpu.memref_squeeze %dma_wait3A_249 : memref<1x1x392x16xf32, #tpu.memory_space<hbm>> -> memref<392x16xf32, #tpu.memory_space<hbm>>
      tpu.wait_dma2 semaphore(%run_scoped3A : memref<!tpu.dma_semaphore, #tpu.memory_space<semaphore_mem>>) src(%dma_wait3A_250 : memref<392x16xf32, #tpu.memory_space<hbm>>) dst(%arg10 : memref<392x16xf32, #tpu.memory_space<vmem>>)
      tpu.yield
    }) : () -> ()
    %scan3A_22 = arith.constant 0 : i32
    %scan3A_23 = arith.constant 0 : i32
    %scan3A_24 = arith.constant 392 : i32
    %scan3A_25 = arith.addi %scan3A_23, %scan3A_24 : i32
    %scan3A_26 = arith.constant 1 : i32
    %scan3A_27 = scf.for %scan3A_241 = %scan3A_23 to %scan3A_25 step %scan3A_26 iter_args(%scan3A_242 = %scan3A_22) -> (i32)  : i32 {
      %get3A = arith.index_cast %scan3A_241 : i32 to index
      %get3A_243 = arith.constant 0 : index
      %get3A_244 = tpu.vector_load %arg9[%get3A, %get3A_243] {strides = array<i32>} : memref<392x16xf32, #tpu.memory_space<vmem>>, vector<16xf32>,
      %get3A_245 = arith.index_cast %scan3A_241 : i32 to index
      %get3A_246 = arith.constant 0 : index
      %get3A_247 = tpu.vector_load %arg10[%get3A_245, %get3A_246] {strides = array<i32>} : memref<392x16xf32, #tpu.memory_space<vmem>>, vector<16xf32>,
      %add3A_248 = arith.addf %get3A_244, %get3A_247 : vector<16xf32>
      %swap3A = arith.index_cast %scan3A_241 : i32 to index
      %swap3A_249 = arith.constant 0 : index
      %swap3A_250 = tpu.vector_load %arg9[%swap3A, %swap3A_249] {strides = array<i32>} : memref<392x16xf32, #tpu.memory_space<vmem>>, vector<16xf32>,
      tpu.vector_store %arg9[%swap3A, %swap3A_249], %add3A_248 {strides = array<i32>} : memref<392x16xf32, #tpu.memory_space<vmem>>, vector<16xf32>,
      %scan3A_251 = arith.constant 0 : i32
      scf.yield %scan3A_251 : i32
    }
    %scan3A_28 = arith.constant 392 : i32
    %add3A_29 = arith.constant 1 : i32
    %add3A_30 = arith.addi %arg1, %add3A_29 : i32
    %add3A_31 = arith.constant 1 : i32
    %add3A_32 = arith.addi %add3A_30, %add3A_31 : i32
    %rem3A_33 = arith.constant 16 : i32
    %rem3A_34 = arith.remsi %add3A_32, %rem3A_33 : i32
    %mul3A_35 = arith.constant 392 : i32
    %mul3A_36 = arith.muli %arg1, %mul3A_35 : i32
    "tpu.region"() ({
      %run_scoped3A = tpu.sem_alloc : memref<!tpu.dma_semaphore, #tpu.memory_space<semaphore_mem>>
      %dma_start3A = arith.constant 0 : i32
      %dma_start3A_241 = tpu.memref_slice %arg5[%arg0, %rem3A_34, %mul3A_36, %dma_start3A] : memref<2x16x6272x16xf32, #tpu.memory_space<hbm>> -> memref<1x1x392x16xf32, #tpu.memory_space<hbm>>
      %dma_start3A_242 = tpu.memref_squeeze %dma_start3A_241 : memref<1x1x392x16xf32, #tpu.memory_space<hbm>> -> memref<392x16xf32, #tpu.memory_space<hbm>>
      %dma_start3A_243 = arith.constant 0 : i32
      %dma_start3A_244 = tpu.memref_slice %arg5[%arg0, %rem3A_34, %mul3A_36, %dma_start3A_243] : memref<2x16x6272x16xf32, #tpu.memory_space<hbm>> -> memref<1x1x392x16xf32, #tpu.memory_space<hbm>>
      %dma_start3A_245 = tpu.memref_squeeze %dma_start3A_244 : memref<1x1x392x16xf32, #tpu.memory_space<hbm>> -> memref<392x16xf32, #tpu.memory_space<hbm>>
      tpu.enqueue_dma source(%dma_start3A_245 : memref<392x16xf32, #tpu.memory_space<hbm>>) target(%arg10 : memref<392x16xf32, #tpu.memory_space<vmem>>) target_semaphore(%run_scoped3A : memref<!tpu.dma_semaphore, #tpu.memory_space<semaphore_mem>>)
      %dma_wait3A = arith.constant 0 : i32
      %dma_wait3A_246 = tpu.memref_slice %arg5[%arg0, %rem3A_34, %mul3A_36, %dma_wait3A] : memref<2x16x6272x16xf32, #tpu.memory_space<hbm>> -> memref<1x1x392x16xf32, #tpu.memory_space<hbm>>
      %dma_wait3A_247 = tpu.memref_squeeze %dma_wait3A_246 : memref<1x1x392x16xf32, #tpu.memory_space<hbm>> -> memref<392x16xf32, #tpu.memory_space<hbm>>
      %dma_wait3A_248 = arith.constant 0 : i32
      %dma_wait3A_249 = tpu.memref_slice %arg5[%arg0, %rem3A_34, %mul3A_36, %dma_wait3A_248] : memref<2x16x6272x16xf32, #tpu.memory_space<hbm>> -> memref<1x1x392x16xf32, #tpu.memory_space<hbm>>
      %dma_wait3A_250 = tpu.memref_squeeze %dma_wait3A_249 : memref<1x1x392x16xf32, #tpu.memory_space<hbm>> -> memref<392x16xf32, #tpu.memory_space<hbm>>
      tpu.wait_dma2 semaphore(%run_scoped3A : memref<!tpu.dma_semaphore, #tpu.memory_space<semaphore_mem>>) src(%dma_wait3A_250 : memref<392x16xf32, #tpu.memory_space<hbm>>) dst(%arg10 : memref<392x16xf32, #tpu.memory_space<vmem>>)
      tpu.yield
    }) : () -> ()
    %scan3A_37 = arith.constant 0 : i32
    %scan3A_38 = arith.constant 0 : i32
    %scan3A_39 = arith.constant 392 : i32
    %scan3A_40 = arith.addi %scan3A_38, %scan3A_39 : i32
    %scan3A_41 = arith.constant 1 : i32
    %scan3A_42 = scf.for %scan3A_241 = %scan3A_38 to %scan3A_40 step %scan3A_41 iter_args(%scan3A_242 = %scan3A_37) -> (i32)  : i32 {
      %get3A = arith.index_cast %scan3A_241 : i32 to index
      %get3A_243 = arith.constant 0 : index
      %get3A_244 = tpu.vector_load %arg9[%get3A, %get3A_243] {strides = array<i32>} : memref<392x16xf32, #tpu.memory_space<vmem>>, vector<16xf32>,
      %get3A_245 = arith.index_cast %scan3A_241 : i32 to index
      %get3A_246 = arith.constant 0 : index
      %get3A_247 = tpu.vector_load %arg10[%get3A_245, %get3A_246] {strides = array<i32>} : memref<392x16xf32, #tpu.memory_space<vmem>>, vector<16xf32>,
      %add3A_248 = arith.addf %get3A_244, %get3A_247 : vector<16xf32>
      %swap3A = arith.index_cast %scan3A_241 : i32 to index
      %swap3A_249 = arith.constant 0 : index
      %swap3A_250 = tpu.vector_load %arg9[%swap3A, %swap3A_249] {strides = array<i32>} : memref<392x16xf32, #tpu.memory_space<vmem>>, vector<16xf32>,
      tpu.vector_store %arg9[%swap3A, %swap3A_249], %add3A_248 {strides = array<i32>} : memref<392x16xf32, #tpu.memory_space<vmem>>, vector<16xf32>,
      %scan3A_251 = arith.constant 0 : i32
      scf.yield %scan3A_251 : i32
    }
    %scan3A_43 = arith.constant 392 : i32
    %add3A_44 = arith.constant 1 : i32
    %add3A_45 = arith.addi %arg1, %add3A_44 : i32
    %add3A_46 = arith.constant 2 : i32
    %add3A_47 = arith.addi %add3A_45, %add3A_46 : i32
    %rem3A_48 = arith.constant 16 : i32
    %rem3A_49 = arith.remsi %add3A_47, %rem3A_48 : i32
    %mul3A_50 = arith.constant 392 : i32
    %mul3A_51 = arith.muli %arg1, %mul3A_50 : i32
    "tpu.region"() ({
      %run_scoped3A = tpu.sem_alloc : memref<!tpu.dma_semaphore, #tpu.memory_space<semaphore_mem>>
      %dma_start3A = arith.constant 0 : i32
      %dma_start3A_241 = tpu.memref_slice %arg5[%arg0, %rem3A_49, %mul3A_51, %dma_start3A] : memref<2x16x6272x16xf32, #tpu.memory_space<hbm>> -> memref<1x1x392x16xf32, #tpu.memory_space<hbm>>
      %dma_start3A_242 = tpu.memref_squeeze %dma_start3A_241 : memref<1x1x392x16xf32, #tpu.memory_space<hbm>> -> memref<392x16xf32, #tpu.memory_space<hbm>>
      %dma_start3A_243 = arith.constant 0 : i32
      %dma_start3A_244 = tpu.memref_slice %arg5[%arg0, %rem3A_49, %mul3A_51, %dma_start3A_243] : memref<2x16x6272x16xf32, #tpu.memory_space<hbm>> -> memref<1x1x392x16xf32, #tpu.memory_space<hbm>>
      %dma_start3A_245 = tpu.memref_squeeze %dma_start3A_244 : memref<1x1x392x16xf32, #tpu.memory_space<hbm>> -> memref<392x16xf32, #tpu.memory_space<hbm>>
      tpu.enqueue_dma source(%dma_start3A_245 : memref<392x16xf32, #tpu.memory_space<hbm>>) target(%arg10 : memref<392x16xf32, #tpu.memory_space<vmem>>) target_semaphore(%run_scoped3A : memref<!tpu.dma_semaphore, #tpu.memory_space<semaphore_mem>>)
      %dma_wait3A = arith.constant 0 : i32
      %dma_wait3A_246 = tpu.memref_slice %arg5[%arg0, %rem3A_49, %mul3A_51, %dma_wait3A] : memref<2x16x6272x16xf32, #tpu.memory_space<hbm>> -> memref<1x1x392x16xf32, #tpu.memory_space<hbm>>
      %dma_wait3A_247 = tpu.memref_squeeze %dma_wait3A_246 : memref<1x1x392x16xf32, #tpu.memory_space<hbm>> -> memref<392x16xf32, #tpu.memory_space<hbm>>
      %dma_wait3A_248 = arith.constant 0 : i32
      %dma_wait3A_249 = tpu.memref_slice %arg5[%arg0, %rem3A_49, %mul3A_51, %dma_wait3A_248] : memref<2x16x6272x16xf32, #tpu.memory_space<hbm>> -> memref<1x1x392x16xf32, #tpu.memory_space<hbm>>
      %dma_wait3A_250 = tpu.memref_squeeze %dma_wait3A_249 : memref<1x1x392x16xf32, #tpu.memory_space<hbm>> -> memref<392x16xf32, #tpu.memory_space<hbm>>
      tpu.wait_dma2 semaphore(%run_scoped3A : memref<!tpu.dma_semaphore, #tpu.memory_space<semaphore_mem>>) src(%dma_wait3A_250 : memref<392x16xf32, #tpu.memory_space<hbm>>) dst(%arg10 : memref<392x16xf32, #tpu.memory_space<vmem>>)
      tpu.yield
    }) : () -> ()
    %scan3A_52 = arith.constant 0 : i32
    %scan3A_53 = arith.constant 0 : i32
    %scan3A_54 = arith.constant 392 : i32
    %scan3A_55 = arith.addi %scan3A_53, %scan3A_54 : i32
    %scan3A_56 = arith.constant 1 : i32
    %scan3A_57 = scf.for %scan3A_241 = %scan3A_53 to %scan3A_55 step %scan3A_56 iter_args(%scan3A_242 = %scan3A_52) -> (i32)  : i32 {
      %get3A = arith.index_cast %scan3A_241 : i32 to index
      %get3A_243 = arith.constant 0 : index
      %get3A_244 = tpu.vector_load %arg9[%get3A, %get3A_243] {strides = array<i32>} : memref<392x16xf32, #tpu.memory_space<vmem>>, vector<16xf32>,
      %get3A_245 = arith.index_cast %scan3A_241 : i32 to index
      %get3A_246 = arith.constant 0 : index
      %get3A_247 = tpu.vector_load %arg10[%get3A_245, %get3A_246] {strides = array<i32>} : memref<392x16xf32, #tpu.memory_space<vmem>>, vector<16xf32>,
      %add3A_248 = arith.addf %get3A_244, %get3A_247 : vector<16xf32>
      %swap3A = arith.index_cast %scan3A_241 : i32 to index
      %swap3A_249 = arith.constant 0 : index
      %swap3A_250 = tpu.vector_load %arg9[%swap3A, %swap3A_249] {strides = array<i32>} : memref<392x16xf32, #tpu.memory_space<vmem>>, vector<16xf32>,
      tpu.vector_store %arg9[%swap3A, %swap3A_249], %add3A_248 {strides = array<i32>} : memref<392x16xf32, #tpu.memory_space<vmem>>, vector<16xf32>,
      %scan3A_251 = arith.constant 0 : i32
      scf.yield %scan3A_251 : i32
    }
    %scan3A_58 = arith.constant 392 : i32
    %add3A_59 = arith.constant 1 : i32
    %add3A_60 = arith.addi %arg1, %add3A_59 : i32
    %add3A_61 = arith.constant 3 : i32
    %add3A_62 = arith.addi %add3A_60, %add3A_61 : i32
    %rem3A_63 = arith.constant 16 : i32
    %rem3A_64 = arith.remsi %add3A_62, %rem3A_63 : i32
    %mul3A_65 = arith.constant 392 : i32
    %mul3A_66 = arith.muli %arg1, %mul3A_65 : i32
    "tpu.region"() ({
      %run_scoped3A = tpu.sem_alloc : memref<!tpu.dma_semaphore, #tpu.memory_space<semaphore_mem>>
      %dma_start3A = arith.constant 0 : i32
      %dma_start3A_241 = tpu.memref_slice %arg5[%arg0, %rem3A_64, %mul3A_66, %dma_start3A] : memref<2x16x6272x16xf32, #tpu.memory_space<hbm>> -> memref<1x1x392x16xf32, #tpu.memory_space<hbm>>
      %dma_start3A_242 = tpu.memref_squeeze %dma_start3A_241 : memref<1x1x392x16xf32, #tpu.memory_space<hbm>> -> memref<392x16xf32, #tpu.memory_space<hbm>>
      %dma_start3A_243 = arith.constant 0 : i32
      %dma_start3A_244 = tpu.memref_slice %arg5[%arg0, %rem3A_64, %mul3A_66, %dma_start3A_243] : memref<2x16x6272x16xf32, #tpu.memory_space<hbm>> -> memref<1x1x392x16xf32, #tpu.memory_space<hbm>>
      %dma_start3A_245 = tpu.memref_squeeze %dma_start3A_244 : memref<1x1x392x16xf32, #tpu.memory_space<hbm>> -> memref<392x16xf32, #tpu.memory_space<hbm>>
      tpu.enqueue_dma source(%dma_start3A_245 : memref<392x16xf32, #tpu.memory_space<hbm>>) target(%arg10 : memref<392x16xf32, #tpu.memory_space<vmem>>) target_semaphore(%run_scoped3A : memref<!tpu.dma_semaphore, #tpu.memory_space<semaphore_mem>>)
      %dma_wait3A = arith.constant 0 : i32
      %dma_wait3A_246 = tpu.memref_slice %arg5[%arg0, %rem3A_64, %mul3A_66, %dma_wait3A] : memref<2x16x6272x16xf32, #tpu.memory_space<hbm>> -> memref<1x1x392x16xf32, #tpu.memory_space<hbm>>
      %dma_wait3A_247 = tpu.memref_squeeze %dma_wait3A_246 : memref<1x1x392x16xf32, #tpu.memory_space<hbm>> -> memref<392x16xf32, #tpu.memory_space<hbm>>
      %dma_wait3A_248 = arith.constant 0 : i32
      %dma_wait3A_249 = tpu.memref_slice %arg5[%arg0, %rem3A_64, %mul3A_66, %dma_wait3A_248] : memref<2x16x6272x16xf32, #tpu.memory_space<hbm>> -> memref<1x1x392x16xf32, #tpu.memory_space<hbm>>
      %dma_wait3A_250 = tpu.memref_squeeze %dma_wait3A_249 : memref<1x1x392x16xf32, #tpu.memory_space<hbm>> -> memref<392x16xf32, #tpu.memory_space<hbm>>
      tpu.wait_dma2 semaphore(%run_scoped3A : memref<!tpu.dma_semaphore, #tpu.memory_space<semaphore_mem>>) src(%dma_wait3A_250 : memref<392x16xf32, #tpu.memory_space<hbm>>) dst(%arg10 : memref<392x16xf32, #tpu.memory_space<vmem>>)
      tpu.yield
    }) : () -> ()
    %scan3A_67 = arith.constant 0 : i32
    %scan3A_68 = arith.constant 0 : i32
    %scan3A_69 = arith.constant 392 : i32
    %scan3A_70 = arith.addi %scan3A_68, %scan3A_69 : i32
    %scan3A_71 = arith.constant 1 : i32
    %scan3A_72 = scf.for %scan3A_241 = %scan3A_68 to %scan3A_70 step %scan3A_71 iter_args(%scan3A_242 = %scan3A_67) -> (i32)  : i32 {
      %get3A = arith.index_cast %scan3A_241 : i32 to index
      %get3A_243 = arith.constant 0 : index
      %get3A_244 = tpu.vector_load %arg9[%get3A, %get3A_243] {strides = array<i32>} : memref<392x16xf32, #tpu.memory_space<vmem>>, vector<16xf32>,
      %get3A_245 = arith.index_cast %scan3A_241 : i32 to index
      %get3A_246 = arith.constant 0 : index
      %get3A_247 = tpu.vector_load %arg10[%get3A_245, %get3A_246] {strides = array<i32>} : memref<392x16xf32, #tpu.memory_space<vmem>>, vector<16xf32>,
      %add3A_248 = arith.addf %get3A_244, %get3A_247 : vector<16xf32>
      %swap3A = arith.index_cast %scan3A_241 : i32 to index
      %swap3A_249 = arith.constant 0 : index
      %swap3A_250 = tpu.vector_load %arg9[%swap3A, %swap3A_249] {strides = array<i32>} : memref<392x16xf32, #tpu.memory_space<vmem>>, vector<16xf32>,
      tpu.vector_store %arg9[%swap3A, %swap3A_249], %add3A_248 {strides = array<i32>} : memref<392x16xf32, #tpu.memory_space<vmem>>, vector<16xf32>,
      %scan3A_251 = arith.constant 0 : i32
      scf.yield %scan3A_251 : i32
    }
    %scan3A_73 = arith.constant 392 : i32
    %add3A_74 = arith.constant 1 : i32
    %add3A_75 = arith.addi %arg1, %add3A_74 : i32
    %add3A_76 = arith.constant 4 : i32
    %add3A_77 = arith.addi %add3A_75, %add3A_76 : i32
    %rem3A_78 = arith.constant 16 : i32
    %rem3A_79 = arith.remsi %add3A_77, %rem3A_78 : i32
    %mul3A_80 = arith.constant 392 : i32
    %mul3A_81 = arith.muli %arg1, %mul3A_80 : i32
    "tpu.region"() ({
      %run_scoped3A = tpu.sem_alloc : memref<!tpu.dma_semaphore, #tpu.memory_space<semaphore_mem>>
      %dma_start3A = arith.constant 0 : i32
      %dma_start3A_241 = tpu.memref_slice %arg5[%arg0, %rem3A_79, %mul3A_81, %dma_start3A] : memref<2x16x6272x16xf32, #tpu.memory_space<hbm>> -> memref<1x1x392x16xf32, #tpu.memory_space<hbm>>
      %dma_start3A_242 = tpu.memref_squeeze %dma_start3A_241 : memref<1x1x392x16xf32, #tpu.memory_space<hbm>> -> memref<392x16xf32, #tpu.memory_space<hbm>>
      %dma_start3A_243 = arith.constant 0 : i32
      %dma_start3A_244 = tpu.memref_slice %arg5[%arg0, %rem3A_79, %mul3A_81, %dma_start3A_243] : memref<2x16x6272x16xf32, #tpu.memory_space<hbm>> -> memref<1x1x392x16xf32, #tpu.memory_space<hbm>>
      %dma_start3A_245 = tpu.memref_squeeze %dma_start3A_244 : memref<1x1x392x16xf32, #tpu.memory_space<hbm>> -> memref<392x16xf32, #tpu.memory_space<hbm>>
      tpu.enqueue_dma source(%dma_start3A_245 : memref<392x16xf32, #tpu.memory_space<hbm>>) target(%arg10 : memref<392x16xf32, #tpu.memory_space<vmem>>) target_semaphore(%run_scoped3A : memref<!tpu.dma_semaphore, #tpu.memory_space<semaphore_mem>>)
      %dma_wait3A = arith.constant 0 : i32
      %dma_wait3A_246 = tpu.memref_slice %arg5[%arg0, %rem3A_79, %mul3A_81, %dma_wait3A] : memref<2x16x6272x16xf32, #tpu.memory_space<hbm>> -> memref<1x1x392x16xf32, #tpu.memory_space<hbm>>
      %dma_wait3A_247 = tpu.memref_squeeze %dma_wait3A_246 : memref<1x1x392x16xf32, #tpu.memory_space<hbm>> -> memref<392x16xf32, #tpu.memory_space<hbm>>
      %dma_wait3A_248 = arith.constant 0 : i32
      %dma_wait3A_249 = tpu.memref_slice %arg5[%arg0, %rem3A_79, %mul3A_81, %dma_wait3A_248] : memref<2x16x6272x16xf32, #tpu.memory_space<hbm>> -> memref<1x1x392x16xf32, #tpu.memory_space<hbm>>
      %dma_wait3A_250 = tpu.memref_squeeze %dma_wait3A_249 : memref<1x1x392x16xf32, #tpu.memory_space<hbm>> -> memref<392x16xf32, #tpu.memory_space<hbm>>
      tpu.wait_dma2 semaphore(%run_scoped3A : memref<!tpu.dma_semaphore, #tpu.memory_space<semaphore_mem>>) src(%dma_wait3A_250 : memref<392x16xf32, #tpu.memory_space<hbm>>) dst(%arg10 : memref<392x16xf32, #tpu.memory_space<vmem>>)
      tpu.yield
    }) : () -> ()
    %scan3A_82 = arith.constant 0 : i32
    %scan3A_83 = arith.constant 0 : i32
    %scan3A_84 = arith.constant 392 : i32
    %scan3A_85 = arith.addi %scan3A_83, %scan3A_84 : i32
    %scan3A_86 = arith.constant 1 : i32
    %scan3A_87 = scf.for %scan3A_241 = %scan3A_83 to %scan3A_85 step %scan3A_86 iter_args(%scan3A_242 = %scan3A_82) -> (i32)  : i32 {
      %get3A = arith.index_cast %scan3A_241 : i32 to index
      %get3A_243 = arith.constant 0 : index
      %get3A_244 = tpu.vector_load %arg9[%get3A, %get3A_243] {strides = array<i32>} : memref<392x16xf32, #tpu.memory_space<vmem>>, vector<16xf32>,
      %get3A_245 = arith.index_cast %scan3A_241 : i32 to index
      %get3A_246 = arith.constant 0 : index
      %get3A_247 = tpu.vector_load %arg10[%get3A_245, %get3A_246] {strides = array<i32>} : memref<392x16xf32, #tpu.memory_space<vmem>>, vector<16xf32>,
      %add3A_248 = arith.addf %get3A_244, %get3A_247 : vector<16xf32>
      %swap3A = arith.index_cast %scan3A_241 : i32 to index
      %swap3A_249 = arith.constant 0 : index
      %swap3A_250 = tpu.vector_load %arg9[%swap3A, %swap3A_249] {strides = array<i32>} : memref<392x16xf32, #tpu.memory_space<vmem>>, vector<16xf32>,
      tpu.vector_store %arg9[%swap3A, %swap3A_249], %add3A_248 {strides = array<i32>} : memref<392x16xf32, #tpu.memory_space<vmem>>, vector<16xf32>,
      %scan3A_251 = arith.constant 0 : i32
      scf.yield %scan3A_251 : i32
    }
    %scan3A_88 = arith.constant 392 : i32
    %add3A_89 = arith.constant 1 : i32
    %add3A_90 = arith.addi %arg1, %add3A_89 : i32
    %add3A_91 = arith.constant 5 : i32
    %add3A_92 = arith.addi %add3A_90, %add3A_91 : i32
    %rem3A_93 = arith.constant 16 : i32
    %rem3A_94 = arith.remsi %add3A_92, %rem3A_93 : i32
    %mul3A_95 = arith.constant 392 : i32
    %mul3A_96 = arith.muli %arg1, %mul3A_95 : i32
    "tpu.region"() ({
      %run_scoped3A = tpu.sem_alloc : memref<!tpu.dma_semaphore, #tpu.memory_space<semaphore_mem>>
      %dma_start3A = arith.constant 0 : i32
      %dma_start3A_241 = tpu.memref_slice %arg5[%arg0, %rem3A_94, %mul3A_96, %dma_start3A] : memref<2x16x6272x16xf32, #tpu.memory_space<hbm>> -> memref<1x1x392x16xf32, #tpu.memory_space<hbm>>
      %dma_start3A_242 = tpu.memref_squeeze %dma_start3A_241 : memref<1x1x392x16xf32, #tpu.memory_space<hbm>> -> memref<392x16xf32, #tpu.memory_space<hbm>>
      %dma_start3A_243 = arith.constant 0 : i32
      %dma_start3A_244 = tpu.memref_slice %arg5[%arg0, %rem3A_94, %mul3A_96, %dma_start3A_243] : memref<2x16x6272x16xf32, #tpu.memory_space<hbm>> -> memref<1x1x392x16xf32, #tpu.memory_space<hbm>>
      %dma_start3A_245 = tpu.memref_squeeze %dma_start3A_244 : memref<1x1x392x16xf32, #tpu.memory_space<hbm>> -> memref<392x16xf32, #tpu.memory_space<hbm>>
      tpu.enqueue_dma source(%dma_start3A_245 : memref<392x16xf32, #tpu.memory_space<hbm>>) target(%arg10 : memref<392x16xf32, #tpu.memory_space<vmem>>) target_semaphore(%run_scoped3A : memref<!tpu.dma_semaphore, #tpu.memory_space<semaphore_mem>>)
      %dma_wait3A = arith.constant 0 : i32
      %dma_wait3A_246 = tpu.memref_slice %arg5[%arg0, %rem3A_94, %mul3A_96, %dma_wait3A] : memref<2x16x6272x16xf32, #tpu.memory_space<hbm>> -> memref<1x1x392x16xf32, #tpu.memory_space<hbm>>
      %dma_wait3A_247 = tpu.memref_squeeze %dma_wait3A_246 : memref<1x1x392x16xf32, #tpu.memory_space<hbm>> -> memref<392x16xf32, #tpu.memory_space<hbm>>
      %dma_wait3A_248 = arith.constant 0 : i32
      %dma_wait3A_249 = tpu.memref_slice %arg5[%arg0, %rem3A_94, %mul3A_96, %dma_wait3A_248] : memref<2x16x6272x16xf32, #tpu.memory_space<hbm>> -> memref<1x1x392x16xf32, #tpu.memory_space<hbm>>
      %dma_wait3A_250 = tpu.memref_squeeze %dma_wait3A_249 : memref<1x1x392x16xf32, #tpu.memory_space<hbm>> -> memref<392x16xf32, #tpu.memory_space<hbm>>
      tpu.wait_dma2 semaphore(%run_scoped3A : memref<!tpu.dma_semaphore, #tpu.memory_space<semaphore_mem>>) src(%dma_wait3A_250 : memref<392x16xf32, #tpu.memory_space<hbm>>) dst(%arg10 : memref<392x16xf32, #tpu.memory_space<vmem>>)
      tpu.yield
    }) : () -> ()
    %scan3A_97 = arith.constant 0 : i32
    %scan3A_98 = arith.constant 0 : i32
    %scan3A_99 = arith.constant 392 : i32
    %scan3A_100 = arith.addi %scan3A_98, %scan3A_99 : i32
    %scan3A_101 = arith.constant 1 : i32
    %scan3A_102 = scf.for %scan3A_241 = %scan3A_98 to %scan3A_100 step %scan3A_101 iter_args(%scan3A_242 = %scan3A_97) -> (i32)  : i32 {
      %get3A = arith.index_cast %scan3A_241 : i32 to index
      %get3A_243 = arith.constant 0 : index
      %get3A_244 = tpu.vector_load %arg9[%get3A, %get3A_243] {strides = array<i32>} : memref<392x16xf32, #tpu.memory_space<vmem>>, vector<16xf32>,
      %get3A_245 = arith.index_cast %scan3A_241 : i32 to index
      %get3A_246 = arith.constant 0 : index
      %get3A_247 = tpu.vector_load %arg10[%get3A_245, %get3A_246] {strides = array<i32>} : memref<392x16xf32, #tpu.memory_space<vmem>>, vector<16xf32>,
      %add3A_248 = arith.addf %get3A_244, %get3A_247 : vector<16xf32>
      %swap3A = arith.index_cast %scan3A_241 : i32 to index
      %swap3A_249 = arith.constant 0 : index
      %swap3A_250 = tpu.vector_load %arg9[%swap3A, %swap3A_249] {strides = array<i32>} : memref<392x16xf32, #tpu.memory_space<vmem>>, vector<16xf32>,
      tpu.vector_store %arg9[%swap3A, %swap3A_249], %add3A_248 {strides = array<i32>} : memref<392x16xf32, #tpu.memory_space<vmem>>, vector<16xf32>,
      %scan3A_251 = arith.constant 0 : i32
      scf.yield %scan3A_251 : i32
    }
    %scan3A_103 = arith.constant 392 : i32
    %add3A_104 = arith.constant 1 : i32
    %add3A_105 = arith.addi %arg1, %add3A_104 : i32
    %add3A_106 = arith.constant 6 : i32
    %add3A_107 = arith.addi %add3A_105, %add3A_106 : i32
    %rem3A_108 = arith.constant 16 : i32
    %rem3A_109 = arith.remsi %add3A_107, %rem3A_108 : i32
    %mul3A_110 = arith.constant 392 : i32
    %mul3A_111 = arith.muli %arg1, %mul3A_110 : i32
    "tpu.region"() ({
      %run_scoped3A = tpu.sem_alloc : memref<!tpu.dma_semaphore, #tpu.memory_space<semaphore_mem>>
      %dma_start3A = arith.constant 0 : i32
      %dma_start3A_241 = tpu.memref_slice %arg5[%arg0, %rem3A_109, %mul3A_111, %dma_start3A] : memref<2x16x6272x16xf32, #tpu.memory_space<hbm>> -> memref<1x1x392x16xf32, #tpu.memory_space<hbm>>
      %dma_start3A_242 = tpu.memref_squeeze %dma_start3A_241 : memref<1x1x392x16xf32, #tpu.memory_space<hbm>> -> memref<392x16xf32, #tpu.memory_space<hbm>>
      %dma_start3A_243 = arith.constant 0 : i32
      %dma_start3A_244 = tpu.memref_slice %arg5[%arg0, %rem3A_109, %mul3A_111, %dma_start3A_243] : memref<2x16x6272x16xf32, #tpu.memory_space<hbm>> -> memref<1x1x392x16xf32, #tpu.memory_space<hbm>>
      %dma_start3A_245 = tpu.memref_squeeze %dma_start3A_244 : memref<1x1x392x16xf32, #tpu.memory_space<hbm>> -> memref<392x16xf32, #tpu.memory_space<hbm>>
      tpu.enqueue_dma source(%dma_start3A_245 : memref<392x16xf32, #tpu.memory_space<hbm>>) target(%arg10 : memref<392x16xf32, #tpu.memory_space<vmem>>) target_semaphore(%run_scoped3A : memref<!tpu.dma_semaphore, #tpu.memory_space<semaphore_mem>>)
      %dma_wait3A = arith.constant 0 : i32
      %dma_wait3A_246 = tpu.memref_slice %arg5[%arg0, %rem3A_109, %mul3A_111, %dma_wait3A] : memref<2x16x6272x16xf32, #tpu.memory_space<hbm>> -> memref<1x1x392x16xf32, #tpu.memory_space<hbm>>
      %dma_wait3A_247 = tpu.memref_squeeze %dma_wait3A_246 : memref<1x1x392x16xf32, #tpu.memory_space<hbm>> -> memref<392x16xf32, #tpu.memory_space<hbm>>
      %dma_wait3A_248 = arith.constant 0 : i32
      %dma_wait3A_249 = tpu.memref_slice %arg5[%arg0, %rem3A_109, %mul3A_111, %dma_wait3A_248] : memref<2x16x6272x16xf32, #tpu.memory_space<hbm>> -> memref<1x1x392x16xf32, #tpu.memory_space<hbm>>
      %dma_wait3A_250 = tpu.memref_squeeze %dma_wait3A_249 : memref<1x1x392x16xf32, #tpu.memory_space<hbm>> -> memref<392x16xf32, #tpu.memory_space<hbm>>
      tpu.wait_dma2 semaphore(%run_scoped3A : memref<!tpu.dma_semaphore, #tpu.memory_space<semaphore_mem>>) src(%dma_wait3A_250 : memref<392x16xf32, #tpu.memory_space<hbm>>) dst(%arg10 : memref<392x16xf32, #tpu.memory_space<vmem>>)
      tpu.yield
    }) : () -> ()
    %scan3A_112 = arith.constant 0 : i32
    %scan3A_113 = arith.constant 0 : i32
    %scan3A_114 = arith.constant 392 : i32
    %scan3A_115 = arith.addi %scan3A_113, %scan3A_114 : i32
    %scan3A_116 = arith.constant 1 : i32
    %scan3A_117 = scf.for %scan3A_241 = %scan3A_113 to %scan3A_115 step %scan3A_116 iter_args(%scan3A_242 = %scan3A_112) -> (i32)  : i32 {
      %get3A = arith.index_cast %scan3A_241 : i32 to index
      %get3A_243 = arith.constant 0 : index
      %get3A_244 = tpu.vector_load %arg9[%get3A, %get3A_243] {strides = array<i32>} : memref<392x16xf32, #tpu.memory_space<vmem>>, vector<16xf32>,
      %get3A_245 = arith.index_cast %scan3A_241 : i32 to index
      %get3A_246 = arith.constant 0 : index
      %get3A_247 = tpu.vector_load %arg10[%get3A_245, %get3A_246] {strides = array<i32>} : memref<392x16xf32, #tpu.memory_space<vmem>>, vector<16xf32>,
      %add3A_248 = arith.addf %get3A_244, %get3A_247 : vector<16xf32>
      %swap3A = arith.index_cast %scan3A_241 : i32 to index
      %swap3A_249 = arith.constant 0 : index
      %swap3A_250 = tpu.vector_load %arg9[%swap3A, %swap3A_249] {strides = array<i32>} : memref<392x16xf32, #tpu.memory_space<vmem>>, vector<16xf32>,
      tpu.vector_store %arg9[%swap3A, %swap3A_249], %add3A_248 {strides = array<i32>} : memref<392x16xf32, #tpu.memory_space<vmem>>, vector<16xf32>,
      %scan3A_251 = arith.constant 0 : i32
      scf.yield %scan3A_251 : i32
    }
    %scan3A_118 = arith.constant 392 : i32
    %add3A_119 = arith.constant 1 : i32
    %add3A_120 = arith.addi %arg1, %add3A_119 : i32
    %add3A_121 = arith.constant 7 : i32
    %add3A_122 = arith.addi %add3A_120, %add3A_121 : i32
    %rem3A_123 = arith.constant 16 : i32
    %rem3A_124 = arith.remsi %add3A_122, %rem3A_123 : i32
    %mul3A_125 = arith.constant 392 : i32
    %mul3A_126 = arith.muli %arg1, %mul3A_125 : i32
    "tpu.region"() ({
      %run_scoped3A = tpu.sem_alloc : memref<!tpu.dma_semaphore, #tpu.memory_space<semaphore_mem>>
      %dma_start3A = arith.constant 0 : i32
      %dma_start3A_241 = tpu.memref_slice %arg5[%arg0, %rem3A_124, %mul3A_126, %dma_start3A] : memref<2x16x6272x16xf32, #tpu.memory_space<hbm>> -> memref<1x1x392x16xf32, #tpu.memory_space<hbm>>
      %dma_start3A_242 = tpu.memref_squeeze %dma_start3A_241 : memref<1x1x392x16xf32, #tpu.memory_space<hbm>> -> memref<392x16xf32, #tpu.memory_space<hbm>>
      %dma_start3A_243 = arith.constant 0 : i32
      %dma_start3A_244 = tpu.memref_slice %arg5[%arg0, %rem3A_124, %mul3A_126, %dma_start3A_243] : memref<2x16x6272x16xf32, #tpu.memory_space<hbm>> -> memref<1x1x392x16xf32, #tpu.memory_space<hbm>>
      %dma_start3A_245 = tpu.memref_squeeze %dma_start3A_244 : memref<1x1x392x16xf32, #tpu.memory_space<hbm>> -> memref<392x16xf32, #tpu.memory_space<hbm>>
      tpu.enqueue_dma source(%dma_start3A_245 : memref<392x16xf32, #tpu.memory_space<hbm>>) target(%arg10 : memref<392x16xf32, #tpu.memory_space<vmem>>) target_semaphore(%run_scoped3A : memref<!tpu.dma_semaphore, #tpu.memory_space<semaphore_mem>>)
      %dma_wait3A = arith.constant 0 : i32
      %dma_wait3A_246 = tpu.memref_slice %arg5[%arg0, %rem3A_124, %mul3A_126, %dma_wait3A] : memref<2x16x6272x16xf32, #tpu.memory_space<hbm>> -> memref<1x1x392x16xf32, #tpu.memory_space<hbm>>
      %dma_wait3A_247 = tpu.memref_squeeze %dma_wait3A_246 : memref<1x1x392x16xf32, #tpu.memory_space<hbm>> -> memref<392x16xf32, #tpu.memory_space<hbm>>
      %dma_wait3A_248 = arith.constant 0 : i32
      %dma_wait3A_249 = tpu.memref_slice %arg5[%arg0, %rem3A_124, %mul3A_126, %dma_wait3A_248] : memref<2x16x6272x16xf32, #tpu.memory_space<hbm>> -> memref<1x1x392x16xf32, #tpu.memory_space<hbm>>
      %dma_wait3A_250 = tpu.memref_squeeze %dma_wait3A_249 : memref<1x1x392x16xf32, #tpu.memory_space<hbm>> -> memref<392x16xf32, #tpu.memory_space<hbm>>
      tpu.wait_dma2 semaphore(%run_scoped3A : memref<!tpu.dma_semaphore, #tpu.memory_space<semaphore_mem>>) src(%dma_wait3A_250 : memref<392x16xf32, #tpu.memory_space<hbm>>) dst(%arg10 : memref<392x16xf32, #tpu.memory_space<vmem>>)
      tpu.yield
    }) : () -> ()
    %scan3A_127 = arith.constant 0 : i32
    %scan3A_128 = arith.constant 0 : i32
    %scan3A_129 = arith.constant 392 : i32
    %scan3A_130 = arith.addi %scan3A_128, %scan3A_129 : i32
    %scan3A_131 = arith.constant 1 : i32
    %scan3A_132 = scf.for %scan3A_241 = %scan3A_128 to %scan3A_130 step %scan3A_131 iter_args(%scan3A_242 = %scan3A_127) -> (i32)  : i32 {
      %get3A = arith.index_cast %scan3A_241 : i32 to index
      %get3A_243 = arith.constant 0 : index
      %get3A_244 = tpu.vector_load %arg9[%get3A, %get3A_243] {strides = array<i32>} : memref<392x16xf32, #tpu.memory_space<vmem>>, vector<16xf32>,
      %get3A_245 = arith.index_cast %scan3A_241 : i32 to index
      %get3A_246 = arith.constant 0 : index
      %get3A_247 = tpu.vector_load %arg10[%get3A_245, %get3A_246] {strides = array<i32>} : memref<392x16xf32, #tpu.memory_space<vmem>>, vector<16xf32>,
      %add3A_248 = arith.addf %get3A_244, %get3A_247 : vector<16xf32>
      %swap3A = arith.index_cast %scan3A_241 : i32 to index
      %swap3A_249 = arith.constant 0 : index
      %swap3A_250 = tpu.vector_load %arg9[%swap3A, %swap3A_249] {strides = array<i32>} : memref<392x16xf32, #tpu.memory_space<vmem>>, vector<16xf32>,
      tpu.vector_store %arg9[%swap3A, %swap3A_249], %add3A_248 {strides = array<i32>} : memref<392x16xf32, #tpu.memory_space<vmem>>, vector<16xf32>,
      %scan3A_251 = arith.constant 0 : i32
      scf.yield %scan3A_251 : i32
    }
    %scan3A_133 = arith.constant 392 : i32
    %add3A_134 = arith.constant 1 : i32
    %add3A_135 = arith.addi %arg1, %add3A_134 : i32
    %add3A_136 = arith.constant 8 : i32
    %add3A_137 = arith.addi %add3A_135, %add3A_136 : i32
    %rem3A_138 = arith.constant 16 : i32
    %rem3A_139 = arith.remsi %add3A_137, %rem3A_138 : i32
    %mul3A_140 = arith.constant 392 : i32
    %mul3A_141 = arith.muli %arg1, %mul3A_140 : i32
    "tpu.region"() ({
      %run_scoped3A = tpu.sem_alloc : memref<!tpu.dma_semaphore, #tpu.memory_space<semaphore_mem>>
      %dma_start3A = arith.constant 0 : i32
      %dma_start3A_241 = tpu.memref_slice %arg5[%arg0, %rem3A_139, %mul3A_141, %dma_start3A] : memref<2x16x6272x16xf32, #tpu.memory_space<hbm>> -> memref<1x1x392x16xf32, #tpu.memory_space<hbm>>
      %dma_start3A_242 = tpu.memref_squeeze %dma_start3A_241 : memref<1x1x392x16xf32, #tpu.memory_space<hbm>> -> memref<392x16xf32, #tpu.memory_space<hbm>>
      %dma_start3A_243 = arith.constant 0 : i32
      %dma_start3A_244 = tpu.memref_slice %arg5[%arg0, %rem3A_139, %mul3A_141, %dma_start3A_243] : memref<2x16x6272x16xf32, #tpu.memory_space<hbm>> -> memref<1x1x392x16xf32, #tpu.memory_space<hbm>>
      %dma_start3A_245 = tpu.memref_squeeze %dma_start3A_244 : memref<1x1x392x16xf32, #tpu.memory_space<hbm>> -> memref<392x16xf32, #tpu.memory_space<hbm>>
      tpu.enqueue_dma source(%dma_start3A_245 : memref<392x16xf32, #tpu.memory_space<hbm>>) target(%arg10 : memref<392x16xf32, #tpu.memory_space<vmem>>) target_semaphore(%run_scoped3A : memref<!tpu.dma_semaphore, #tpu.memory_space<semaphore_mem>>)
      %dma_wait3A = arith.constant 0 : i32
      %dma_wait3A_246 = tpu.memref_slice %arg5[%arg0, %rem3A_139, %mul3A_141, %dma_wait3A] : memref<2x16x6272x16xf32, #tpu.memory_space<hbm>> -> memref<1x1x392x16xf32, #tpu.memory_space<hbm>>
      %dma_wait3A_247 = tpu.memref_squeeze %dma_wait3A_246 : memref<1x1x392x16xf32, #tpu.memory_space<hbm>> -> memref<392x16xf32, #tpu.memory_space<hbm>>
      %dma_wait3A_248 = arith.constant 0 : i32
      %dma_wait3A_249 = tpu.memref_slice %arg5[%arg0, %rem3A_139, %mul3A_141, %dma_wait3A_248] : memref<2x16x6272x16xf32, #tpu.memory_space<hbm>> -> memref<1x1x392x16xf32, #tpu.memory_space<hbm>>
      %dma_wait3A_250 = tpu.memref_squeeze %dma_wait3A_249 : memref<1x1x392x16xf32, #tpu.memory_space<hbm>> -> memref<392x16xf32, #tpu.memory_space<hbm>>
      tpu.wait_dma2 semaphore(%run_scoped3A : memref<!tpu.dma_semaphore, #tpu.memory_space<semaphore_mem>>) src(%dma_wait3A_250 : memref<392x16xf32, #tpu.memory_space<hbm>>) dst(%arg10 : memref<392x16xf32, #tpu.memory_space<vmem>>)
      tpu.yield
    }) : () -> ()
    %scan3A_142 = arith.constant 0 : i32
    %scan3A_143 = arith.constant 0 : i32
    %scan3A_144 = arith.constant 392 : i32
    %scan3A_145 = arith.addi %scan3A_143, %scan3A_144 : i32
    %scan3A_146 = arith.constant 1 : i32
    %scan3A_147 = scf.for %scan3A_241 = %scan3A_143 to %scan3A_145 step %scan3A_146 iter_args(%scan3A_242 = %scan3A_142) -> (i32)  : i32 {
      %get3A = arith.index_cast %scan3A_241 : i32 to index
      %get3A_243 = arith.constant 0 : index
      %get3A_244 = tpu.vector_load %arg9[%get3A, %get3A_243] {strides = array<i32>} : memref<392x16xf32, #tpu.memory_space<vmem>>, vector<16xf32>,
      %get3A_245 = arith.index_cast %scan3A_241 : i32 to index
      %get3A_246 = arith.constant 0 : index
      %get3A_247 = tpu.vector_load %arg10[%get3A_245, %get3A_246] {strides = array<i32>} : memref<392x16xf32, #tpu.memory_space<vmem>>, vector<16xf32>,
      %add3A_248 = arith.addf %get3A_244, %get3A_247 : vector<16xf32>
      %swap3A = arith.index_cast %scan3A_241 : i32 to index
      %swap3A_249 = arith.constant 0 : index
      %swap3A_250 = tpu.vector_load %arg9[%swap3A, %swap3A_249] {strides = array<i32>} : memref<392x16xf32, #tpu.memory_space<vmem>>, vector<16xf32>,
      tpu.vector_store %arg9[%swap3A, %swap3A_249], %add3A_248 {strides = array<i32>} : memref<392x16xf32, #tpu.memory_space<vmem>>, vector<16xf32>,
      %scan3A_251 = arith.constant 0 : i32
      scf.yield %scan3A_251 : i32
    }
    %scan3A_148 = arith.constant 392 : i32
    %add3A_149 = arith.constant 1 : i32
    %add3A_150 = arith.addi %arg1, %add3A_149 : i32
    %add3A_151 = arith.constant 9 : i32
    %add3A_152 = arith.addi %add3A_150, %add3A_151 : i32
    %rem3A_153 = arith.constant 16 : i32
    %rem3A_154 = arith.remsi %add3A_152, %rem3A_153 : i32
    %mul3A_155 = arith.constant 392 : i32
    %mul3A_156 = arith.muli %arg1, %mul3A_155 : i32
    "tpu.region"() ({
      %run_scoped3A = tpu.sem_alloc : memref<!tpu.dma_semaphore, #tpu.memory_space<semaphore_mem>>
      %dma_start3A = arith.constant 0 : i32
      %dma_start3A_241 = tpu.memref_slice %arg5[%arg0, %rem3A_154, %mul3A_156, %dma_start3A] : memref<2x16x6272x16xf32, #tpu.memory_space<hbm>> -> memref<1x1x392x16xf32, #tpu.memory_space<hbm>>
      %dma_start3A_242 = tpu.memref_squeeze %dma_start3A_241 : memref<1x1x392x16xf32, #tpu.memory_space<hbm>> -> memref<392x16xf32, #tpu.memory_space<hbm>>
      %dma_start3A_243 = arith.constant 0 : i32
      %dma_start3A_244 = tpu.memref_slice %arg5[%arg0, %rem3A_154, %mul3A_156, %dma_start3A_243] : memref<2x16x6272x16xf32, #tpu.memory_space<hbm>> -> memref<1x1x392x16xf32, #tpu.memory_space<hbm>>
      %dma_start3A_245 = tpu.memref_squeeze %dma_start3A_244 : memref<1x1x392x16xf32, #tpu.memory_space<hbm>> -> memref<392x16xf32, #tpu.memory_space<hbm>>
      tpu.enqueue_dma source(%dma_start3A_245 : memref<392x16xf32, #tpu.memory_space<hbm>>) target(%arg10 : memref<392x16xf32, #tpu.memory_space<vmem>>) target_semaphore(%run_scoped3A : memref<!tpu.dma_semaphore, #tpu.memory_space<semaphore_mem>>)
      %dma_wait3A = arith.constant 0 : i32
      %dma_wait3A_246 = tpu.memref_slice %arg5[%arg0, %rem3A_154, %mul3A_156, %dma_wait3A] : memref<2x16x6272x16xf32, #tpu.memory_space<hbm>> -> memref<1x1x392x16xf32, #tpu.memory_space<hbm>>
      %dma_wait3A_247 = tpu.memref_squeeze %dma_wait3A_246 : memref<1x1x392x16xf32, #tpu.memory_space<hbm>> -> memref<392x16xf32, #tpu.memory_space<hbm>>
      %dma_wait3A_248 = arith.constant 0 : i32
      %dma_wait3A_249 = tpu.memref_slice %arg5[%arg0, %rem3A_154, %mul3A_156, %dma_wait3A_248] : memref<2x16x6272x16xf32, #tpu.memory_space<hbm>> -> memref<1x1x392x16xf32, #tpu.memory_space<hbm>>
      %dma_wait3A_250 = tpu.memref_squeeze %dma_wait3A_249 : memref<1x1x392x16xf32, #tpu.memory_space<hbm>> -> memref<392x16xf32, #tpu.memory_space<hbm>>
      tpu.wait_dma2 semaphore(%run_scoped3A : memref<!tpu.dma_semaphore, #tpu.memory_space<semaphore_mem>>) src(%dma_wait3A_250 : memref<392x16xf32, #tpu.memory_space<hbm>>) dst(%arg10 : memref<392x16xf32, #tpu.memory_space<vmem>>)
      tpu.yield
    }) : () -> ()
    %scan3A_157 = arith.constant 0 : i32
    %scan3A_158 = arith.constant 0 : i32
    %scan3A_159 = arith.constant 392 : i32
    %scan3A_160 = arith.addi %scan3A_158, %scan3A_159 : i32
    %scan3A_161 = arith.constant 1 : i32
    %scan3A_162 = scf.for %scan3A_241 = %scan3A_158 to %scan3A_160 step %scan3A_161 iter_args(%scan3A_242 = %scan3A_157) -> (i32)  : i32 {
      %get3A = arith.index_cast %scan3A_241 : i32 to index
      %get3A_243 = arith.constant 0 : index
      %get3A_244 = tpu.vector_load %arg9[%get3A, %get3A_243] {strides = array<i32>} : memref<392x16xf32, #tpu.memory_space<vmem>>, vector<16xf32>,
      %get3A_245 = arith.index_cast %scan3A_241 : i32 to index
      %get3A_246 = arith.constant 0 : index
      %get3A_247 = tpu.vector_load %arg10[%get3A_245, %get3A_246] {strides = array<i32>} : memref<392x16xf32, #tpu.memory_space<vmem>>, vector<16xf32>,
      %add3A_248 = arith.addf %get3A_244, %get3A_247 : vector<16xf32>
      %swap3A = arith.index_cast %scan3A_241 : i32 to index
      %swap3A_249 = arith.constant 0 : index
      %swap3A_250 = tpu.vector_load %arg9[%swap3A, %swap3A_249] {strides = array<i32>} : memref<392x16xf32, #tpu.memory_space<vmem>>, vector<16xf32>,
      tpu.vector_store %arg9[%swap3A, %swap3A_249], %add3A_248 {strides = array<i32>} : memref<392x16xf32, #tpu.memory_space<vmem>>, vector<16xf32>,
      %scan3A_251 = arith.constant 0 : i32
      scf.yield %scan3A_251 : i32
    }
    %scan3A_163 = arith.constant 392 : i32
    %add3A_164 = arith.constant 1 : i32
    %add3A_165 = arith.addi %arg1, %add3A_164 : i32
    %add3A_166 = arith.constant 10 : i32
    %add3A_167 = arith.addi %add3A_165, %add3A_166 : i32
    %rem3A_168 = arith.constant 16 : i32
    %rem3A_169 = arith.remsi %add3A_167, %rem3A_168 : i32
    %mul3A_170 = arith.constant 392 : i32
    %mul3A_171 = arith.muli %arg1, %mul3A_170 : i32
    "tpu.region"() ({
      %run_scoped3A = tpu.sem_alloc : memref<!tpu.dma_semaphore, #tpu.memory_space<semaphore_mem>>
      %dma_start3A = arith.constant 0 : i32
      %dma_start3A_241 = tpu.memref_slice %arg5[%arg0, %rem3A_169, %mul3A_171, %dma_start3A] : memref<2x16x6272x16xf32, #tpu.memory_space<hbm>> -> memref<1x1x392x16xf32, #tpu.memory_space<hbm>>
      %dma_start3A_242 = tpu.memref_squeeze %dma_start3A_241 : memref<1x1x392x16xf32, #tpu.memory_space<hbm>> -> memref<392x16xf32, #tpu.memory_space<hbm>>
      %dma_start3A_243 = arith.constant 0 : i32
      %dma_start3A_244 = tpu.memref_slice %arg5[%arg0, %rem3A_169, %mul3A_171, %dma_start3A_243] : memref<2x16x6272x16xf32, #tpu.memory_space<hbm>> -> memref<1x1x392x16xf32, #tpu.memory_space<hbm>>
      %dma_start3A_245 = tpu.memref_squeeze %dma_start3A_244 : memref<1x1x392x16xf32, #tpu.memory_space<hbm>> -> memref<392x16xf32, #tpu.memory_space<hbm>>
      tpu.enqueue_dma source(%dma_start3A_245 : memref<392x16xf32, #tpu.memory_space<hbm>>) target(%arg10 : memref<392x16xf32, #tpu.memory_space<vmem>>) target_semaphore(%run_scoped3A : memref<!tpu.dma_semaphore, #tpu.memory_space<semaphore_mem>>)
      %dma_wait3A = arith.constant 0 : i32
      %dma_wait3A_246 = tpu.memref_slice %arg5[%arg0, %rem3A_169, %mul3A_171, %dma_wait3A] : memref<2x16x6272x16xf32, #tpu.memory_space<hbm>> -> memref<1x1x392x16xf32, #tpu.memory_space<hbm>>
      %dma_wait3A_247 = tpu.memref_squeeze %dma_wait3A_246 : memref<1x1x392x16xf32, #tpu.memory_space<hbm>> -> memref<392x16xf32, #tpu.memory_space<hbm>>
      %dma_wait3A_248 = arith.constant 0 : i32
      %dma_wait3A_249 = tpu.memref_slice %arg5[%arg0, %rem3A_169, %mul3A_171, %dma_wait3A_248] : memref<2x16x6272x16xf32, #tpu.memory_space<hbm>> -> memref<1x1x392x16xf32, #tpu.memory_space<hbm>>
      %dma_wait3A_250 = tpu.memref_squeeze %dma_wait3A_249 : memref<1x1x392x16xf32, #tpu.memory_space<hbm>> -> memref<392x16xf32, #tpu.memory_space<hbm>>
      tpu.wait_dma2 semaphore(%run_scoped3A : memref<!tpu.dma_semaphore, #tpu.memory_space<semaphore_mem>>) src(%dma_wait3A_250 : memref<392x16xf32, #tpu.memory_space<hbm>>) dst(%arg10 : memref<392x16xf32, #tpu.memory_space<vmem>>)
      tpu.yield
    }) : () -> ()
    %scan3A_172 = arith.constant 0 : i32
    %scan3A_173 = arith.constant 0 : i32
    %scan3A_174 = arith.constant 392 : i32
    %scan3A_175 = arith.addi %scan3A_173, %scan3A_174 : i32
    %scan3A_176 = arith.constant 1 : i32
    %scan3A_177 = scf.for %scan3A_241 = %scan3A_173 to %scan3A_175 step %scan3A_176 iter_args(%scan3A_242 = %scan3A_172) -> (i32)  : i32 {
      %get3A = arith.index_cast %scan3A_241 : i32 to index
      %get3A_243 = arith.constant 0 : index
      %get3A_244 = tpu.vector_load %arg9[%get3A, %get3A_243] {strides = array<i32>} : memref<392x16xf32, #tpu.memory_space<vmem>>, vector<16xf32>,
      %get3A_245 = arith.index_cast %scan3A_241 : i32 to index
      %get3A_246 = arith.constant 0 : index
      %get3A_247 = tpu.vector_load %arg10[%get3A_245, %get3A_246] {strides = array<i32>} : memref<392x16xf32, #tpu.memory_space<vmem>>, vector<16xf32>,
      %add3A_248 = arith.addf %get3A_244, %get3A_247 : vector<16xf32>
      %swap3A = arith.index_cast %scan3A_241 : i32 to index
      %swap3A_249 = arith.constant 0 : index
      %swap3A_250 = tpu.vector_load %arg9[%swap3A, %swap3A_249] {strides = array<i32>} : memref<392x16xf32, #tpu.memory_space<vmem>>, vector<16xf32>,
      tpu.vector_store %arg9[%swap3A, %swap3A_249], %add3A_248 {strides = array<i32>} : memref<392x16xf32, #tpu.memory_space<vmem>>, vector<16xf32>,
      %scan3A_251 = arith.constant 0 : i32
      scf.yield %scan3A_251 : i32
    }
    %scan3A_178 = arith.constant 392 : i32
    %add3A_179 = arith.constant 1 : i32
    %add3A_180 = arith.addi %arg1, %add3A_179 : i32
    %add3A_181 = arith.constant 11 : i32
    %add3A_182 = arith.addi %add3A_180, %add3A_181 : i32
    %rem3A_183 = arith.constant 16 : i32
    %rem3A_184 = arith.remsi %add3A_182, %rem3A_183 : i32
    %mul3A_185 = arith.constant 392 : i32
    %mul3A_186 = arith.muli %arg1, %mul3A_185 : i32
    "tpu.region"() ({
      %run_scoped3A = tpu.sem_alloc : memref<!tpu.dma_semaphore, #tpu.memory_space<semaphore_mem>>
      %dma_start3A = arith.constant 0 : i32
      %dma_start3A_241 = tpu.memref_slice %arg5[%arg0, %rem3A_184, %mul3A_186, %dma_start3A] : memref<2x16x6272x16xf32, #tpu.memory_space<hbm>> -> memref<1x1x392x16xf32, #tpu.memory_space<hbm>>
      %dma_start3A_242 = tpu.memref_squeeze %dma_start3A_241 : memref<1x1x392x16xf32, #tpu.memory_space<hbm>> -> memref<392x16xf32, #tpu.memory_space<hbm>>
      %dma_start3A_243 = arith.constant 0 : i32
      %dma_start3A_244 = tpu.memref_slice %arg5[%arg0, %rem3A_184, %mul3A_186, %dma_start3A_243] : memref<2x16x6272x16xf32, #tpu.memory_space<hbm>> -> memref<1x1x392x16xf32, #tpu.memory_space<hbm>>
      %dma_start3A_245 = tpu.memref_squeeze %dma_start3A_244 : memref<1x1x392x16xf32, #tpu.memory_space<hbm>> -> memref<392x16xf32, #tpu.memory_space<hbm>>
      tpu.enqueue_dma source(%dma_start3A_245 : memref<392x16xf32, #tpu.memory_space<hbm>>) target(%arg10 : memref<392x16xf32, #tpu.memory_space<vmem>>) target_semaphore(%run_scoped3A : memref<!tpu.dma_semaphore, #tpu.memory_space<semaphore_mem>>)
      %dma_wait3A = arith.constant 0 : i32
      %dma_wait3A_246 = tpu.memref_slice %arg5[%arg0, %rem3A_184, %mul3A_186, %dma_wait3A] : memref<2x16x6272x16xf32, #tpu.memory_space<hbm>> -> memref<1x1x392x16xf32, #tpu.memory_space<hbm>>
      %dma_wait3A_247 = tpu.memref_squeeze %dma_wait3A_246 : memref<1x1x392x16xf32, #tpu.memory_space<hbm>> -> memref<392x16xf32, #tpu.memory_space<hbm>>
      %dma_wait3A_248 = arith.constant 0 : i32
      %dma_wait3A_249 = tpu.memref_slice %arg5[%arg0, %rem3A_184, %mul3A_186, %dma_wait3A_248] : memref<2x16x6272x16xf32, #tpu.memory_space<hbm>> -> memref<1x1x392x16xf32, #tpu.memory_space<hbm>>
      %dma_wait3A_250 = tpu.memref_squeeze %dma_wait3A_249 : memref<1x1x392x16xf32, #tpu.memory_space<hbm>> -> memref<392x16xf32, #tpu.memory_space<hbm>>
      tpu.wait_dma2 semaphore(%run_scoped3A : memref<!tpu.dma_semaphore, #tpu.memory_space<semaphore_mem>>) src(%dma_wait3A_250 : memref<392x16xf32, #tpu.memory_space<hbm>>) dst(%arg10 : memref<392x16xf32, #tpu.memory_space<vmem>>)
      tpu.yield
    }) : () -> ()
    %scan3A_187 = arith.constant 0 : i32
    %scan3A_188 = arith.constant 0 : i32
    %scan3A_189 = arith.constant 392 : i32
    %scan3A_190 = arith.addi %scan3A_188, %scan3A_189 : i32
    %scan3A_191 = arith.constant 1 : i32
    %scan3A_192 = scf.for %scan3A_241 = %scan3A_188 to %scan3A_190 step %scan3A_191 iter_args(%scan3A_242 = %scan3A_187) -> (i32)  : i32 {
      %get3A = arith.index_cast %scan3A_241 : i32 to index
      %get3A_243 = arith.constant 0 : index
      %get3A_244 = tpu.vector_load %arg9[%get3A, %get3A_243] {strides = array<i32>} : memref<392x16xf32, #tpu.memory_space<vmem>>, vector<16xf32>,
      %get3A_245 = arith.index_cast %scan3A_241 : i32 to index
      %get3A_246 = arith.constant 0 : index
      %get3A_247 = tpu.vector_load %arg10[%get3A_245, %get3A_246] {strides = array<i32>} : memref<392x16xf32, #tpu.memory_space<vmem>>, vector<16xf32>,
      %add3A_248 = arith.addf %get3A_244, %get3A_247 : vector<16xf32>
      %swap3A = arith.index_cast %scan3A_241 : i32 to index
      %swap3A_249 = arith.constant 0 : index
      %swap3A_250 = tpu.vector_load %arg9[%swap3A, %swap3A_249] {strides = array<i32>} : memref<392x16xf32, #tpu.memory_space<vmem>>, vector<16xf32>,
      tpu.vector_store %arg9[%swap3A, %swap3A_249], %add3A_248 {strides = array<i32>} : memref<392x16xf32, #tpu.memory_space<vmem>>, vector<16xf32>,
      %scan3A_251 = arith.constant 0 : i32
      scf.yield %scan3A_251 : i32
    }
    %scan3A_193 = arith.constant 392 : i32
    %add3A_194 = arith.constant 1 : i32
    %add3A_195 = arith.addi %arg1, %add3A_194 : i32
    %add3A_196 = arith.constant 12 : i32
    %add3A_197 = arith.addi %add3A_195, %add3A_196 : i32
    %rem3A_198 = arith.constant 16 : i32
    %rem3A_199 = arith.remsi %add3A_197, %rem3A_198 : i32
    %mul3A_200 = arith.constant 392 : i32
    %mul3A_201 = arith.muli %arg1, %mul3A_200 : i32
    "tpu.region"() ({
      %run_scoped3A = tpu.sem_alloc : memref<!tpu.dma_semaphore, #tpu.memory_space<semaphore_mem>>
      %dma_start3A = arith.constant 0 : i32
      %dma_start3A_241 = tpu.memref_slice %arg5[%arg0, %rem3A_199, %mul3A_201, %dma_start3A] : memref<2x16x6272x16xf32, #tpu.memory_space<hbm>> -> memref<1x1x392x16xf32, #tpu.memory_space<hbm>>
      %dma_start3A_242 = tpu.memref_squeeze %dma_start3A_241 : memref<1x1x392x16xf32, #tpu.memory_space<hbm>> -> memref<392x16xf32, #tpu.memory_space<hbm>>
      %dma_start3A_243 = arith.constant 0 : i32
      %dma_start3A_244 = tpu.memref_slice %arg5[%arg0, %rem3A_199, %mul3A_201, %dma_start3A_243] : memref<2x16x6272x16xf32, #tpu.memory_space<hbm>> -> memref<1x1x392x16xf32, #tpu.memory_space<hbm>>
      %dma_start3A_245 = tpu.memref_squeeze %dma_start3A_244 : memref<1x1x392x16xf32, #tpu.memory_space<hbm>> -> memref<392x16xf32, #tpu.memory_space<hbm>>
      tpu.enqueue_dma source(%dma_start3A_245 : memref<392x16xf32, #tpu.memory_space<hbm>>) target(%arg10 : memref<392x16xf32, #tpu.memory_space<vmem>>) target_semaphore(%run_scoped3A : memref<!tpu.dma_semaphore, #tpu.memory_space<semaphore_mem>>)
      %dma_wait3A = arith.constant 0 : i32
      %dma_wait3A_246 = tpu.memref_slice %arg5[%arg0, %rem3A_199, %mul3A_201, %dma_wait3A] : memref<2x16x6272x16xf32, #tpu.memory_space<hbm>> -> memref<1x1x392x16xf32, #tpu.memory_space<hbm>>
      %dma_wait3A_247 = tpu.memref_squeeze %dma_wait3A_246 : memref<1x1x392x16xf32, #tpu.memory_space<hbm>> -> memref<392x16xf32, #tpu.memory_space<hbm>>
      %dma_wait3A_248 = arith.constant 0 : i32
      %dma_wait3A_249 = tpu.memref_slice %arg5[%arg0, %rem3A_199, %mul3A_201, %dma_wait3A_248] : memref<2x16x6272x16xf32, #tpu.memory_space<hbm>> -> memref<1x1x392x16xf32, #tpu.memory_space<hbm>>
      %dma_wait3A_250 = tpu.memref_squeeze %dma_wait3A_249 : memref<1x1x392x16xf32, #tpu.memory_space<hbm>> -> memref<392x16xf32, #tpu.memory_space<hbm>>
      tpu.wait_dma2 semaphore(%run_scoped3A : memref<!tpu.dma_semaphore, #tpu.memory_space<semaphore_mem>>) src(%dma_wait3A_250 : memref<392x16xf32, #tpu.memory_space<hbm>>) dst(%arg10 : memref<392x16xf32, #tpu.memory_space<vmem>>)
      tpu.yield
    }) : () -> ()
    %scan3A_202 = arith.constant 0 : i32
    %scan3A_203 = arith.constant 0 : i32
    %scan3A_204 = arith.constant 392 : i32
    %scan3A_205 = arith.addi %scan3A_203, %scan3A_204 : i32
    %scan3A_206 = arith.constant 1 : i32
    %scan3A_207 = scf.for %scan3A_241 = %scan3A_203 to %scan3A_205 step %scan3A_206 iter_args(%scan3A_242 = %scan3A_202) -> (i32)  : i32 {
      %get3A = arith.index_cast %scan3A_241 : i32 to index
      %get3A_243 = arith.constant 0 : index
      %get3A_244 = tpu.vector_load %arg9[%get3A, %get3A_243] {strides = array<i32>} : memref<392x16xf32, #tpu.memory_space<vmem>>, vector<16xf32>,
      %get3A_245 = arith.index_cast %scan3A_241 : i32 to index
      %get3A_246 = arith.constant 0 : index
      %get3A_247 = tpu.vector_load %arg10[%get3A_245, %get3A_246] {strides = array<i32>} : memref<392x16xf32, #tpu.memory_space<vmem>>, vector<16xf32>,
      %add3A_248 = arith.addf %get3A_244, %get3A_247 : vector<16xf32>
      %swap3A = arith.index_cast %scan3A_241 : i32 to index
      %swap3A_249 = arith.constant 0 : index
      %swap3A_250 = tpu.vector_load %arg9[%swap3A, %swap3A_249] {strides = array<i32>} : memref<392x16xf32, #tpu.memory_space<vmem>>, vector<16xf32>,
      tpu.vector_store %arg9[%swap3A, %swap3A_249], %add3A_248 {strides = array<i32>} : memref<392x16xf32, #tpu.memory_space<vmem>>, vector<16xf32>,
      %scan3A_251 = arith.constant 0 : i32
      scf.yield %scan3A_251 : i32
    }
    %scan3A_208 = arith.constant 392 : i32
    %add3A_209 = arith.constant 1 : i32
    %add3A_210 = arith.addi %arg1, %add3A_209 : i32
    %add3A_211 = arith.constant 13 : i32
    %add3A_212 = arith.addi %add3A_210, %add3A_211 : i32
    %rem3A_213 = arith.constant 16 : i32
    %rem3A_214 = arith.remsi %add3A_212, %rem3A_213 : i32
    %mul3A_215 = arith.constant 392 : i32
    %mul3A_216 = arith.muli %arg1, %mul3A_215 : i32
    "tpu.region"() ({
      %run_scoped3A = tpu.sem_alloc : memref<!tpu.dma_semaphore, #tpu.memory_space<semaphore_mem>>
      %dma_start3A = arith.constant 0 : i32
      %dma_start3A_241 = tpu.memref_slice %arg5[%arg0, %rem3A_214, %mul3A_216, %dma_start3A] : memref<2x16x6272x16xf32, #tpu.memory_space<hbm>> -> memref<1x1x392x16xf32, #tpu.memory_space<hbm>>
      %dma_start3A_242 = tpu.memref_squeeze %dma_start3A_241 : memref<1x1x392x16xf32, #tpu.memory_space<hbm>> -> memref<392x16xf32, #tpu.memory_space<hbm>>
      %dma_start3A_243 = arith.constant 0 : i32
      %dma_start3A_244 = tpu.memref_slice %arg5[%arg0, %rem3A_214, %mul3A_216, %dma_start3A_243] : memref<2x16x6272x16xf32, #tpu.memory_space<hbm>> -> memref<1x1x392x16xf32, #tpu.memory_space<hbm>>
      %dma_start3A_245 = tpu.memref_squeeze %dma_start3A_244 : memref<1x1x392x16xf32, #tpu.memory_space<hbm>> -> memref<392x16xf32, #tpu.memory_space<hbm>>
      tpu.enqueue_dma source(%dma_start3A_245 : memref<392x16xf32, #tpu.memory_space<hbm>>) target(%arg10 : memref<392x16xf32, #tpu.memory_space<vmem>>) target_semaphore(%run_scoped3A : memref<!tpu.dma_semaphore, #tpu.memory_space<semaphore_mem>>)
      %dma_wait3A = arith.constant 0 : i32
      %dma_wait3A_246 = tpu.memref_slice %arg5[%arg0, %rem3A_214, %mul3A_216, %dma_wait3A] : memref<2x16x6272x16xf32, #tpu.memory_space<hbm>> -> memref<1x1x392x16xf32, #tpu.memory_space<hbm>>
      %dma_wait3A_247 = tpu.memref_squeeze %dma_wait3A_246 : memref<1x1x392x16xf32, #tpu.memory_space<hbm>> -> memref<392x16xf32, #tpu.memory_space<hbm>>
      %dma_wait3A_248 = arith.constant 0 : i32
      %dma_wait3A_249 = tpu.memref_slice %arg5[%arg0, %rem3A_214, %mul3A_216, %dma_wait3A_248] : memref<2x16x6272x16xf32, #tpu.memory_space<hbm>> -> memref<1x1x392x16xf32, #tpu.memory_space<hbm>>
      %dma_wait3A_250 = tpu.memref_squeeze %dma_wait3A_249 : memref<1x1x392x16xf32, #tpu.memory_space<hbm>> -> memref<392x16xf32, #tpu.memory_space<hbm>>
      tpu.wait_dma2 semaphore(%run_scoped3A : memref<!tpu.dma_semaphore, #tpu.memory_space<semaphore_mem>>) src(%dma_wait3A_250 : memref<392x16xf32, #tpu.memory_space<hbm>>) dst(%arg10 : memref<392x16xf32, #tpu.memory_space<vmem>>)
      tpu.yield
    }) : () -> ()
    %scan3A_217 = arith.constant 0 : i32
    %scan3A_218 = arith.constant 0 : i32
    %scan3A_219 = arith.constant 392 : i32
    %scan3A_220 = arith.addi %scan3A_218, %scan3A_219 : i32
    %scan3A_221 = arith.constant 1 : i32
    %scan3A_222 = scf.for %scan3A_241 = %scan3A_218 to %scan3A_220 step %scan3A_221 iter_args(%scan3A_242 = %scan3A_217) -> (i32)  : i32 {
      %get3A = arith.index_cast %scan3A_241 : i32 to index
      %get3A_243 = arith.constant 0 : index
      %get3A_244 = tpu.vector_load %arg9[%get3A, %get3A_243] {strides = array<i32>} : memref<392x16xf32, #tpu.memory_space<vmem>>, vector<16xf32>,
      %get3A_245 = arith.index_cast %scan3A_241 : i32 to index
      %get3A_246 = arith.constant 0 : index
      %get3A_247 = tpu.vector_load %arg10[%get3A_245, %get3A_246] {strides = array<i32>} : memref<392x16xf32, #tpu.memory_space<vmem>>, vector<16xf32>,
      %add3A_248 = arith.addf %get3A_244, %get3A_247 : vector<16xf32>
      %swap3A = arith.index_cast %scan3A_241 : i32 to index
      %swap3A_249 = arith.constant 0 : index
      %swap3A_250 = tpu.vector_load %arg9[%swap3A, %swap3A_249] {strides = array<i32>} : memref<392x16xf32, #tpu.memory_space<vmem>>, vector<16xf32>,
      tpu.vector_store %arg9[%swap3A, %swap3A_249], %add3A_248 {strides = array<i32>} : memref<392x16xf32, #tpu.memory_space<vmem>>, vector<16xf32>,
      %scan3A_251 = arith.constant 0 : i32
      scf.yield %scan3A_251 : i32
    }
    %scan3A_223 = arith.constant 392 : i32
    %add3A_224 = arith.constant 1 : i32
    %add3A_225 = arith.addi %arg1, %add3A_224 : i32
    %add3A_226 = arith.constant 14 : i32
    %add3A_227 = arith.addi %add3A_225, %add3A_226 : i32
    %rem3A_228 = arith.constant 16 : i32
    %rem3A_229 = arith.remsi %add3A_227, %rem3A_228 : i32
    %mul3A_230 = arith.constant 392 : i32
    %mul3A_231 = arith.muli %arg1, %mul3A_230 : i32
    "tpu.region"() ({
      %run_scoped3A = tpu.sem_alloc : memref<!tpu.dma_semaphore, #tpu.memory_space<semaphore_mem>>
      %dma_start3A = arith.constant 0 : i32
      %dma_start3A_241 = tpu.memref_slice %arg5[%arg0, %rem3A_229, %mul3A_231, %dma_start3A] : memref<2x16x6272x16xf32, #tpu.memory_space<hbm>> -> memref<1x1x392x16xf32, #tpu.memory_space<hbm>>
      %dma_start3A_242 = tpu.memref_squeeze %dma_start3A_241 : memref<1x1x392x16xf32, #tpu.memory_space<hbm>> -> memref<392x16xf32, #tpu.memory_space<hbm>>
      %dma_start3A_243 = arith.constant 0 : i32
      %dma_start3A_244 = tpu.memref_slice %arg5[%arg0, %rem3A_229, %mul3A_231, %dma_start3A_243] : memref<2x16x6272x16xf32, #tpu.memory_space<hbm>> -> memref<1x1x392x16xf32, #tpu.memory_space<hbm>>
      %dma_start3A_245 = tpu.memref_squeeze %dma_start3A_244 : memref<1x1x392x16xf32, #tpu.memory_space<hbm>> -> memref<392x16xf32, #tpu.memory_space<hbm>>
      tpu.enqueue_dma source(%dma_start3A_245 : memref<392x16xf32, #tpu.memory_space<hbm>>) target(%arg10 : memref<392x16xf32, #tpu.memory_space<vmem>>) target_semaphore(%run_scoped3A : memref<!tpu.dma_semaphore, #tpu.memory_space<semaphore_mem>>)
      %dma_wait3A = arith.constant 0 : i32
      %dma_wait3A_246 = tpu.memref_slice %arg5[%arg0, %rem3A_229, %mul3A_231, %dma_wait3A] : memref<2x16x6272x16xf32, #tpu.memory_space<hbm>> -> memref<1x1x392x16xf32, #tpu.memory_space<hbm>>
      %dma_wait3A_247 = tpu.memref_squeeze %dma_wait3A_246 : memref<1x1x392x16xf32, #tpu.memory_space<hbm>> -> memref<392x16xf32, #tpu.memory_space<hbm>>
      %dma_wait3A_248 = arith.constant 0 : i32
      %dma_wait3A_249 = tpu.memref_slice %arg5[%arg0, %rem3A_229, %mul3A_231, %dma_wait3A_248] : memref<2x16x6272x16xf32, #tpu.memory_space<hbm>> -> memref<1x1x392x16xf32, #tpu.memory_space<hbm>>
      %dma_wait3A_250 = tpu.memref_squeeze %dma_wait3A_249 : memref<1x1x392x16xf32, #tpu.memory_space<hbm>> -> memref<392x16xf32, #tpu.memory_space<hbm>>
      tpu.wait_dma2 semaphore(%run_scoped3A : memref<!tpu.dma_semaphore, #tpu.memory_space<semaphore_mem>>) src(%dma_wait3A_250 : memref<392x16xf32, #tpu.memory_space<hbm>>) dst(%arg10 : memref<392x16xf32, #tpu.memory_space<vmem>>)
      tpu.yield
    }) : () -> ()
    %scan3A_232 = arith.constant 0 : i32
    %scan3A_233 = arith.constant 0 : i32
    %scan3A_234 = arith.constant 392 : i32
    %scan3A_235 = arith.addi %scan3A_233, %scan3A_234 : i32
    %scan3A_236 = arith.constant 1 : i32
    %scan3A_237 = scf.for %scan3A_241 = %scan3A_233 to %scan3A_235 step %scan3A_236 iter_args(%scan3A_242 = %scan3A_232) -> (i32)  : i32 {
      %get3A = arith.index_cast %scan3A_241 : i32 to index
      %get3A_243 = arith.constant 0 : index
      %get3A_244 = tpu.vector_load %arg9[%get3A, %get3A_243] {strides = array<i32>} : memref<392x16xf32, #tpu.memory_space<vmem>>, vector<16xf32>,
      %get3A_245 = arith.index_cast %scan3A_241 : i32 to index
      %get3A_246 = arith.constant 0 : index
      %get3A_247 = tpu.vector_load %arg10[%get3A_245, %get3A_246] {strides = array<i32>} : memref<392x16xf32, #tpu.memory_space<vmem>>, vector<16xf32>,
      %add3A_248 = arith.addf %get3A_244, %get3A_247 : vector<16xf32>
      %swap3A = arith.index_cast %scan3A_241 : i32 to index
      %swap3A_249 = arith.constant 0 : index
      %swap3A_250 = tpu.vector_load %arg9[%swap3A, %swap3A_249] {strides = array<i32>} : memref<392x16xf32, #tpu.memory_space<vmem>>, vector<16xf32>,
      tpu.vector_store %arg9[%swap3A, %swap3A_249], %add3A_248 {strides = array<i32>} : memref<392x16xf32, #tpu.memory_space<vmem>>, vector<16xf32>,
      %scan3A_251 = arith.constant 0 : i32
      scf.yield %scan3A_251 : i32
    }
    %scan3A_238 = arith.constant 392 : i32
    %mul3A_239 = arith.constant 392 : i32
    %mul3A_240 = arith.muli %arg1, %mul3A_239 : i32
    "tpu.region"() ({
      %run_scoped3A = tpu.sem_alloc : memref<!tpu.dma_semaphore, #tpu.memory_space<semaphore_mem>>
      %dma_start3A = arith.constant 0 : i32
      %dma_start3A_241 = tpu.memref_slice %arg4[%arg0, %mul3A_240, %dma_start3A] : memref<2x6272x16xf32, #tpu.memory_space<hbm>> -> memref<1x392x16xf32, #tpu.memory_space<hbm>>
      %dma_start3A_242 = tpu.memref_squeeze %dma_start3A_241 : memref<1x392x16xf32, #tpu.memory_space<hbm>> -> memref<392x16xf32, #tpu.memory_space<hbm>>
      %dma_start3A_243 = arith.constant 0 : i32
      %dma_start3A_244 = tpu.memref_slice %arg4[%arg0, %mul3A_240, %dma_start3A_243] : memref<2x6272x16xf32, #tpu.memory_space<hbm>> -> memref<1x392x16xf32, #tpu.memory_space<hbm>>
      %dma_start3A_245 = tpu.memref_squeeze %dma_start3A_244 : memref<1x392x16xf32, #tpu.memory_space<hbm>> -> memref<392x16xf32, #tpu.memory_space<hbm>>
      tpu.enqueue_dma source(%arg9 : memref<392x16xf32, #tpu.memory_space<vmem>>) target(%dma_start3A_245 : memref<392x16xf32, #tpu.memory_space<hbm>>) target_semaphore(%run_scoped3A : memref<!tpu.dma_semaphore, #tpu.memory_space<semaphore_mem>>)
      %dma_wait3A = arith.constant 0 : i32
      %dma_wait3A_246 = tpu.memref_slice %arg4[%arg0, %mul3A_240, %dma_wait3A] : memref<2x6272x16xf32, #tpu.memory_space<hbm>> -> memref<1x392x16xf32, #tpu.memory_space<hbm>>
      %dma_wait3A_247 = tpu.memref_squeeze %dma_wait3A_246 : memref<1x392x16xf32, #tpu.memory_space<hbm>> -> memref<392x16xf32, #tpu.memory_space<hbm>>
      %dma_wait3A_248 = arith.constant 0 : i32
      %dma_wait3A_249 = tpu.memref_slice %arg4[%arg0, %mul3A_240, %dma_wait3A_248] : memref<2x6272x16xf32, #tpu.memory_space<hbm>> -> memref<1x392x16xf32, #tpu.memory_space<hbm>>
      %dma_wait3A_250 = tpu.memref_squeeze %dma_wait3A_249 : memref<1x392x16xf32, #tpu.memory_space<hbm>> -> memref<392x16xf32, #tpu.memory_space<hbm>>
      tpu.wait_dma2 semaphore(%run_scoped3A : memref<!tpu.dma_semaphore, #tpu.memory_space<semaphore_mem>>) src(%arg9 : memref<392x16xf32, #tpu.memory_space<vmem>>) dst(%dma_wait3A_250 : memref<392x16xf32, #tpu.memory_space<hbm>>)
      tpu.yield
    }) : () -> ()
    return
  }
}

#map = affine_map<(d0, d1) -> (0, 0)>
#map1 = affine_map<(d0, d1) -> (0, 0, 0)>
module attributes {stable_mosaic.version = 14 : i64} {
  func.func @_agg_kernel(%arg0: i32, %arg1: i32, %arg2: memref<100352x16xf32, #tpu.memory_space<hbm>>, %arg3: memref<2x6400000xi32, #tpu.memory_space<hbm>>, %arg4: memref<6251x16xf32, #tpu.memory_space<hbm>>, %arg5: memref<2x100016x16xf32, #tpu.memory_space<hbm>>, %arg6: memref<1000x16xf32, #tpu.memory_space<vmem>>, %arg7: memref<1000xi32, #tpu.memory_space<vmem>>, %arg8: memref<1000xi32, #tpu.memory_space<vmem>>, %arg9: memref<100016x16xf32, #tpu.memory_space<vmem_shared>>, %arg10: memref<!tpu.dma_semaphore, #tpu.memory_space<semaphore_mem>>) attributes {dimension_semantics = [#tpu.dimension_semantics<core_parallel>, #tpu.dimension_semantics<subcore_parallel>], iteration_bounds = array<i64: 2, 16>, scalar_prefetch = 0 : i64, scratch_operands = 5 : i64, tpu.core_type = #tpu.core_type<sc_vector_subcore>, window_params = [{transform_indices = #map}, {transform_indices = #map}, {transform_indices = #map}, {transform_indices = #map1}]} {
    %mul3A = arith.constant 2 : i32
    %mul3A_0 = arith.muli %arg1, %mul3A : i32
    %add3A = arith.addi %mul3A_0, %arg0 : i32
    %mul3A_1 = arith.constant 6251 : i32
    %mul3A_2 = arith.muli %arg1, %mul3A_1 : i32
    "tpu.region"() ({
      %run_scoped3A = tpu.sem_alloc : memref<!tpu.dma_semaphore, #tpu.memory_space<semaphore_mem>>
      %dma_start3A = arith.constant 0 : i32
      %dma_start3A_14 = tpu.memref_slice %arg9[%mul3A_2, %dma_start3A] : memref<100016x16xf32, #tpu.memory_space<vmem_shared>> -> memref<6251x16xf32, #tpu.memory_space<vmem_shared>>
      tpu.enqueue_dma source(%arg4 : memref<6251x16xf32, #tpu.memory_space<hbm>>) target(%dma_start3A_14 : memref<6251x16xf32, #tpu.memory_space<vmem_shared>>) target_semaphore(%run_scoped3A : memref<!tpu.dma_semaphore, #tpu.memory_space<semaphore_mem>>)
      %dma_wait3A = arith.constant 0 : i32
      %dma_wait3A_15 = tpu.memref_slice %arg9[%mul3A_2, %dma_wait3A] : memref<100016x16xf32, #tpu.memory_space<vmem_shared>> -> memref<6251x16xf32, #tpu.memory_space<vmem_shared>>
      tpu.wait_dma2 semaphore(%run_scoped3A : memref<!tpu.dma_semaphore, #tpu.memory_space<semaphore_mem>>) src(%arg4 : memref<6251x16xf32, #tpu.memory_space<hbm>>) dst(%dma_wait3A_15 : memref<6251x16xf32, #tpu.memory_space<vmem_shared>>)
      tpu.yield
    }) : () -> ()
    %barrier3A = arith.constant 0 : index
    tpu.barrier barrier_id(%barrier3A)
    %scan3A = arith.constant 0 : i32
    %scan3A_3 = arith.constant 0 : i32
    %scan3A_4 = arith.constant 200 : i32
    %scan3A_5 = arith.addi %scan3A_3, %scan3A_4 : i32
    %scan3A_6 = arith.constant 1 : i32
    %scan3A_7 = scf.for %scan3A_14 = %scan3A_3 to %scan3A_5 step %scan3A_6 iter_args(%scan3A_15 = %scan3A) -> (i32)  : i32 {
      %mul3A_16 = arith.constant 200000 : i32
      %mul3A_17 = arith.muli %add3A, %mul3A_16 : i32
      %mul3A_18 = arith.constant 1000 : i32
      %mul3A_19 = arith.muli %scan3A_14, %mul3A_18 : i32
      %add3A_20 = arith.addi %mul3A_17, %mul3A_19 : i32
      %dma_start3A = arith.constant 0 : i32
      %dma_start3A_21 = tpu.memref_slice %arg3[%dma_start3A, %add3A_20] : memref<2x6400000xi32, #tpu.memory_space<hbm>> -> memref<1x1000xi32, #tpu.memory_space<hbm>>
      %dma_start3A_22 = tpu.memref_squeeze %dma_start3A_21 : memref<1x1000xi32, #tpu.memory_space<hbm>> -> memref<1000xi32, #tpu.memory_space<hbm>>
      %dma_start3A_23 = tpu.memref_slice %arg3[%dma_start3A, %add3A_20] : memref<2x6400000xi32, #tpu.memory_space<hbm>> -> memref<1x1000xi32, #tpu.memory_space<hbm>>
      %dma_start3A_24 = tpu.memref_squeeze %dma_start3A_23 : memref<1x1000xi32, #tpu.memory_space<hbm>> -> memref<1000xi32, #tpu.memory_space<hbm>>
      tpu.enqueue_dma source(%dma_start3A_24 : memref<1000xi32, #tpu.memory_space<hbm>>) target(%arg7 : memref<1000xi32, #tpu.memory_space<vmem>>) target_semaphore(%arg10 : memref<!tpu.dma_semaphore, #tpu.memory_space<semaphore_mem>>)
      %dma_start3A_25 = arith.constant 1 : i32
      %dma_start3A_26 = tpu.memref_slice %arg3[%dma_start3A_25, %add3A_20] : memref<2x6400000xi32, #tpu.memory_space<hbm>> -> memref<1x1000xi32, #tpu.memory_space<hbm>>
      %dma_start3A_27 = tpu.memref_squeeze %dma_start3A_26 : memref<1x1000xi32, #tpu.memory_space<hbm>> -> memref<1000xi32, #tpu.memory_space<hbm>>
      %dma_start3A_28 = tpu.memref_slice %arg3[%dma_start3A_25, %add3A_20] : memref<2x6400000xi32, #tpu.memory_space<hbm>> -> memref<1x1000xi32, #tpu.memory_space<hbm>>
      %dma_start3A_29 = tpu.memref_squeeze %dma_start3A_28 : memref<1x1000xi32, #tpu.memory_space<hbm>> -> memref<1000xi32, #tpu.memory_space<hbm>>
      tpu.enqueue_dma source(%dma_start3A_29 : memref<1000xi32, #tpu.memory_space<hbm>>) target(%arg8 : memref<1000xi32, #tpu.memory_space<vmem>>) target_semaphore(%arg10 : memref<!tpu.dma_semaphore, #tpu.memory_space<semaphore_mem>>)
      %dma_wait3A = arith.constant 0 : i32
      %dma_wait3A_30 = tpu.memref_slice %arg3[%dma_wait3A, %add3A_20] : memref<2x6400000xi32, #tpu.memory_space<hbm>> -> memref<1x1000xi32, #tpu.memory_space<hbm>>
      %dma_wait3A_31 = tpu.memref_squeeze %dma_wait3A_30 : memref<1x1000xi32, #tpu.memory_space<hbm>> -> memref<1000xi32, #tpu.memory_space<hbm>>
      %dma_wait3A_32 = tpu.memref_slice %arg3[%dma_wait3A, %add3A_20] : memref<2x6400000xi32, #tpu.memory_space<hbm>> -> memref<1x1000xi32, #tpu.memory_space<hbm>>
      %dma_wait3A_33 = tpu.memref_squeeze %dma_wait3A_32 : memref<1x1000xi32, #tpu.memory_space<hbm>> -> memref<1000xi32, #tpu.memory_space<hbm>>
      tpu.wait_dma2 semaphore(%arg10 : memref<!tpu.dma_semaphore, #tpu.memory_space<semaphore_mem>>) src(%dma_wait3A_33 : memref<1000xi32, #tpu.memory_space<hbm>>) dst(%arg7 : memref<1000xi32, #tpu.memory_space<vmem>>)
      %dma_wait3A_34 = arith.constant 1 : i32
      %dma_wait3A_35 = tpu.memref_slice %arg3[%dma_wait3A_34, %add3A_20] : memref<2x6400000xi32, #tpu.memory_space<hbm>> -> memref<1x1000xi32, #tpu.memory_space<hbm>>
      %dma_wait3A_36 = tpu.memref_squeeze %dma_wait3A_35 : memref<1x1000xi32, #tpu.memory_space<hbm>> -> memref<1000xi32, #tpu.memory_space<hbm>>
      %dma_wait3A_37 = tpu.memref_slice %arg3[%dma_wait3A_34, %add3A_20] : memref<2x6400000xi32, #tpu.memory_space<hbm>> -> memref<1x1000xi32, #tpu.memory_space<hbm>>
      %dma_wait3A_38 = tpu.memref_squeeze %dma_wait3A_37 : memref<1x1000xi32, #tpu.memory_space<hbm>> -> memref<1000xi32, #tpu.memory_space<hbm>>
      tpu.wait_dma2 semaphore(%arg10 : memref<!tpu.dma_semaphore, #tpu.memory_space<semaphore_mem>>) src(%dma_wait3A_38 : memref<1000xi32, #tpu.memory_space<hbm>>) dst(%arg8 : memref<1000xi32, #tpu.memory_space<vmem>>)
      %dma_start3A_39 = arith.constant 0 : i32
      %dma_start3A_40 = arith.constant 0 : i32
      %dma_start3A_41 = tpu.memref_slice %arg2[%dma_start3A_39, %dma_start3A_40] : memref<100352x16xf32, #tpu.memory_space<hbm>> -> memref<100352x16xf32, #tpu.memory_space<hbm>>
      tpu.enqueue_indirect_dma source(%dma_start3A_41 : memref<100352x16xf32, #tpu.memory_space<hbm>>) target(%arg6 : memref<1000x16xf32, #tpu.memory_space<vmem>>) offsets(%arg7 : memref<1000xi32, #tpu.memory_space<vmem>>) semaphore(%arg10 : memref<!tpu.dma_semaphore, #tpu.memory_space<semaphore_mem>>)
      %dma_wait3A_42 = arith.constant 0 : i32
      %dma_wait3A_43 = arith.constant 0 : i32
      %dma_wait3A_44 = tpu.memref_slice %arg2[%dma_wait3A_42, %dma_wait3A_43] : memref<100352x16xf32, #tpu.memory_space<hbm>> -> memref<100352x16xf32, #tpu.memory_space<hbm>>
      tpu.wait_indirect_dma semaphore(%arg10 : memref<!tpu.dma_semaphore, #tpu.memory_space<semaphore_mem>>) src(%dma_wait3A_44 : memref<100352x16xf32, #tpu.memory_space<hbm>>) dst(%arg6 : memref<1000x16xf32, #tpu.memory_space<vmem>>)
      %dma_start3A_45 = arith.constant 0 : i32
      %dma_start3A_46 = arith.constant 0 : i32
      %dma_start3A_47 = tpu.memref_slice %arg9[%dma_start3A_45, %dma_start3A_46] : memref<100016x16xf32, #tpu.memory_space<vmem_shared>> -> memref<100016x16xf32, #tpu.memory_space<vmem_shared>>
      tpu.enqueue_indirect_dma source(%arg6 : memref<1000x16xf32, #tpu.memory_space<vmem>>) target(%dma_start3A_47 : memref<100016x16xf32, #tpu.memory_space<vmem_shared>>) offsets(%arg8 : memref<1000xi32, #tpu.memory_space<vmem>>) semaphore(%arg10 : memref<!tpu.dma_semaphore, #tpu.memory_space<semaphore_mem>>) {add = true}
      %dma_wait3A_48 = arith.constant 0 : i32
      %dma_wait3A_49 = arith.constant 0 : i32
      %dma_wait3A_50 = tpu.memref_slice %arg9[%dma_wait3A_48, %dma_wait3A_49] : memref<100016x16xf32, #tpu.memory_space<vmem_shared>> -> memref<100016x16xf32, #tpu.memory_space<vmem_shared>>
      tpu.wait_indirect_dma semaphore(%arg10 : memref<!tpu.dma_semaphore, #tpu.memory_space<semaphore_mem>>) src(%arg6 : memref<1000x16xf32, #tpu.memory_space<vmem>>) dst(%dma_wait3A_50 : memref<100016x16xf32, #tpu.memory_space<vmem_shared>>)
      %scan3A_51 = arith.constant 0 : i32
      scf.yield %scan3A_51 : i32
    }
    %scan3A_8 = arith.constant 200 : i32
    %barrier3A_9 = arith.constant 0 : index
    tpu.barrier barrier_id(%barrier3A_9)
    %mul3A_10 = arith.constant 6251 : i32
    %mul3A_11 = arith.muli %arg1, %mul3A_10 : i32
    %mul3A_12 = arith.constant 6251 : i32
    %mul3A_13 = arith.muli %arg1, %mul3A_12 : i32
    "tpu.region"() ({
      %run_scoped3A = tpu.sem_alloc : memref<!tpu.dma_semaphore, #tpu.memory_space<semaphore_mem>>
      %dma_start3A = arith.constant 0 : i32
      %dma_start3A_14 = tpu.memref_slice %arg5[%arg0, %mul3A_13, %dma_start3A] : memref<2x100016x16xf32, #tpu.memory_space<hbm>> -> memref<1x6251x16xf32, #tpu.memory_space<hbm>>
      %dma_start3A_15 = tpu.memref_squeeze %dma_start3A_14 : memref<1x6251x16xf32, #tpu.memory_space<hbm>> -> memref<6251x16xf32, #tpu.memory_space<hbm>>
      %dma_start3A_16 = arith.constant 0 : i32
      %dma_start3A_17 = tpu.memref_slice %arg9[%mul3A_11, %dma_start3A_16] : memref<100016x16xf32, #tpu.memory_space<vmem_shared>> -> memref<6251x16xf32, #tpu.memory_space<vmem_shared>>
      tpu.enqueue_dma source(%dma_start3A_17 : memref<6251x16xf32, #tpu.memory_space<vmem_shared>>) target(%dma_start3A_15 : memref<6251x16xf32, #tpu.memory_space<hbm>>) target_semaphore(%run_scoped3A : memref<!tpu.dma_semaphore, #tpu.memory_space<semaphore_mem>>)
      %dma_wait3A = arith.constant 0 : i32
      %dma_wait3A_18 = tpu.memref_slice %arg5[%arg0, %mul3A_13, %dma_wait3A] : memref<2x100016x16xf32, #tpu.memory_space<hbm>> -> memref<1x6251x16xf32, #tpu.memory_space<hbm>>
      %dma_wait3A_19 = tpu.memref_squeeze %dma_wait3A_18 : memref<1x6251x16xf32, #tpu.memory_space<hbm>> -> memref<6251x16xf32, #tpu.memory_space<hbm>>
      %dma_wait3A_20 = arith.constant 0 : i32
      %dma_wait3A_21 = tpu.memref_slice %arg9[%mul3A_11, %dma_wait3A_20] : memref<100016x16xf32, #tpu.memory_space<vmem_shared>> -> memref<6251x16xf32, #tpu.memory_space<vmem_shared>>
      tpu.wait_dma2 semaphore(%run_scoped3A : memref<!tpu.dma_semaphore, #tpu.memory_space<semaphore_mem>>) src(%dma_wait3A_21 : memref<6251x16xf32, #tpu.memory_space<vmem_shared>>) dst(%dma_wait3A_19 : memref<6251x16xf32, #tpu.memory_space<hbm>>)
      tpu.yield
    }) : () -> ()
    return
  }
}

module attributes {stable_mosaic.version = 14 : i64} {
  func.func @_feat_body(%arg0: i32, %arg1: memref<6272x128xf32, #tpu.memory_space<vmem>>, %arg2: memref<2x6272x1xf32, #tpu.memory_space<vmem>>, %arg3: memref<6272x16xf32, #tpu.memory_space<vmem>>) attributes {dimension_semantics = [#tpu.dimension_semantics<arbitrary>], iteration_bounds = array<i64: 16>, scalar_prefetch = 0 : i64, scratch_operands = 0 : i64, tpu.core_type = #tpu.core_type<tc>, window_params = [{transform_indices = @transform_0, window_bounds = array<i64: 6272, 128>}, {transform_indices = @transform_1, window_bounds = array<i64: 2, 6272, 1>}, {transform_indices = @transform_2, window_bounds = array<i64: 6272, 16>}]} {
    %get3A = arith.constant 0 : index
    %get3A_0 = arith.constant 15 : index
    %get3A_1 = vector.load %arg1[%get3A, %get3A_0] : memref<6272x128xf32, #tpu.memory_space<vmem>>, vector<6272x10xf32>
    %get3A_2 = arith.constant 0 : index
    %get3A_3 = arith.constant 0 : index
    %get3A_4 = arith.constant 0 : index
    %get3A_5 = vector.load %arg2[%get3A_2, %get3A_3, %get3A_4] : memref<2x6272x1xf32, #tpu.memory_space<vmem>>, vector<1x6272x1xf32>
    %get3A_6 = vector.shape_cast %get3A_5 : vector<1x6272x1xf32> to vector<6272x1xf32>
    %get3A_7 = arith.constant 1 : index
    %get3A_8 = arith.constant 0 : index
    %get3A_9 = arith.constant 0 : index
    %get3A_10 = vector.load %arg2[%get3A_7, %get3A_8, %get3A_9] : memref<2x6272x1xf32, #tpu.memory_space<vmem>>, vector<1x6272x1xf32>
    %get3A_11 = vector.shape_cast %get3A_10 : vector<1x6272x1xf32> to vector<6272x1xf32>
    %add3A = arith.addf %get3A_6, %get3A_11 : vector<6272x1xf32>
    %gt3A = arith.constant 0.000000e+00 : f32
    %gt3A_12 = vector.broadcast %gt3A : f32 to vector<6272x1xf32>
    %gt3A_13 = arith.cmpf ogt, %add3A, %gt3A_12 : vector<6272x1xf32>
    %rsqrt3A = math.rsqrt %add3A : vector<6272x1xf32>
    %jit3A = arith.constant 0.000000e+00 : f32
    %broadcast_in_dim3A = vector.broadcast %jit3A : f32 to vector<6272x1xf32>
    %select_n3A = arith.select %gt3A_13, %rsqrt3A, %broadcast_in_dim3A : vector<6272x1xi1>, vector<6272x1xf32>
    %mul3A = arith.constant 6272 : i32
    %mul3A_14 = arith.muli %arg0, %mul3A : i32
    %iota3A = tpu.iota {dimensions = array<i32: 0>} : vector<6272x1xi32>
    %add3A_15 = vector.broadcast %mul3A_14 : i32 to vector<6272x1xi32>
    %add3A_16 = arith.addi %add3A_15, %iota3A : vector<6272x1xi32>
    %lt3A = arith.constant 100000 : i32
    %lt3A_17 = vector.broadcast %lt3A : i32 to vector<6272x1xi32>
    %lt3A_18 = arith.cmpi slt, %add3A_16, %lt3A_17 : vector<6272x1xi32>
    %mul3A_19 = vector.broadcast %select_n3A : vector<6272x1xf32> to vector<6272x10xf32>
    %mul3A_20 = arith.mulf %get3A_1, %mul3A_19 : vector<6272x10xf32>
    %jit3A_21 = arith.constant 0.000000e+00 : f32
    %broadcast_in_dim3A_22 = vector.shape_cast %lt3A_18 : vector<6272x1xi1> to vector<6272x1xi1>
    %broadcast_in_dim3A_23 = vector.broadcast %broadcast_in_dim3A_22 : vector<6272x1xi1> to vector<6272x10xi1>
    %broadcast_in_dim3A_24 = vector.broadcast %jit3A_21 : f32 to vector<6272x10xf32>
    %select_n3A_25 = arith.select %broadcast_in_dim3A_23, %mul3A_20, %broadcast_in_dim3A_24 : vector<6272x10xi1>, vector<6272x10xf32>
    %jit3A_26 = arith.constant 1.000000e+00 : f32
    %jit3A_27 = arith.constant 0.000000e+00 : f32
    %broadcast_in_dim3A_28 = vector.broadcast %jit3A_26 : f32 to vector<6272x1xf32>
    %broadcast_in_dim3A_29 = vector.broadcast %jit3A_27 : f32 to vector<6272x1xf32>
    %select_n3A_30 = arith.select %lt3A_18, %broadcast_in_dim3A_28, %broadcast_in_dim3A_29 : vector<6272x1xi1>, vector<6272x1xf32>
    %broadcast_in_dim3A_31 = arith.constant 0.000000e+00 : f32
    %broadcast_in_dim3A_32 = vector.broadcast %broadcast_in_dim3A_31 : f32 to vector<6272x5xf32>
    %concatenate3A = tpu.concatenate %select_n3A_25, %select_n3A_30, %broadcast_in_dim3A_32 in 1 : vector<6272x10xf32>, vector<6272x1xf32>, vector<6272x5xf32> -> vector<6272x16xf32>
    %swap3A = arith.constant 0 : index
    %swap3A_33 = arith.constant 0 : index
    %swap3A_34 = vector.load %arg3[%swap3A, %swap3A_33] : memref<6272x16xf32, #tpu.memory_space<vmem>>, vector<6272x16xf32>
    tpu.vector_store %arg3[%swap3A, %swap3A_33], %concatenate3A {strides = array<i32>} : memref<6272x16xf32, #tpu.memory_space<vmem>>, vector<6272x16xf32>,
    return
  }
  func.func @transform_0(%arg0: i32) -> (i32, i32) {
    %c0_i32 = arith.constant 0 : i32
    %c0_i32_0 = arith.constant 0 : i32
    return %arg0, %c0_i32 : i32, i32
  }
  func.func @transform_1(%arg0: i32) -> (i32, i32, i32) {
    %c0_i32 = arith.constant 0 : i32
    %c0_i32_0 = arith.constant 0 : i32
    %c0_i32_1 = arith.constant 0 : i32
    return %c0_i32, %arg0, %c0_i32_0 : i32, i32, i32
  }
  func.func @transform_2(%arg0: i32) -> (i32, i32) {
    %c0_i32 = arith.constant 0 : i32
    %c0_i32_0 = arith.constant 0 : i32
    return %arg0, %c0_i32 : i32, i32
  }
}

module attributes {stable_mosaic.version = 14 : i64} {
  func.func @_proj_body(%arg0: i32, %arg1: memref<2x5000x16xf32, #tpu.memory_space<vmem>>, %arg2: memref<16x16xf32, #tpu.memory_space<vmem>>, %arg3: memref<1x16xf32, #tpu.memory_space<vmem>>, %arg4: memref<16x16xf32, #tpu.memory_space<vmem>>, %arg5: memref<1x16xf32, #tpu.memory_space<vmem>>, %arg6: memref<5000x16xf32, #tpu.memory_space<vmem>>) attributes {dimension_semantics = [#tpu.dimension_semantics<arbitrary>], iteration_bounds = array<i64: 20>, scalar_prefetch = 0 : i64, scratch_operands = 0 : i64, tpu.core_type = #tpu.core_type<tc>, window_params = [{transform_indices = @transform_0, window_bounds = array<i64: 2, 5000, 16>}, {pipeline_mode = #tpu.pipeline_mode<synchronous>, transform_indices = @transform_1, window_bounds = array<i64: 16, 16>}, {pipeline_mode = #tpu.pipeline_mode<synchronous>, transform_indices = @transform_2, window_bounds = array<i64: 1, 16>}, {pipeline_mode = #tpu.pipeline_mode<synchronous>, transform_indices = @transform_3, window_bounds = array<i64: 16, 16>}, {pipeline_mode = #tpu.pipeline_mode<synchronous>, transform_indices = @transform_4, window_bounds = array<i64: 1, 16>}, {transform_indices = @transform_5, window_bounds = array<i64: 5000, 16>}]} {
    %get3A = arith.constant 0 : index
    %get3A_0 = arith.constant 0 : index
    %get3A_1 = arith.constant 0 : index
    %get3A_2 = vector.load %arg1[%get3A, %get3A_0, %get3A_1] : memref<2x5000x16xf32, #tpu.memory_space<vmem>>, vector<1x5000x16xf32>
    %get3A_3 = vector.shape_cast %get3A_2 : vector<1x5000x16xf32> to vector<5000x16xf32>
    %get3A_4 = arith.constant 1 : index
    %get3A_5 = arith.constant 0 : index
    %get3A_6 = arith.constant 0 : index
    %get3A_7 = vector.load %arg1[%get3A_4, %get3A_5, %get3A_6] : memref<2x5000x16xf32, #tpu.memory_space<vmem>>, vector<1x5000x16xf32>
    %get3A_8 = vector.shape_cast %get3A_7 : vector<1x5000x16xf32> to vector<5000x16xf32>
    %add3A = arith.addf %get3A_3, %get3A_8 : vector<5000x16xf32>
    %slice3A = vector.extract_strided_slice %add3A {offsets = [0, 10], sizes = [5000, 1], strides = [1, 1]} : vector<5000x16xf32> to vector<5000x1xf32>
    %gt3A = arith.constant 0.000000e+00 : f32
    %gt3A_9 = vector.broadcast %gt3A : f32 to vector<5000x1xf32>
    %gt3A_10 = arith.cmpf ogt, %slice3A, %gt3A_9 : vector<5000x1xf32>
    %rsqrt3A = math.rsqrt %slice3A : vector<5000x1xf32>
    %jit3A = arith.constant 0.000000e+00 : f32
    %broadcast_in_dim3A = vector.broadcast %jit3A : f32 to vector<5000x1xf32>
    %select_n3A = arith.select %gt3A_10, %rsqrt3A, %broadcast_in_dim3A : vector<5000x1xi1>, vector<5000x1xf32>
    %mul3A = vector.broadcast %select_n3A : vector<5000x1xf32> to vector<5000x16xf32>
    %mul3A_11 = arith.mulf %add3A, %mul3A : vector<5000x16xf32>
    %get3A_12 = arith.constant 0 : index
    %get3A_13 = arith.constant 0 : index
    %get3A_14 = vector.load %arg2[%get3A_12, %get3A_13] : memref<16x16xf32, #tpu.memory_space<vmem>>, vector<16x16xf32>
    %dot_general3A = arith.constant dense<0.000000e+00> : vector<5000x16xf32>
    %dot_general3A_15 = tpu.matmul %mul3A_11, %get3A_14, %dot_general3A {dimension_numbers = #tpu.dot_dimension_numbers<[1], [0], [0], [1], [0, 0, 1, 1], [], []>, transpose_lhs_hint = false} : vector<5000x16xf32>, vector<16x16xf32>, vector<5000x16xf32> -> vector<5000x16xf32>
    %get3A_16 = arith.constant 0 : index
    %get3A_17 = arith.constant 0 : index
    %get3A_18 = vector.load %arg3[%get3A_16, %get3A_17] : memref<1x16xf32, #tpu.memory_space<vmem>>, vector<1x16xf32>
    %add3A_19 = vector.broadcast %get3A_18 : vector<1x16xf32> to vector<5000x16xf32>
    %add3A_20 = arith.addf %dot_general3A_15, %add3A_19 : vector<5000x16xf32>
    %get3A_21 = arith.constant 0 : index
    %get3A_22 = arith.constant 0 : index
    %get3A_23 = vector.load %arg4[%get3A_21, %get3A_22] : memref<16x16xf32, #tpu.memory_space<vmem>>, vector<16x16xf32>
    %dot_general3A_24 = arith.constant dense<0.000000e+00> : vector<5000x16xf32>
    %dot_general3A_25 = tpu.matmul %add3A_20, %get3A_23, %dot_general3A_24 {dimension_numbers = #tpu.dot_dimension_numbers<[1], [0], [0], [1], [0, 0, 1, 1], [], []>, transpose_lhs_hint = false} : vector<5000x16xf32>, vector<16x16xf32>, vector<5000x16xf32> -> vector<5000x16xf32>
    %get3A_26 = arith.constant 0 : index
    %get3A_27 = arith.constant 0 : index
    %get3A_28 = vector.load %arg5[%get3A_26, %get3A_27] : memref<1x16xf32, #tpu.memory_space<vmem>>, vector<1x16xf32>
    %add3A_29 = vector.broadcast %get3A_28 : vector<1x16xf32> to vector<5000x16xf32>
    %add3A_30 = arith.addf %dot_general3A_25, %add3A_29 : vector<5000x16xf32>
    %swap3A = arith.constant 0 : index
    %swap3A_31 = arith.constant 0 : index
    %swap3A_32 = vector.load %arg6[%swap3A, %swap3A_31] : memref<5000x16xf32, #tpu.memory_space<vmem>>, vector<5000x16xf32>
    tpu.vector_store %arg6[%swap3A, %swap3A_31], %add3A_30 {strides = array<i32>} : memref<5000x16xf32, #tpu.memory_space<vmem>>, vector<5000x16xf32>,
    return
  }
  func.func @transform_0(%arg0: i32) -> (i32, i32, i32) {
    %c0_i32 = arith.constant 0 : i32
    %c0_i32_0 = arith.constant 0 : i32
    %c0_i32_1 = arith.constant 0 : i32
    return %c0_i32, %arg0, %c0_i32_0 : i32, i32, i32
  }
  func.func @transform_1(%arg0: i32) -> (i32, i32) {
    %c0_i32 = arith.constant 0 : i32
    %c0_i32_0 = arith.constant 0 : i32
    %c0_i32_1 = arith.constant 0 : i32
    return %c0_i32, %c0_i32_0 : i32, i32
  }
  func.func @transform_2(%arg0: i32) -> (i32, i32) {
    %c0_i32 = arith.constant 0 : i32
    %c0_i32_0 = arith.constant 0 : i32
    %c0_i32_1 = arith.constant 0 : i32
    return %c0_i32, %c0_i32_0 : i32, i32
  }
  func.func @transform_3(%arg0: i32) -> (i32, i32) {
    %c0_i32 = arith.constant 0 : i32
    %c0_i32_0 = arith.constant 0 : i32
    %c0_i32_1 = arith.constant 0 : i32
    return %c0_i32, %c0_i32_0 : i32, i32
  }
  func.func @transform_4(%arg0: i32) -> (i32, i32) {
    %c0_i32 = arith.constant 0 : i32
    %c0_i32_0 = arith.constant 0 : i32
    %c0_i32_1 = arith.constant 0 : i32
    return %c0_i32, %c0_i32_0 : i32, i32
  }
  func.func @transform_5(%arg0: i32) -> (i32, i32) {
    %c0_i32 = arith.constant 0 : i32
    %c0_i32_0 = arith.constant 0 : i32
    return %arg0, %c0_i32 : i32, i32
  }
}

</mosaic_0001>

<sc_bundles>
// kernel: kernel.6.cloned.1.call-start
scs
__scs_entry_jumppad:
0x0: {  	(pc) =	sbr.rel $0x88, $3  }
0x1: {  	(tag) =	ssettag $0x0;
	lr =	simm.s32 $0x1  }
0x2: {  	[smem:$0x3F9B] =	sst lr;
	_ =	strace $0xD0000000  }
0x3: {  	_ = 	snop  }
0x4: {  	_ = 	snop  }
0x5: {  	_ = 	snop  }
0x6: {  	_ = 	snop  }
0x7: {  	_ = 	snop  }
__scs_overlays_trampoline_lowered:
0x8: {  	[smem:$0x3FAA] =	sst s0  }
0x9: {  	[smem:$0x3FAB] =	sst s1  }
0xa: {  	[smem:$0x3FAC] =	sst s2  }
0xb: {  	[smem:$0x3FAD] =	sst s3  }
0xc: {  	[smem:$0x3FAE] =	sst s4  }
0xd: {  	[smem:$0x3FAF] =	sst s5  }
0xe: {  	[smem:$0x3FB0] =	sst s6  }
0xf: {  	[smem:$0x3FB1] =	sst s7  }
0x10: {  	[smem:$0x3FB2] =	sst s8  }
0x11: {  	[smem:$0x3FB3] =	sst s9;
	s0 =	simm.s32 @!p0 $0x0  }
0x12: {  	s1 =	sld [smem:$0x3F99];
	s0 =	simm.s32 @p0 $0x1  }
0x13: {  	[smem:$0x3FB4] =	sst s0;
	s0 =	simm.s32 @!p1 $0x0  }
0x14: {  	s2 =	sld [smem:$0x3F98];
	s0 =	simm.s32 @p1 $0x1  }
0x15: {  	[smem:$0x3FB5] =	sst s0;
	s0 =	simm.s32 @!p2 $0x0  }
0x16: {  	s3 =	sld [smem:$0x3FDB];
	s0 =	simm.s32 @p2 $0x1  }
0x17: {  	s4 =	simm.s32 $0x1BF5;
	[smem:$0x3FB7] =	sst s0  }
0x18: {  	s0 =	sld [smem:$0x3F9A];
	_ =	swait.ge [sflag:s4], $0x0  }
0x19: {  	s7 =	sld [smem:$0x3F9B]  }
0x1a: {  	s8 =	sadd.s32 $0xFFFFE003, lr  }
0x1b: {  	s9 =	sadd.s32 $0xFFFFFEF7, lr;
	s5 =	simm.s32 $0xFFFFFFFF;
	p2 =	slt.u32 s8, $0xFFFFF086  }
0x1c: {  	p1 =	slt.u32 s9, $0xF7A;
	s5 =	simm.s32 @!p2 $0x0  }
0x1d: {  	s5 =	simm.s32 @p1 $0x1;
	p0 =	seq.s32 s7, s2  }
0x1e: {  	s7 =	smul.u32 @!p0 $0xF7A, s2;
	p2 =	seq.s32 @!p0 s5, $0x0  }
0x1f: {  	s9 =	smul.u32 $0xF7A, s1;
	s8 =	simm.s32 @!p0 $0x1BF5;
	p2 =	por !p2, p0  }
0x20: {  	[sflag:s8] =	ssyncset.s32 @!p0 $0xFFFFF086;
	s6 =	sadd.s32 @!p0 s3, s7;
	s7 =	simm.s32 @!p0 $0x108  }
0x21: {  	s3 =	sadd.s32 s3, s9;
	s6 =	sadd.s32 @!p0 $0x88, s6;
	s7 =	simm.s32 @p2 $0x1082  }
0x22: {  	[simem:s7], [sflag:s8] =	dma.local @!p0 [hbm:s6], $0xF7A  }
0x23: {  	s9 =	sor.u32 $0xD0000000, s2;
	s6 =	simm.s32 $0x108;
	_ =	swait.ge @!p0 [sflag:s8], $0x0  }
0x24: {  	s3 =	sadd.s32 $0x88, s3;
	s6 =	simm.s32 @!p1 $0x1082;
	[sflag:s4] =	ssyncset.s32 $0xFFFFF086  }
0x25: {  	[simem:s6], [sflag:s4] =	dma.local [hbm:s3], $0xF7A  }
0x26: {  	[smem:$0x3F9B] =	sst s1;
	(tag) =	ssettag s2;
	_ =	strace s9  }
0x27: {  	s1 =	sld [smem:$0x3FAB]  }
0x28: {  	s2 =	sld [smem:$0x3FAC]  }
0x29: {  	s4 =	sld [smem:$0x3FAE]  }
0x2a: {  	p0 =	seq.s32 s5, $0x0;
	s5 =	sld [smem:$0x3FAF]  }
0x2b: {  	s6 =	sld [smem:$0x3FB0]  }
0x2c: {  	s7 =	sld [smem:$0x3FB1]  }
0x2d: {  	s3 =	simm.s32 $0x108;
	s8 =	sld [smem:$0x3FB2]  }
0x2e: {  	s3 =	simm.s32 @!p0 $0x1082;
	s9 =	sld [smem:$0x3FB3]  }
0x2f: {  	lr =	sadd.s32 s0, s3;
	s0 =	sld [smem:$0x3FAA]  }
0x30: {  	s3 =	sld [smem:$0x3FAD]  }
0x31: {  	[smem:$0x3FB6] =	sst s10  }
0x32: {  	s10 =	sld [smem:$0x3FB4];
	_ =	sdelay $0x3  }
0x33: {  	p0 =	seq.s32 s10, $0x1;
	s10 =	sld [smem:$0x3FB6];
	_ =	sdelay $0x3  }
0x34: {  	[smem:$0x3FB6] =	sst s10  }
0x35: {  	s10 =	sld [smem:$0x3FB5];
	_ =	sdelay $0x3  }
0x36: {  	p1 =	seq.s32 s10, $0x1;
	s10 =	sld [smem:$0x3FB6];
	_ =	sdelay $0x3  }
0x37: {  	[smem:$0x3FB6] =	sst s10  }
0x38: {  	s10 =	sld [smem:$0x3FB7]  }
0x39: {  	_ = 	snop;
	(pc) =	sbr.ind lr, $3  }
0x3a: {  	_ = 	snop  }
0x3b: {  	_ = 	snop  }
0x3c: {  	p2 =	seq.s32 s10, $0x1;
	s10 =	sld [smem:$0x3FB6]  }
0x3d: {  	_ =	shalt  }
0x3e: {  	_ =	shalt  }
0x3f: {  	_ =	shalt  }
0x40: {  	_ =	shalt  }
0x41: {  	_ =	shalt  }
0x42: {  	_ =	shalt  }
0x43: {  	_ =	shalt  }
0x44: {  	_ =	shalt  }
0x45: {  	_ =	shalt  }
0x46: {  	_ =	shalt  }
0x47: {  	_ =	shalt  }
0x48: {  	_ =	shalt  }
0x49: {  	_ =	shalt  }
0x4a: {  	_ =	shalt  }
0x4b: {  	_ =	shalt  }
0x4c: {  	_ =	shalt  }
0x4d: {  	_ =	shalt  }
0x4e: {  	_ =	shalt  }
0x4f: {  	_ =	shalt  }
0x50: {  	_ =	shalt  }
0x51: {  	_ =	shalt  }
0x52: {  	_ =	shalt  }
0x53: {  	_ =	shalt  }
0x54: {  	_ =	shalt  }
0x55: {  	_ =	shalt  }
0x56: {  	_ =	shalt  }
0x57: {  	_ =	shalt  }
0x58: {  	_ =	shalt  }
0x59: {  	_ =	shalt  }
0x5a: {  	_ =	shalt  }
0x5b: {  	_ =	shalt  }
0x5c: {  	_ =	shalt  }
0x5d: {  	_ =	shalt  }
0x5e: {  	_ =	shalt  }
0x5f: {  	_ =	shalt  }
0x60: {  	_ =	shalt  }
0x61: {  	_ =	shalt  }
0x62: {  	_ =	shalt  }
0x63: {  	_ =	shalt  }
0x64: {  	_ =	shalt  }
0x65: {  	_ =	shalt  }
0x66: {  	_ =	shalt  }
0x67: {  	_ =	shalt  }
0x68: {  	_ =	shalt  }
0x69: {  	_ =	shalt  }
0x6a: {  	_ =	shalt  }
0x6b: {  	_ =	shalt  }
0x6c: {  	_ =	shalt  }
0x6d: {  	_ =	shalt  }
0x6e: {  	_ =	shalt  }
0x6f: {  	_ =	shalt  }
0x70: {  	_ =	shalt  }
0x71: {  	_ =	shalt  }
0x72: {  	_ =	shalt  }
0x73: {  	_ =	shalt  }
0x74: {  	_ =	shalt  }
0x75: {  	_ =	shalt  }
0x76: {  	_ =	shalt  }
0x77: {  	_ =	shalt  }
0x78: {  	_ =	shalt  }
0x79: {  	_ =	shalt  }
0x7a: {  	_ =	shalt  }
0x7b: {  	_ =	shalt  }
0x7c: {  	_ =	shalt  }
0x7d: {  	_ =	shalt  }
0x7e: {  	_ =	shalt  }
0x7f: {  	_ =	shalt  }
0x80: {  	_ =	shalt  }
0x81: {  	_ =	shalt  }
0x82: {  	_ =	shalt  }
0x83: {  	_ =	shalt  }
0x84: {  	_ =	shalt  }
0x85: {  	_ =	shalt  }
0x86: {  	_ =	shalt  }
0x87: {  	_ =	shalt  }
.Lfunc_end0:
.L_simem_size_0:
called_computation.1_lowered:
.L_overlay_start_0:
0x88: {  	s2 =	sld [smem:$0x3FD9]  }
0x89: {  	s3 =	sld [smem:$0x3FFE];
	_ =	sdelay $0x1  }
0x8a: {  	s1 =	srdreg.scid  }
0x8b: {  	s0 =	sand.u32 $0x1, s1  }
0x8c: {  	s17 =	sshll.u32 s0, $0xA;
	s2 =	sadd.s32 s3, s2  }
0x8d: {  	s2 =	sadd.s32 s2, s17  }
0x8e: {  	[smem:$0x3FC2] =	sst s2  }
0x8f: {  	_ = 	snop  }
0x90: {  	s2 =	sld [smem:$0x3FD0];
	(tm) =	ssettm $0x1  }
0x91: {  	s18 =	sld [smem:$0x3FFB];
	_ =	sdelay $0x3  }
0x92: {  	_ =	strace s18  }
0x93: {  	s3 =	sld [smem:$0x3FFC];
	_ =	sdelay $0x3  }
0x94: {  	_ =	strace s3  }
0x95: {  	s3 =	sld [smem:$0x3FFD];
	_ =	sdelay $0x3  }
0x96: {  	_ =	strace s3  }
0x97: {  	_ =	strace $0x8FFFFFFF  }
0x98: {  	s19 =	sld [smem:$0x3FDB];
	_ =	sdelay $0x1  }
0x99: {  	s4 =	simm.s32 $_scs_section_size  }
0x9a: {  	s5 =	simm.s32 $_size__tile_overlayer_lowered;
	s6 =	simm.s32 $_tile_overlayer_lowered  }
0x9b: {  	s22 =	simm.s32 $0x1BFF;
	s21 =	sshll.u32 s6, $0x1;
	s3 =	sadd.s32 s4, s19  }
0x9c: {  	s7 =	simm.s32 $0x0;
	s20 =	sshll.u32 s5, $0x1;
	s5 =	sadd.s32 s21, s3  }
0x9d: {  	[timem:s7], [sflag:s22] =	dma.local [hbm:s5], s20  }
0x9e: {  	_ =	swait.ge [sflag:s22], s20  }
0x9f: {  	s4 =	ssub.s32 $0x0, s20;
	[sflag:s22] =	ssyncset.done $0x0  }
0xa0: {  	[sflag:s22] =	ssyncadd.s32 s4;
	_ =	sdelay $0x1  }
0xa1: {  	s23 =	simm.s32 $0x1B8B  }
0xa2: {  	_ =	swait.ge [sflag:s23], $0x1  }
0xa3: {  	[sflag:s23] =	ssyncset.done $0x0  }
0xa4: {  	s25 =	simm.s32 $0x1B8E;
	s24 =	sld [smem:$0x3FFE];
	[sflag:s23] =	ssyncadd.s32 $0xFFFFFFFF  }
0xa5: {  	s26 =	simm.s32 $execute0_lowered;
	[smem:$0x3FD2] =	sst s25  }
0xa6: {  	s5 =	sshll.u32 s26, $0x1;
	_ =	strace $0x80000049;
	[dreg:$0x1] =	wrdreg $0xFFFFFFFF  }
0xa7: {  	s28 =	simm.s32 $_size_execute0_lowered;
	s3 =	sadd.s32 s3, s5;
	[dreg:$0x0] =	wrdreg $0x0  }
0xa8: {  	s5 =	sshll.u32 s28, $0x1;
	[dreg:$0x2] =	wrdreg s3  }
0xa9: {  	[dreg:$0x3] =	wrdreg s5  }
0xaa: {  	[dreg:$0x4] =	wrdreg $0xC0  }
0xab: {  	_ =	task [dreg:s7], $0x5FFFF  }
0xac: {  	[dreg:$0x1] =	wrdreg $0xFFFFFFFF  }
0xad: {  	[dreg:$0x0] =	wrdreg $0x60  }
0xae: {  	[dreg:$0x2] =	wrdreg s24  }
0xaf: {  	[dreg:$0x3] =	wrdreg s2  }
0xb0: {  	[dreg:$0x4] =	wrdreg $0x9  }
0xb1: {  	_ =	task.clear_ibuf [dreg:s7], $0x5FFFF;
	_ =	strace $0x90000049  }
0xb2: {  	s29 =	simm.s32 $0x9;
	_ =	strace $0x8000004B  }
0xb3: {  	_ =	swait.ge [sflag:s29], $0x1  }
0xb4: {  	[sflag:s29] =	ssyncadd.s32 $0xFFFFFFFF  }
0xb5: {  	_ =	strace $0x9000004B  }
0xb6: {  	_ =	sfence  }
0xb7: {  	s30 =	sld [smem:$0x0];
	_ =	sdelay $0x2  }
0xb8: {  	s31 =	sshll.u32 s1, $0xD;
	s1 =	sshrl.u32 s1, $0x2  }
0xb9: {  	s3 =	sand.u32 $0x4000, s31;
	s1 =	sadd.s32 s1, s30  }
0xba: {  	s0 =	sor.u32 s3, s0;
	s1 =	sshll.u32 s1, $0x11  }
0xbb: {  	s0 =	sor.u32 s1, s0  }
0xbc: {  	s0 =	sadd.s32 $0x8F2B, s0  }
0xbd: {  	[sflag:s0] =	ssyncadd.remote.s32 $0x1  }
0xbe: {  	_ =	sfence.sel $0xFFFF  }
0xbf: {  	[dreg:$0x0] =	wrdreg $0xFFFFFFFF;
	(pc) =	sbr.abs _section_cstart, $3  }
0xc0: {  	[dreg:$0x1] =	wrdreg $0xFFFFFFFF  }
0xc1: {  	_ =	task.clear_ibuf [dreg:s7], $0x2FFFF;
	_ =	strace $0x9FFFFFFF  }
0xc2: {  	(tm) =	ssettm $0x7FFFFFFF  }
0xc3: {  	_ =	shalt  }
tec
execute0_lowered:
.L_overlay_start_1:
0x0: {  	(tag) =	ssettag $0x1  }
0x1: {  	s4 =	rddreg [dreg:$0x0];
	s28 =	stileid.u32  }
0x2: {  	s0 =	rddreg [dreg:$0x1];
	s5 =	smul.u32 $0x18800, s28  }
0x3: {  	s1 =	srdreg.scid;
	s2 =	simm.s32 $0x0;
	s6 =	smul.u32 $0x1880, s28  }
0x4: {  	s3 =	sand.u32 $0x1, s1;
	s8 =	sadd.s32 $0x1, s28;
	s24 =	smul.u32 $0x61A80, s28  }
0x5: {  	s10 =	sadd.s32 $0x2, s28;
	s15 =	sxor.u32 $0x8, s28;
	s7 =	smul.u32 $0x188000, s3  }
0x6: {  	s26 =	sadd.s32 $0x3, s28;
	s11 =	sadd.s32 $0x4, s28;
	s15 =	smul.u32 $0x18800, s15  }
0x7: {  	s12 =	sadd.s32 $0x5, s28;
	s8 =	sand.u32 $0xF, s8;
	s23 =	smul.u32 $0x18800, s3  }
0x8: {  	s25 =	sand.u32 $0xF, s10;
	s10 =	sand.u32 $0xF, s26;
	s8 =	smul.u32 $0x18800, s8  }
0x9: {  	s13 =	sadd.s32 $0x6, s28;
	s11 =	sand.u32 $0xF, s11;
	s10 =	smul.u32 $0x18800, s10  }
0xa: {  	s14 =	sadd.s32 $0x7, s28;
	s12 =	sand.u32 $0xF, s12;
	s11 =	smul.u32 $0x18800, s11  }
0xb: {  	s16 =	sadd.s32 $0x9, s28;
	s13 =	sand.u32 $0xF, s13;
	s12 =	smul.u32 $0x18800, s12  }
0xc: {  	s17 =	sadd.s32 $0xA, s28;
	s14 =	sand.u32 $0xF, s14;
	s13 =	smul.u32 $0x18800, s13  }
0xd: {  	s18 =	sadd.s32 $0xB, s28;
	s16 =	sand.u32 $0xF, s16;
	s14 =	smul.u32 $0x18800, s14  }
0xe: {  	s19 =	sadd.s32 $0xC, s28;
	s17 =	sand.u32 $0xF, s17;
	s16 =	smul.u32 $0x18800, s16  }
0xf: {  	s20 =	sadd.s32 $0xD, s28;
	s18 =	sand.u32 $0xF, s18;
	s17 =	smul.u32 $0x18800, s17  }
0x10: {  	s21 =	sadd.s32 $0xE, s28;
	s19 =	sand.u32 $0xF, s19;
	s18 =	smul.u32 $0x18800, s18  }
0x11: {  	s22 =	sadd.s32 $0xFFFFFFFF, s28;
	s20 =	sand.u32 $0xF, s20;
	s19 =	smul.u32 $0x18800, s19  }
0x12: {  	s1 =	ssub.s32 $0x2, s3;
	s21 =	sand.u32 $0xF, s21;
	s20 =	smul.u32 $0x18800, s20  }
0x13: {  	s22 =	sand.u32 $0xF, s22;
	s9 =	sshrl.u32 s1, $0x1;
	s21 =	smul.u32 $0x18800, s21  }
0x14: {  	s26 =	sadd.s32 $0x18B400, s4;
	s22 =	smul.u32 $0x18800, s22;
	s1 =	ssub.s32 s1, s9  }
0x15: {  	s5 =	sadd.s32 s5, s7;
	s31 =	sadd.s32 s7, s6;
	s23 =	sadd.s32 s6, s23  }
0x16: {  	s7 =	sadd.s32 s8, s31;
	s8 =	smul.u32 $0x18800, s25;
	s10 =	sadd.s32 s10, s31  }
0x17: {  	s11 =	sadd.s32 s11, s31;
	s12 =	sadd.s32 s12, s31;
	s13 =	sadd.s32 s13, s31  }
0x18: {  	s14 =	sadd.s32 s14, s31;
	s15 =	sadd.s32 s15, s31;
	s16 =	sadd.s32 s16, s31  }
0x19: {  	s17 =	sadd.s32 s17, s31;
	s18 =	sadd.s32 s18, s31;
	s19 =	sadd.s32 s19, s31  }
0x1a: {  	s20 =	sadd.s32 s20, s31;
	s21 =	sadd.s32 s21, s31;
	s22 =	sadd.s32 s22, s31  }
0x1b: {  	s25 =	sadd.s32 $0x1800, s4;
	s6 =	sshrl.u32 s5, $0x3;
	s7 =	sshrl.u32 s7, $0x3  }
0x1c: {  	s9 =	sshrl.u32 s10, $0x3;
	s10 =	sshrl.u32 s11, $0x3;
	s11 =	sshrl.u32 s12, $0x3  }
0x1d: {  	s12 =	sshrl.u32 s13, $0x3;
	s13 =	sshrl.u32 s14, $0x3;
	s14 =	sshrl.u32 s15, $0x3  }
0x1e: {  	s15 =	sshrl.u32 s16, $0x3;
	s16 =	sshrl.u32 s17, $0x3;
	s17 =	sshrl.u32 s18, $0x3  }
0x1f: {  	s18 =	sshrl.u32 s19, $0x3;
	s19 =	sshrl.u32 s20, $0x3;
	s20 =	sshrl.u32 s21, $0x3  }
0x20: {  	s21 =	sshrl.u32 s22, $0x3;
	s8 =	sadd.s32 s8, s31;
	s31 =	sadd.s32 $0x188200, s4  }
0x21: {  	s4 =	sadd.s32 s26, s6;
	s5 =	sadd.s32 s26, s7;
	s7 =	sadd.s32 s26, s9  }
0x22: {  	s9 =	sadd.s32 s26, s11;
	s11 =	sadd.s32 s26, s13;
	s13 =	sadd.s32 s26, s15  }
0x23: {  	s15 =	sadd.s32 s26, s17;
	s17 =	sadd.s32 s26, s19;
	s8 =	sshrl.u32 s8, $0x3  }
0x24: {  	s19 =	sadd.s32 s26, s21;
	s6 =	sadd.s32 s26, s8;
	s8 =	sadd.s32 s26, s10  }
0x25: {  	s10 =	sadd.s32 s26, s12;
	s12 =	sadd.s32 s26, s14;
	s14 =	sadd.s32 s26, s16  }
0x26: {  	s16 =	sadd.s32 s26, s18;
	s18 =	sadd.s32 s26, s20;
	s26 =	smul.u32 $0x6200, s28  }
0x27: {  	s29 =	simm.s32 $0x2;
	[smem:$0x7FF] =	sst s2;
	s3 =	smul.u32 $0x30D40, s3  }
0x28: {  	_ =	strace $0x8000004A;
	[dreg:$0x3] =	wrdreg s31;
	s31 =	sshrl.u32 s26, $0x2  }
0x29: {  	s30 =	simm.s32 $0x1A6C0;
	s24 =	sadd.s32 s3, s24;
	s22 =	sshrl.u32 s23, $0x3;
	v0 =	vmov s31  }
0x2a: {  	s23 =	sadd.s32 $0x320, s24;
	s24 =	sshrl.u32 s24, $0x3;
	s21 =	smax.u32 s1, $0x1  }
0x2b: {  	s20 =	sadd.s32 s0, s22;
	s0 =	sshrl.u32 s23, $0x3;
	s23 =	sadd.s32 s24, s25  }
0x2c: {  	s24 =	simm.s32 $0x3;
	s28 =	simm.s32 $0x1;
	s22 =	sadd.s32 s0, s25  }
0x2d: {  	v1 =	vimm.f32 $1.000000000e+00;
	s25 =	simm.s32 $0x18800;
	s0 =	simm.s32 $0x0;
	s26 =	simm.s32 $0x18B20  }
.LBB2_1:
0x2e: {  	s1 =	rddreg [dreg:$0x3]  }
0x2f: {  	[tilespmem:s2], [sflag:$0x3] =	stream.linear.gather [hbm4b:s1+s2], $0x18800, $0x38;
	[tilespmem:$0x1BF40] =	vst v63  }
0x30: {  	_ =	swait.ge [sflag:s24], $0x18800  }
0x31: {  	[sflag:s24] =	ssyncset.done $0x0  }
0x32: {  	s1 =	simm.s32 $0x0;
	[sflag:s24] =	ssyncadd.s32 $0xFFFE7800  }
.LBB2_2:
0x33: {  	s31 =	sadd.s32 s1, s23  }
0x34: {  	[tilespmem:s25], [sflag:$0x1] =	stream.linear.gather [hbm4b:s31+s2], $0x320, $0x38;
	[tilespmem:$0x1BF40] =	vst v63  }
0x35: {  	s3 =	sadd.s32 s1, s22  }
0x36: {  	[tilespmem:s26], [sflag:$0x2] =	stream.linear.gather [hbm4b:s3+s2], $0x320, $0x38;
	[tilespmem:$0x1BF40] =	vst v63  }
0x37: {  	_ =	swait.ge [sflag:s28], $0x320  }
0x38: {  	[sflag:s28] =	ssyncset.done $0x0  }
0x39: {  	[sflag:s28] =	ssyncadd.s32 $0xFFFFFCE0  }
0x3a: {  	v2 =	vld [tilespmem:$0x18800];
	_ =	sdelay $0x7  }
0x3b: {  	[tilespmem:v2+s2+$0x0] =	vst.idx.add.f32.msk $0xffff, v1  }
0x3c: {  	v2 =	vld [tilespmem:$0x18810];
	_ =	sdelay $0x7  }
0x3d: {  	[tilespmem:v2+s2+$0x0] =	vst.idx.add.f32.msk $0xffff, v1  }
0x3e: {  	v2 =	vld [tilespmem:$0x18820];
	_ =	sdelay $0x7  }
0x3f: {  	[tilespmem:v2+s2+$0x0] =	vst.idx.add.f32.msk $0xffff, v1  }
0x40: {  	v2 =	vld [tilespmem:$0x18830];
	_ =	sdelay $0x7  }
0x41: {  	[tilespmem:v2+s2+$0x0] =	vst.idx.add.f32.msk $0xffff, v1  }
0x42: {  	v2 =	vld [tilespmem:$0x18840];
	_ =	sdelay $0x7  }
0x43: {  	[tilespmem:v2+s2+$0x0] =	vst.idx.add.f32.msk $0xffff, v1  }
0x44: {  	v2 =	vld [tilespmem:$0x18850];
	_ =	sdelay $0x7  }
0x45: {  	[tilespmem:v2+s2+$0x0] =	vst.idx.add.f32.msk $0xffff, v1  }
0x46: {  	v2 =	vld [tilespmem:$0x18860];
	_ =	sdelay $0x7  }
0x47: {  	[tilespmem:v2+s2+$0x0] =	vst.idx.add.f32.msk $0xffff, v1  }
0x48: {  	v2 =	vld [tilespmem:$0x18870];
	_ =	sdelay $0x7  }
0x49: {  	[tilespmem:v2+s2+$0x0] =	vst.idx.add.f32.msk $0xffff, v1  }
0x4a: {  	v2 =	vld [tilespmem:$0x18880];
	_ =	sdelay $0x7  }
0x4b: {  	[tilespmem:v2+s2+$0x0] =	vst.idx.add.f32.msk $0xffff, v1  }
0x4c: {  	v2 =	vld [tilespmem:$0x18890];
	_ =	sdelay $0x7  }
0x4d: {  	[tilespmem:v2+s2+$0x0] =	vst.idx.add.f32.msk $0xffff, v1  }
0x4e: {  	v2 =	vld [tilespmem:$0x188A0];
	_ =	sdelay $0x7  }
0x4f: {  	[tilespmem:v2+s2+$0x0] =	vst.idx.add.f32.msk $0xffff, v1  }
0x50: {  	v2 =	vld [tilespmem:$0x188B0];
	_ =	sdelay $0x7  }
0x51: {  	[tilespmem:v2+s2+$0x0] =	vst.idx.add.f32.msk $0xffff, v1  }
0x52: {  	v2 =	vld [tilespmem:$0x188C0];
	_ =	sdelay $0x7  }
0x53: {  	[tilespmem:v2+s2+$0x0] =	vst.idx.add.f32.msk $0xffff, v1  }
0x54: {  	v2 =	vld [tilespmem:$0x188D0];
	_ =	sdelay $0x7  }
0x55: {  	[tilespmem:v2+s2+$0x0] =	vst.idx.add.f32.msk $0xffff, v1  }
0x56: {  	v2 =	vld [tilespmem:$0x188E0];
	_ =	sdelay $0x7  }
0x57: {  	[tilespmem:v2+s2+$0x0] =	vst.idx.add.f32.msk $0xffff, v1  }
0x58: {  	v2 =	vld [tilespmem:$0x188F0];
	_ =	sdelay $0x7  }
0x59: {  	[tilespmem:v2+s2+$0x0] =	vst.idx.add.f32.msk $0xffff, v1  }
0x5a: {  	v2 =	vld [tilespmem:$0x18900];
	_ =	sdelay $0x7  }
0x5b: {  	[tilespmem:v2+s2+$0x0] =	vst.idx.add.f32.msk $0xffff, v1  }
0x5c: {  	v2 =	vld [tilespmem:$0x18910];
	_ =	sdelay $0x7  }
0x5d: {  	[tilespmem:v2+s2+$0x0] =	vst.idx.add.f32.msk $0xffff, v1  }
0x5e: {  	v2 =	vld [tilespmem:$0x18920];
	_ =	sdelay $0x7  }
0x5f: {  	[tilespmem:v2+s2+$0x0] =	vst.idx.add.f32.msk $0xffff, v1  }
0x60: {  	v2 =	vld [tilespmem:$0x18930];
	_ =	sdelay $0x7  }
0x61: {  	[tilespmem:v2+s2+$0x0] =	vst.idx.add.f32.msk $0xffff, v1  }
0x62: {  	v2 =	vld [tilespmem:$0x18940];
	_ =	sdelay $0x7  }
0x63: {  	[tilespmem:v2+s2+$0x0] =	vst.idx.add.f32.msk $0xffff, v1  }
0x64: {  	v2 =	vld [tilespmem:$0x18950];
	_ =	sdelay $0x7  }
0x65: {  	[tilespmem:v2+s2+$0x0] =	vst.idx.add.f32.msk $0xffff, v1  }
0x66: {  	v2 =	vld [tilespmem:$0x18960];
	_ =	sdelay $0x7  }
0x67: {  	[tilespmem:v2+s2+$0x0] =	vst.idx.add.f32.msk $0xffff, v1  }
0x68: {  	v2 =	vld [tilespmem:$0x18970];
	_ =	sdelay $0x7  }
0x69: {  	[tilespmem:v2+s2+$0x0] =	vst.idx.add.f32.msk $0xffff, v1  }
0x6a: {  	v2 =	vld [tilespmem:$0x18980];
	_ =	sdelay $0x7  }
0x6b: {  	[tilespmem:v2+s2+$0x0] =	vst.idx.add.f32.msk $0xffff, v1  }
0x6c: {  	v2 =	vld [tilespmem:$0x18990];
	_ =	sdelay $0x7  }
0x6d: {  	[tilespmem:v2+s2+$0x0] =	vst.idx.add.f32.msk $0xffff, v1  }
0x6e: {  	v2 =	vld [tilespmem:$0x189A0];
	_ =	sdelay $0x7  }
0x6f: {  	[tilespmem:v2+s2+$0x0] =	vst.idx.add.f32.msk $0xffff, v1  }
0x70: {  	v2 =	vld [tilespmem:$0x189B0];
	_ =	sdelay $0x7  }
0x71: {  	[tilespmem:v2+s2+$0x0] =	vst.idx.add.f32.msk $0xffff, v1  }
0x72: {  	v2 =	vld [tilespmem:$0x189C0];
	_ =	sdelay $0x7  }
0x73: {  	[tilespmem:v2+s2+$0x0] =	vst.idx.add.f32.msk $0xffff, v1  }
0x74: {  	v2 =	vld [tilespmem:$0x189D0];
	_ =	sdelay $0x7  }
0x75: {  	[tilespmem:v2+s2+$0x0] =	vst.idx.add.f32.msk $0xffff, v1  }
0x76: {  	v2 =	vld [tilespmem:$0x189E0];
	_ =	sdelay $0x7  }
0x77: {  	[tilespmem:v2+s2+$0x0] =	vst.idx.add.f32.msk $0xffff, v1  }
0x78: {  	v2 =	vld [tilespmem:$0x189F0];
	_ =	sdelay $0x7  }
0x79: {  	[tilespmem:v2+s2+$0x0] =	vst.idx.add.f32.msk $0xffff, v1  }
0x7a: {  	v2 =	vld [tilespmem:$0x18A00];
	_ =	sdelay $0x7  }
0x7b: {  	[tilespmem:v2+s2+$0x0] =	vst.idx.add.f32.msk $0xffff, v1  }
0x7c: {  	v2 =	vld [tilespmem:$0x18A10];
	_ =	sdelay $0x7  }
0x7d: {  	[tilespmem:v2+s2+$0x0] =	vst.idx.add.f32.msk $0xffff, v1  }
0x7e: {  	v2 =	vld [tilespmem:$0x18A20];
	_ =	sdelay $0x7  }
0x7f: {  	[tilespmem:v2+s2+$0x0] =	vst.idx.add.f32.msk $0xffff, v1  }
0x80: {  	v2 =	vld [tilespmem:$0x18A30];
	_ =	sdelay $0x7  }
0x81: {  	[tilespmem:v2+s2+$0x0] =	vst.idx.add.f32.msk $0xffff, v1  }
0x82: {  	v2 =	vld [tilespmem:$0x18A40];
	_ =	sdelay $0x7  }
0x83: {  	[tilespmem:v2+s2+$0x0] =	vst.idx.add.f32.msk $0xffff, v1  }
0x84: {  	v2 =	vld [tilespmem:$0x18A50];
	_ =	sdelay $0x7  }
0x85: {  	[tilespmem:v2+s2+$0x0] =	vst.idx.add.f32.msk $0xffff, v1  }
0x86: {  	v2 =	vld [tilespmem:$0x18A60];
	_ =	sdelay $0x7  }
0x87: {  	[tilespmem:v2+s2+$0x0] =	vst.idx.add.f32.msk $0xffff, v1  }
0x88: {  	v2 =	vld [tilespmem:$0x18A70];
	_ =	sdelay $0x7  }
0x89: {  	[tilespmem:v2+s2+$0x0] =	vst.idx.add.f32.msk $0xffff, v1  }
0x8a: {  	v2 =	vld [tilespmem:$0x18A80];
	_ =	sdelay $0x7  }
0x8b: {  	[tilespmem:v2+s2+$0x0] =	vst.idx.add.f32.msk $0xffff, v1  }
0x8c: {  	v2 =	vld [tilespmem:$0x18A90];
	_ =	sdelay $0x7  }
0x8d: {  	[tilespmem:v2+s2+$0x0] =	vst.idx.add.f32.msk $0xffff, v1  }
0x8e: {  	v2 =	vld [tilespmem:$0x18AA0];
	_ =	sdelay $0x7  }
0x8f: {  	[tilespmem:v2+s2+$0x0] =	vst.idx.add.f32.msk $0xffff, v1  }
0x90: {  	v2 =	vld [tilespmem:$0x18AB0];
	_ =	sdelay $0x7  }
0x91: {  	[tilespmem:v2+s2+$0x0] =	vst.idx.add.f32.msk $0xffff, v1  }
0x92: {  	v2 =	vld [tilespmem:$0x18AC0];
	_ =	sdelay $0x7  }
0x93: {  	[tilespmem:v2+s2+$0x0] =	vst.idx.add.f32.msk $0xffff, v1  }
0x94: {  	v2 =	vld [tilespmem:$0x18AD0];
	_ =	sdelay $0x7  }
0x95: {  	[tilespmem:v2+s2+$0x0] =	vst.idx.add.f32.msk $0xffff, v1  }
0x96: {  	v2 =	vld [tilespmem:$0x18AE0];
	_ =	sdelay $0x7  }
0x97: {  	[tilespmem:v2+s2+$0x0] =	vst.idx.add.f32.msk $0xffff, v1  }
0x98: {  	v2 =	vld [tilespmem:$0x18AF0];
	_ =	sdelay $0x7  }
0x99: {  	[tilespmem:v2+s2+$0x0] =	vst.idx.add.f32.msk $0xffff, v1  }
0x9a: {  	v2 =	vld [tilespmem:$0x18B00];
	_ =	sdelay $0x7  }
0x9b: {  	[tilespmem:v2+s2+$0x0] =	vst.idx.add.f32.msk $0xffff, v1  }
0x9c: {  	v2 =	vld [tilespmem:$0x18B10];
	_ =	sdelay $0x7  }
0x9d: {  	[tilespmem:v2+s2+$0x0] =	vst.idx.add.f32.msk $0xffff, v1  }
0x9e: {  	_ =	swait.ge [sflag:s29], $0x320  }
0x9f: {  	[sflag:s29] =	ssyncset.done $0x0  }
0xa0: {  	[sflag:s29] =	ssyncadd.s32 $0xFFFFFCE0  }
0xa1: {  	v2 =	vld [tilespmem:$0x18B20];
	_ =	sdelay $0x7  }
0xa2: {  	[tilespmem:v2+s2+$0x0] =	vst.idx.add.f32.msk $0xffff, v1  }
0xa3: {  	v2 =	vld [tilespmem:$0x18B30];
	_ =	sdelay $0x7  }
0xa4: {  	[tilespmem:v2+s2+$0x0] =	vst.idx.add.f32.msk $0xffff, v1  }
0xa5: {  	v2 =	vld [tilespmem:$0x18B40];
	_ =	sdelay $0x7  }
0xa6: {  	[tilespmem:v2+s2+$0x0] =	vst.idx.add.f32.msk $0xffff, v1  }
0xa7: {  	v2 =	vld [tilespmem:$0x18B50];
	_ =	sdelay $0x7  }
0xa8: {  	[tilespmem:v2+s2+$0x0] =	vst.idx.add.f32.msk $0xffff, v1  }
0xa9: {  	v2 =	vld [tilespmem:$0x18B60];
	_ =	sdelay $0x7  }
0xaa: {  	[tilespmem:v2+s2+$0x0] =	vst.idx.add.f32.msk $0xffff, v1  }
0xab: {  	v2 =	vld [tilespmem:$0x18B70];
	_ =	sdelay $0x7  }
0xac: {  	[tilespmem:v2+s2+$0x0] =	vst.idx.add.f32.msk $0xffff, v1  }
0xad: {  	v2 =	vld [tilespmem:$0x18B80];
	_ =	sdelay $0x7  }
0xae: {  	[tilespmem:v2+s2+$0x0] =	vst.idx.add.f32.msk $0xffff, v1  }
0xaf: {  	v2 =	vld [tilespmem:$0x18B90];
	_ =	sdelay $0x7  }
0xb0: {  	[tilespmem:v2+s2+$0x0] =	vst.idx.add.f32.msk $0xffff, v1  }
0xb1: {  	v2 =	vld [tilespmem:$0x18BA0];
	_ =	sdelay $0x7  }
0xb2: {  	[tilespmem:v2+s2+$0x0] =	vst.idx.add.f32.msk $0xffff, v1  }
0xb3: {  	v2 =	vld [tilespmem:$0x18BB0];
	_ =	sdelay $0x7  }
0xb4: {  	[tilespmem:v2+s2+$0x0] =	vst.idx.add.f32.msk $0xffff, v1  }
0xb5: {  	v2 =	vld [tilespmem:$0x18BC0];
	_ =	sdelay $0x7  }
0xb6: {  	[tilespmem:v2+s2+$0x0] =	vst.idx.add.f32.msk $0xffff, v1  }
0xb7: {  	v2 =	vld [tilespmem:$0x18BD0];
	_ =	sdelay $0x7  }
0xb8: {  	[tilespmem:v2+s2+$0x0] =	vst.idx.add.f32.msk $0xffff, v1  }
0xb9: {  	v2 =	vld [tilespmem:$0x18BE0];
	_ =	sdelay $0x7  }
0xba: {  	[tilespmem:v2+s2+$0x0] =	vst.idx.add.f32.msk $0xffff, v1  }
0xbb: {  	v2 =	vld [tilespmem:$0x18BF0];
	_ =	sdelay $0x7  }
0xbc: {  	[tilespmem:v2+s2+$0x0] =	vst.idx.add.f32.msk $0xffff, v1  }
0xbd: {  	v2 =	vld [tilespmem:$0x18C00];
	_ =	sdelay $0x7  }
0xbe: {  	[tilespmem:v2+s2+$0x0] =	vst.idx.add.f32.msk $0xffff, v1  }
0xbf: {  	v2 =	vld [tilespmem:$0x18C10];
	_ =	sdelay $0x7  }
0xc0: {  	[tilespmem:v2+s2+$0x0] =	vst.idx.add.f32.msk $0xffff, v1  }
0xc1: {  	v2 =	vld [tilespmem:$0x18C20];
	_ =	sdelay $0x7  }
0xc2: {  	[tilespmem:v2+s2+$0x0] =	vst.idx.add.f32.msk $0xffff, v1  }
0xc3: {  	v2 =	vld [tilespmem:$0x18C30];
	_ =	sdelay $0x7  }
0xc4: {  	[tilespmem:v2+s2+$0x0] =	vst.idx.add.f32.msk $0xffff, v1  }
0xc5: {  	v2 =	vld [tilespmem:$0x18C40];
	_ =	sdelay $0x7  }
0xc6: {  	[tilespmem:v2+s2+$0x0] =	vst.idx.add.f32.msk $0xffff, v1  }
0xc7: {  	v2 =	vld [tilespmem:$0x18C50];
	_ =	sdelay $0x7  }
0xc8: {  	[tilespmem:v2+s2+$0x0] =	vst.idx.add.f32.msk $0xffff, v1  }
0xc9: {  	v2 =	vld [tilespmem:$0x18C60];
	_ =	sdelay $0x7  }
0xca: {  	[tilespmem:v2+s2+$0x0] =	vst.idx.add.f32.msk $0xffff, v1  }
0xcb: {  	v2 =	vld [tilespmem:$0x18C70];
	_ =	sdelay $0x7  }
0xcc: {  	[tilespmem:v2+s2+$0x0] =	vst.idx.add.f32.msk $0xffff, v1  }
0xcd: {  	v2 =	vld [tilespmem:$0x18C80];
	_ =	sdelay $0x7  }
0xce: {  	[tilespmem:v2+s2+$0x0] =	vst.idx.add.f32.msk $0xffff, v1  }
0xcf: {  	v2 =	vld [tilespmem:$0x18C90];
	_ =	sdelay $0x7  }
0xd0: {  	[tilespmem:v2+s2+$0x0] =	vst.idx.add.f32.msk $0xffff, v1  }
0xd1: {  	v2 =	vld [tilespmem:$0x18CA0];
	_ =	sdelay $0x7  }
0xd2: {  	[tilespmem:v2+s2+$0x0] =	vst.idx.add.f32.msk $0xffff, v1  }
0xd3: {  	v2 =	vld [tilespmem:$0x18CB0];
	_ =	sdelay $0x7  }
0xd4: {  	[tilespmem:v2+s2+$0x0] =	vst.idx.add.f32.msk $0xffff, v1  }
0xd5: {  	v2 =	vld [tilespmem:$0x18CC0];
	_ =	sdelay $0x7  }
0xd6: {  	[tilespmem:v2+s2+$0x0] =	vst.idx.add.f32.msk $0xffff, v1  }
0xd7: {  	v2 =	vld [tilespmem:$0x18CD0];
	_ =	sdelay $0x7  }
0xd8: {  	[tilespmem:v2+s2+$0x0] =	vst.idx.add.f32.msk $0xffff, v1  }
0xd9: {  	v2 =	vld [tilespmem:$0x18CE0];
	_ =	sdelay $0x7  }
0xda: {  	[tilespmem:v2+s2+$0x0] =	vst.idx.add.f32.msk $0xffff, v1  }
0xdb: {  	v2 =	vld [tilespmem:$0x18CF0];
	_ =	sdelay $0x7  }
0xdc: {  	[tilespmem:v2+s2+$0x0] =	vst.idx.add.f32.msk $0xffff, v1  }
0xdd: {  	v2 =	vld [tilespmem:$0x18D00];
	_ =	sdelay $0x7  }
0xde: {  	[tilespmem:v2+s2+$0x0] =	vst.idx.add.f32.msk $0xffff, v1  }
0xdf: {  	v2 =	vld [tilespmem:$0x18D10];
	_ =	sdelay $0x7  }
0xe0: {  	[tilespmem:v2+s2+$0x0] =	vst.idx.add.f32.msk $0xffff, v1  }
0xe1: {  	v2 =	vld [tilespmem:$0x18D20];
	_ =	sdelay $0x7  }
0xe2: {  	[tilespmem:v2+s2+$0x0] =	vst.idx.add.f32.msk $0xffff, v1  }
0xe3: {  	v2 =	vld [tilespmem:$0x18D30];
	_ =	sdelay $0x7  }
0xe4: {  	[tilespmem:v2+s2+$0x0] =	vst.idx.add.f32.msk $0xffff, v1  }
0xe5: {  	v2 =	vld [tilespmem:$0x18D40];
	_ =	sdelay $0x7  }
0xe6: {  	[tilespmem:v2+s2+$0x0] =	vst.idx.add.f32.msk $0xffff, v1  }
0xe7: {  	v2 =	vld [tilespmem:$0x18D50];
	_ =	sdelay $0x7  }
0xe8: {  	[tilespmem:v2+s2+$0x0] =	vst.idx.add.f32.msk $0xffff, v1  }
0xe9: {  	v2 =	vld [tilespmem:$0x18D60];
	_ =	sdelay $0x7  }
0xea: {  	[tilespmem:v2+s2+$0x0] =	vst.idx.add.f32.msk $0xffff, v1  }
0xeb: {  	v2 =	vld [tilespmem:$0x18D70];
	_ =	sdelay $0x7  }
0xec: {  	[tilespmem:v2+s2+$0x0] =	vst.idx.add.f32.msk $0xffff, v1  }
0xed: {  	v2 =	vld [tilespmem:$0x18D80];
	_ =	sdelay $0x7  }
0xee: {  	[tilespmem:v2+s2+$0x0] =	vst.idx.add.f32.msk $0xffff, v1  }
0xef: {  	v2 =	vld [tilespmem:$0x18D90];
	_ =	sdelay $0x7  }
0xf0: {  	[tilespmem:v2+s2+$0x0] =	vst.idx.add.f32.msk $0xffff, v1  }
0xf1: {  	v2 =	vld [tilespmem:$0x18DA0];
	_ =	sdelay $0x7  }
0xf2: {  	[tilespmem:v2+s2+$0x0] =	vst.idx.add.f32.msk $0xffff, v1  }
0xf3: {  	v2 =	vld [tilespmem:$0x18DB0];
	_ =	sdelay $0x7  }
0xf4: {  	[tilespmem:v2+s2+$0x0] =	vst.idx.add.f32.msk $0xffff, v1  }
0xf5: {  	v2 =	vld [tilespmem:$0x18DC0];
	_ =	sdelay $0x7  }
0xf6: {  	[tilespmem:v2+s2+$0x0] =	vst.idx.add.f32.msk $0xffff, v1  }
0xf7: {  	v2 =	vld [tilespmem:$0x18DD0];
	_ =	sdelay $0x7  }
0xf8: {  	[tilespmem:v2+s2+$0x0] =	vst.idx.add.f32.msk $0xffff, v1  }
0xf9: {  	v2 =	vld [tilespmem:$0x18DE0];
	_ =	sdelay $0x7  }
0xfa: {  	[tilespmem:v2+s2+$0x0] =	vst.idx.add.f32.msk $0xffff, v1  }
0xfb: {  	v2 =	vld [tilespmem:$0x18DF0];
	_ =	sdelay $0x7  }
0xfc: {  	[tilespmem:v2+s2+$0x0] =	vst.idx.add.f32.msk $0xffff, v1  }
0xfd: {  	v2 =	vld [tilespmem:$0x18E00];
	_ =	sdelay $0x7  }
0xfe: {  	[tilespmem:v2+s2+$0x0] =	vst.idx.add.f32.msk $0xffff, v1  }
0xff: {  	v2 =	vld [tilespmem:$0x18E10];
	_ =	sdelay $0x7  }
0x100: {  	[tilespmem:v2+s2+$0x0] =	vst.idx.add.f32.msk $0xffff, v1  }
0x101: {  	v2 =	vld [tilespmem:$0x18E20];
	_ =	sdelay $0x7  }
0x102: {  	[tilespmem:v2+s2+$0x0] =	vst.idx.add.f32.msk $0xffff, v1  }
0x103: {  	v2 =	vld [tilespmem:$0x18E30];
	_ =	sdelay $0x2  }
0x104: {  	p0 =	sne.s32 s1, $0x60E0  }
.Ltmp0:
0x105: {  	_ = 	snop;
	(pc) =	sbr.rel @p0 .LBB2_2-.Ltmp0, $2  }
0x106: {  	_ =	sdelay $0x2  }
0x107: {  	s1 =	sadd.s32 $0xC8, s1;
	[tilespmem:v2+s2+$0x0] =	vst.idx.add.f32.msk $0xffff, v1  }
0x108: {  	s1 =	simm.s32 $0x0  }
0x109: {  	[hbm4b:s4+s1] =	stream.linear.scatter [tilespmem:s1], [sflag:$0x3], $0x18800, $0x38;
	[tilespmem:$0x1BF40] =	vst v63  }
0x10a: {  	_ =	swait.ge [sflag:s24], $0x18800  }
0x10b: {  	[sflag:s24] =	ssyncset.done $0x0  }
0x10c: {  	[sflag:s24] =	ssyncadd.s32 $0xFFFE7800  }
0x10d: {  	s31 =	simm.s32 $0x40;
	s1 =	simm.s32 $0x0;
	[bflag:$0x0] =	sbarrier.arrive $0xFFFF  }
.LBB2_4:
0x10e: {  	p0 =	sne.s32 s31, $0x61C0;
	v2 =	vld.idx.msk [tilespmem:v0+s1+$0x0 ss:$0x1], $0xffff;
	_ =	sdelay $0x1  }
.Ltmp1:
0x10f: {  	(pc) =	sbr.rel @p0 .LBB2_4-.Ltmp1, $2  }
0x110: {  	_ =	sdelay $0x2  }
0x111: {  	[tilespmem:s1+$0x18E40] =	vst v2;
	s1 =	sshra.s32 s31, $0x2;
	s31 =	sadd.s32 $0x40, s31  }
0x112: {  	_ =	sdelay $0x3  }
0x113: {  	v2 =	vld.idx.msk [tilespmem:v0+s1+$0x0 ss:$0x1], $0xffff;
	_ =	sdelay $0x4  }
0x114: {  	s3 =	simm.s32 $0x0;
	[tilespmem:s1+$0x18E40] =	vst v2  }
0x115: {  	[tilespmem:s30], [sflag:$0x3] =	stream.linear.gather [hbm4b:s5+s3], $0x1880, $0x38;
	[tilespmem:$0x1BF40] =	vst v63  }
0x116: {  	_ =	swait.ge [sflag:s24], $0x1880  }
0x117: {  	[sflag:s24] =	ssyncset.done $0x0  }
0x118: {  	s1 =	simm.s32 $0x0;
	[sflag:s24] =	ssyncadd.s32 $0xFFFFE780  }
0x119: {  	s31 =	simm.s32 $0x40;
	v2 =	vld [tilespmem:s1+$0x1A6C0]  }
.LBB2_6:
0x11a: {  	p0 =	sne.s32 s31, $0x61C0;
	v3 =	vld [tilespmem:s1+$0x18E40];
	_ =	sdelay $0x2  }
.Ltmp2:
0x11b: {  	(pc) =	sbr.rel @p0 .LBB2_6-.Ltmp2, $4  }
0x11c: {  	_ = 	snop  }
0x11d: {  	v3 =	vadd.f32 v2, v3  }
0x11e: {  	s3 =	sshra.s32 s31, $0x2  }
0x11f: {  	s31 =	sadd.s32 $0x40, s31;
	v2 =	vld [tilespmem:s3+$0x1A6C0];
	[tilespmem:s1+$0x18E40] =	vst v3;
	s1 =	smov.u32 s3  }
0x120: {  	v3 =	vld [tilespmem:s1+$0x18E40];
	_ =	sdelay $0x4  }
0x121: {  	v2 =	vadd.f32 v2, v3;
	_ =	sdelay $0x1  }
0x122: {  	s3 =	simm.s32 $0x0;
	[tilespmem:s1+$0x18E40] =	vst v2  }
0x123: {  	[tilespmem:s30], [sflag:$0x3] =	stream.linear.gather [hbm4b:s6+s3], $0x1880, $0x38;
	[tilespmem:$0x1BF40] =	vst v63  }
0x124: {  	_ =	swait.ge [sflag:s24], $0x1880  }
0x125: {  	[sflag:s24] =	ssyncset.done $0x0  }
0x126: {  	s1 =	simm.s32 $0x0;
	[sflag:s24] =	ssyncadd.s32 $0xFFFFE780  }
0x127: {  	s31 =	simm.s32 $0x40;
	v2 =	vld [tilespmem:s1+$0x1A6C0]  }
.LBB2_8:
0x128: {  	p0 =	sne.s32 s31, $0x61C0;
	v3 =	vld [tilespmem:s1+$0x18E40];
	_ =	sdelay $0x2  }
.Ltmp3:
0x129: {  	(pc) =	sbr.rel @p0 .LBB2_8-.Ltmp3, $4  }
0x12a: {  	_ = 	snop  }
0x12b: {  	v3 =	vadd.f32 v2, v3  }
0x12c: {  	s3 =	sshra.s32 s31, $0x2  }
0x12d: {  	s31 =	sadd.s32 $0x40, s31;
	v2 =	vld [tilespmem:s3+$0x1A6C0];
	[tilespmem:s1+$0x18E40] =	vst v3;
	s1 =	smov.u32 s3  }
0x12e: {  	v3 =	vld [tilespmem:s1+$0x18E40];
	_ =	sdelay $0x4  }
0x12f: {  	v2 =	vadd.f32 v2, v3;
	_ =	sdelay $0x1  }
0x130: {  	s3 =	simm.s32 $0x0;
	[tilespmem:s1+$0x18E40] =	vst v2  }
0x131: {  	[tilespmem:s30], [sflag:$0x3] =	stream.linear.gather [hbm4b:s7+s3], $0x1880, $0x38;
	[tilespmem:$0x1BF40] =	vst v63  }
0x132: {  	_ =	swait.ge [sflag:s24], $0x1880  }
0x133: {  	[sflag:s24] =	ssyncset.done $0x0  }
0x134: {  	s1 =	simm.s32 $0x0;
	[sflag:s24] =	ssyncadd.s32 $0xFFFFE780  }
0x135: {  	s31 =	simm.s32 $0x40;
	v2 =	vld [tilespmem:s1+$0x1A6C0]  }
.LBB2_10:
0x136: {  	p0 =	sne.s32 s31, $0x61C0;
	v3 =	vld [tilespmem:s1+$0x18E40];
	_ =	sdelay $0x2  }
.Ltmp4:
0x137: {  	(pc) =	sbr.rel @p0 .LBB2_10-.Ltmp4, $4  }
0x138: {  	_ = 	snop  }
0x139: {  	v3 =	vadd.f32 v2, v3  }
0x13a: {  	s3 =	sshra.s32 s31, $0x2  }
0x13b: {  	s31 =	sadd.s32 $0x40, s31;
	v2 =	vld [tilespmem:s3+$0x1A6C0];
	[tilespmem:s1+$0x18E40] =	vst v3;
	s1 =	smov.u32 s3  }
0x13c: {  	v3 =	vld [tilespmem:s1+$0x18E40];
	_ =	sdelay $0x4  }
0x13d: {  	v2 =	vadd.f32 v2, v3;
	_ =	sdelay $0x1  }
0x13e: {  	s3 =	simm.s32 $0x0;
	[tilespmem:s1+$0x18E40] =	vst v2  }
0x13f: {  	[tilespmem:s30], [sflag:$0x3] =	stream.linear.gather [hbm4b:s8+s3], $0x1880, $0x38;
	[tilespmem:$0x1BF40] =	vst v63  }
0x140: {  	_ =	swait.ge [sflag:s24], $0x1880  }
0x141: {  	[sflag:s24] =	ssyncset.done $0x0  }
0x142: {  	s1 =	simm.s32 $0x0;
	[sflag:s24] =	ssyncadd.s32 $0xFFFFE780  }
0x143: {  	s31 =	simm.s32 $0x40;
	v2 =	vld [tilespmem:s1+$0x1A6C0]  }
.LBB2_12:
0x144: {  	p0 =	sne.s32 s31, $0x61C0;
	v3 =	vld [tilespmem:s1+$0x18E40];
	_ =	sdelay $0x2  }
.Ltmp5:
0x145: {  	(pc) =	sbr.rel @p0 .LBB2_12-.Ltmp5, $4  }
0x146: {  	_ = 	snop  }
0x147: {  	v3 =	vadd.f32 v2, v3  }
0x148: {  	s3 =	sshra.s32 s31, $0x2  }
0x149: {  	s31 =	sadd.s32 $0x40, s31;
	v2 =	vld [tilespmem:s3+$0x1A6C0];
	[tilespmem:s1+$0x18E40] =	vst v3;
	s1 =	smov.u32 s3  }
0x14a: {  	v3 =	vld [tilespmem:s1+$0x18E40];
	_ =	sdelay $0x4  }
0x14b: {  	v2 =	vadd.f32 v2, v3;
	_ =	sdelay $0x1  }
0x14c: {  	s3 =	simm.s32 $0x0;
	[tilespmem:s1+$0x18E40] =	vst v2  }
0x14d: {  	[tilespmem:s30], [sflag:$0x3] =	stream.linear.gather [hbm4b:s9+s3], $0x1880, $0x38;
	[tilespmem:$0x1BF40] =	vst v63  }
0x14e: {  	_ =	swait.ge [sflag:s24], $0x1880  }
0x14f: {  	[sflag:s24] =	ssyncset.done $0x0  }
0x150: {  	s1 =	simm.s32 $0x0;
	[sflag:s24] =	ssyncadd.s32 $0xFFFFE780  }
0x151: {  	s31 =	simm.s32 $0x40;
	v2 =	vld [tilespmem:s1+$0x1A6C0]  }
.LBB2_14:
0x152: {  	p0 =	sne.s32 s31, $0x61C0;
	v3 =	vld [tilespmem:s1+$0x18E40];
	_ =	sdelay $0x2  }
.Ltmp6:
0x153: {  	(pc) =	sbr.rel @p0 .LBB2_14-.Ltmp6, $4  }
0x154: {  	_ = 	snop  }
0x155: {  	v3 =	vadd.f32 v2, v3  }
0x156: {  	s3 =	sshra.s32 s31, $0x2  }
0x157: {  	s31 =	sadd.s32 $0x40, s31;
	v2 =	vld [tilespmem:s3+$0x1A6C0];
	[tilespmem:s1+$0x18E40] =	vst v3;
	s1 =	smov.u32 s3  }
0x158: {  	v3 =	vld [tilespmem:s1+$0x18E40];
	_ =	sdelay $0x4  }
0x159: {  	v2 =	vadd.f32 v2, v3;
	_ =	sdelay $0x1  }
0x15a: {  	s3 =	simm.s32 $0x0;
	[tilespmem:s1+$0x18E40] =	vst v2  }
0x15b: {  	[tilespmem:s30], [sflag:$0x3] =	stream.linear.gather [hbm4b:s10+s3], $0x1880, $0x38;
	[tilespmem:$0x1BF40] =	vst v63  }
0x15c: {  	_ =	swait.ge [sflag:s24], $0x1880  }
0x15d: {  	[sflag:s24] =	ssyncset.done $0x0  }
0x15e: {  	s1 =	simm.s32 $0x0;
	[sflag:s24] =	ssyncadd.s32 $0xFFFFE780  }
0x15f: {  	s31 =	simm.s32 $0x40;
	v2 =	vld [tilespmem:s1+$0x1A6C0]  }
.LBB2_16:
0x160: {  	p0 =	sne.s32 s31, $0x61C0;
	v3 =	vld [tilespmem:s1+$0x18E40];
	_ =	sdelay $0x2  }
.Ltmp7:
0x161: {  	(pc) =	sbr.rel @p0 .LBB2_16-.Ltmp7, $4  }
0x162: {  	_ = 	snop  }
0x163: {  	v3 =	vadd.f32 v2, v3  }
0x164: {  	s3 =	sshra.s32 s31, $0x2  }
0x165: {  	s31 =	sadd.s32 $0x40, s31;
	v2 =	vld [tilespmem:s3+$0x1A6C0];
	[tilespmem:s1+$0x18E40] =	vst v3;
	s1 =	smov.u32 s3  }
0x166: {  	v3 =	vld [tilespmem:s1+$0x18E40];
	_ =	sdelay $0x4  }
0x167: {  	v2 =	vadd.f32 v2, v3;
	_ =	sdelay $0x1  }
0x168: {  	s3 =	simm.s32 $0x0;
	[tilespmem:s1+$0x18E40] =	vst v2  }
0x169: {  	[tilespmem:s30], [sflag:$0x3] =	stream.linear.gather [hbm4b:s11+s3], $0x1880, $0x38;
	[tilespmem:$0x1BF40] =	vst v63  }
0x16a: {  	_ =	swait.ge [sflag:s24], $0x1880  }
0x16b: {  	[sflag:s24] =	ssyncset.done $0x0  }
0x16c: {  	s1 =	simm.s32 $0x0;
	[sflag:s24] =	ssyncadd.s32 $0xFFFFE780  }
0x16d: {  	s31 =	simm.s32 $0x40;
	v2 =	vld [tilespmem:s1+$0x1A6C0]  }
.LBB2_18:
0x16e: {  	p0 =	sne.s32 s31, $0x61C0;
	v3 =	vld [tilespmem:s1+$0x18E40];
	_ =	sdelay $0x2  }
.Ltmp8:
0x16f: {  	(pc) =	sbr.rel @p0 .LBB2_18-.Ltmp8, $4  }
0x170: {  	_ = 	snop  }
0x171: {  	v3 =	vadd.f32 v2, v3  }
0x172: {  	s3 =	sshra.s32 s31, $0x2  }
0x173: {  	s31 =	sadd.s32 $0x40, s31;
	v2 =	vld [tilespmem:s3+$0x1A6C0];
	[tilespmem:s1+$0x18E40] =	vst v3;
	s1 =	smov.u32 s3  }
0x174: {  	v3 =	vld [tilespmem:s1+$0x18E40];
	_ =	sdelay $0x4  }
0x175: {  	v2 =	vadd.f32 v2, v3;
	_ =	sdelay $0x1  }
0x176: {  	s3 =	simm.s32 $0x0;
	[tilespmem:s1+$0x18E40] =	vst v2  }
0x177: {  	[tilespmem:s30], [sflag:$0x3] =	stream.linear.gather [hbm4b:s12+s3], $0x1880, $0x38;
	[tilespmem:$0x1BF40] =	vst v63  }
0x178: {  	_ =	swait.ge [sflag:s24], $0x1880  }
0x179: {  	[sflag:s24] =	ssyncset.done $0x0  }
0x17a: {  	s1 =	simm.s32 $0x0;
	[sflag:s24] =	ssyncadd.s32 $0xFFFFE780  }
0x17b: {  	s31 =	simm.s32 $0x40;
	v2 =	vld [tilespmem:s1+$0x1A6C0]  }
.LBB2_20:
0x17c: {  	p0 =	sne.s32 s31, $0x61C0;
	v3 =	vld [tilespmem:s1+$0x18E40];
	_ =	sdelay $0x2  }
.Ltmp9:
0x17d: {  	(pc) =	sbr.rel @p0 .LBB2_20-.Ltmp9, $4  }
0x17e: {  	_ = 	snop  }
0x17f: {  	v3 =	vadd.f32 v2, v3  }
0x180: {  	s3 =	sshra.s32 s31, $0x2  }
0x181: {  	s31 =	sadd.s32 $0x40, s31;
	v2 =	vld [tilespmem:s3+$0x1A6C0];
	[tilespmem:s1+$0x18E40] =	vst v3;
	s1 =	smov.u32 s3  }
0x182: {  	v3 =	vld [tilespmem:s1+$0x18E40];
	_ =	sdelay $0x4  }
0x183: {  	v2 =	vadd.f32 v2, v3;
	_ =	sdelay $0x1  }
0x184: {  	s3 =	simm.s32 $0x0;
	[tilespmem:s1+$0x18E40] =	vst v2  }
0x185: {  	[tilespmem:s30], [sflag:$0x3] =	stream.linear.gather [hbm4b:s13+s3], $0x1880, $0x38;
	[tilespmem:$0x1BF40] =	vst v63  }
0x186: {  	_ =	swait.ge [sflag:s24], $0x1880  }
0x187: {  	[sflag:s24] =	ssyncset.done $0x0  }
0x188: {  	s1 =	simm.s32 $0x0;
	[sflag:s24] =	ssyncadd.s32 $0xFFFFE780  }
0x189: {  	s31 =	simm.s32 $0x40;
	v2 =	vld [tilespmem:s1+$0x1A6C0]  }
.LBB2_22:
0x18a: {  	p0 =	sne.s32 s31, $0x61C0;
	v3 =	vld [tilespmem:s1+$0x18E40];
	_ =	sdelay $0x2  }
.Ltmp10:
0x18b: {  	(pc) =	sbr.rel @p0 .LBB2_22-.Ltmp10, $4  }
0x18c: {  	_ = 	snop  }
0x18d: {  	v3 =	vadd.f32 v2, v3  }
0x18e: {  	s3 =	sshra.s32 s31, $0x2  }
0x18f: {  	s31 =	sadd.s32 $0x40, s31;
	v2 =	vld [tilespmem:s3+$0x1A6C0];
	[tilespmem:s1+$0x18E40] =	vst v3;
	s1 =	smov.u32 s3  }
0x190: {  	v3 =	vld [tilespmem:s1+$0x18E40];
	_ =	sdelay $0x4  }
0x191: {  	v2 =	vadd.f32 v2, v3;
	_ =	sdelay $0x1  }
0x192: {  	s3 =	simm.s32 $0x0;
	[tilespmem:s1+$0x18E40] =	vst v2  }
0x193: {  	[tilespmem:s30], [sflag:$0x3] =	stream.linear.gather [hbm4b:s14+s3], $0x1880, $0x38;
	[tilespmem:$0x1BF40] =	vst v63  }
0x194: {  	_ =	swait.ge [sflag:s24], $0x1880  }
0x195: {  	[sflag:s24] =	ssyncset.done $0x0  }
0x196: {  	s1 =	simm.s32 $0x0;
	[sflag:s24] =	ssyncadd.s32 $0xFFFFE780  }
0x197: {  	s31 =	simm.s32 $0x40;
	v2 =	vld [tilespmem:s1+$0x1A6C0]  }
.LBB2_24:
0x198: {  	p0 =	sne.s32 s31, $0x61C0;
	v3 =	vld [tilespmem:s1+$0x18E40];
	_ =	sdelay $0x2  }
.Ltmp11:
0x199: {  	(pc) =	sbr.rel @p0 .LBB2_24-.Ltmp11, $4  }
0x19a: {  	_ = 	snop  }
0x19b: {  	v3 =	vadd.f32 v2, v3  }
0x19c: {  	s3 =	sshra.s32 s31, $0x2  }
0x19d: {  	s31 =	sadd.s32 $0x40, s31;
	v2 =	vld [tilespmem:s3+$0x1A6C0];
	[tilespmem:s1+$0x18E40] =	vst v3;
	s1 =	smov.u32 s3  }
0x19e: {  	v3 =	vld [tilespmem:s1+$0x18E40];
	_ =	sdelay $0x4  }
0x19f: {  	v2 =	vadd.f32 v2, v3;
	_ =	sdelay $0x1  }
0x1a0: {  	s3 =	simm.s32 $0x0;
	[tilespmem:s1+$0x18E40] =	vst v2  }
0x1a1: {  	[tilespmem:s30], [sflag:$0x3] =	stream.linear.gather [hbm4b:s15+s3], $0x1880, $0x38;
	[tilespmem:$0x1BF40] =	vst v63  }
0x1a2: {  	_ =	swait.ge [sflag:s24], $0x1880  }
0x1a3: {  	[sflag:s24] =	ssyncset.done $0x0  }
0x1a4: {  	s1 =	simm.s32 $0x0;
	[sflag:s24] =	ssyncadd.s32 $0xFFFFE780  }
0x1a5: {  	s31 =	simm.s32 $0x40;
	v2 =	vld [tilespmem:s1+$0x1A6C0]  }
.LBB2_26:
0x1a6: {  	p0 =	sne.s32 s31, $0x61C0;
	v3 =	vld [tilespmem:s1+$0x18E40];
	_ =	sdelay $0x2  }
.Ltmp12:
0x1a7: {  	(pc) =	sbr.rel @p0 .LBB2_26-.Ltmp12, $4  }
0x1a8: {  	_ = 	snop  }
0x1a9: {  	v3 =	vadd.f32 v2, v3  }
0x1aa: {  	s3 =	sshra.s32 s31, $0x2  }
0x1ab: {  	s31 =	sadd.s32 $0x40, s31;
	v2 =	vld [tilespmem:s3+$0x1A6C0];
	[tilespmem:s1+$0x18E40] =	vst v3;
	s1 =	smov.u32 s3  }
0x1ac: {  	v3 =	vld [tilespmem:s1+$0x18E40];
	_ =	sdelay $0x4  }
0x1ad: {  	v2 =	vadd.f32 v2, v3;
	_ =	sdelay $0x1  }
0x1ae: {  	s3 =	simm.s32 $0x0;
	[tilespmem:s1+$0x18E40] =	vst v2  }
0x1af: {  	[tilespmem:s30], [sflag:$0x3] =	stream.linear.gather [hbm4b:s16+s3], $0x1880, $0x38;
	[tilespmem:$0x1BF40] =	vst v63  }
0x1b0: {  	_ =	swait.ge [sflag:s24], $0x1880  }
0x1b1: {  	[sflag:s24] =	ssyncset.done $0x0  }
0x1b2: {  	s1 =	simm.s32 $0x0;
	[sflag:s24] =	ssyncadd.s32 $0xFFFFE780  }
0x1b3: {  	s31 =	simm.s32 $0x40;
	v2 =	vld [tilespmem:s1+$0x1A6C0]  }
.LBB2_28:
0x1b4: {  	p0 =	sne.s32 s31, $0x61C0;
	v3 =	vld [tilespmem:s1+$0x18E40];
	_ =	sdelay $0x2  }
.Ltmp13:
0x1b5: {  	(pc) =	sbr.rel @p0 .LBB2_28-.Ltmp13, $4  }
0x1b6: {  	_ = 	snop  }
0x1b7: {  	v3 =	vadd.f32 v2, v3  }
0x1b8: {  	s3 =	sshra.s32 s31, $0x2  }
0x1b9: {  	s31 =	sadd.s32 $0x40, s31;
	v2 =	vld [tilespmem:s3+$0x1A6C0];
	[tilespmem:s1+$0x18E40] =	vst v3;
	s1 =	smov.u32 s3  }
0x1ba: {  	v3 =	vld [tilespmem:s1+$0x18E40];
	_ =	sdelay $0x4  }
0x1bb: {  	v2 =	vadd.f32 v2, v3;
	_ =	sdelay $0x1  }
0x1bc: {  	s3 =	simm.s32 $0x0;
	[tilespmem:s1+$0x18E40] =	vst v2  }
0x1bd: {  	[tilespmem:s30], [sflag:$0x3] =	stream.linear.gather [hbm4b:s17+s3], $0x1880, $0x38;
	[tilespmem:$0x1BF40] =	vst v63  }
0x1be: {  	_ =	swait.ge [sflag:s24], $0x1880  }
0x1bf: {  	[sflag:s24] =	ssyncset.done $0x0  }
0x1c0: {  	s1 =	simm.s32 $0x0;
	[sflag:s24] =	ssyncadd.s32 $0xFFFFE780  }
0x1c1: {  	s31 =	simm.s32 $0x40;
	v2 =	vld [tilespmem:s1+$0x1A6C0]  }
.LBB2_30:
0x1c2: {  	p0 =	sne.s32 s31, $0x61C0;
	v3 =	vld [tilespmem:s1+$0x18E40];
	_ =	sdelay $0x2  }
.Ltmp14:
0x1c3: {  	(pc) =	sbr.rel @p0 .LBB2_30-.Ltmp14, $4  }
0x1c4: {  	_ = 	snop  }
0x1c5: {  	v3 =	vadd.f32 v2, v3  }
0x1c6: {  	s3 =	sshra.s32 s31, $0x2  }
0x1c7: {  	s31 =	sadd.s32 $0x40, s31;
	v2 =	vld [tilespmem:s3+$0x1A6C0];
	[tilespmem:s1+$0x18E40] =	vst v3;
	s1 =	smov.u32 s3  }
0x1c8: {  	v3 =	vld [tilespmem:s1+$0x18E40];
	_ =	sdelay $0x4  }
0x1c9: {  	v2 =	vadd.f32 v2, v3;
	_ =	sdelay $0x1  }
0x1ca: {  	s3 =	simm.s32 $0x0;
	[tilespmem:s1+$0x18E40] =	vst v2  }
0x1cb: {  	[tilespmem:s30], [sflag:$0x3] =	stream.linear.gather [hbm4b:s18+s3], $0x1880, $0x38;
	[tilespmem:$0x1BF40] =	vst v63  }
0x1cc: {  	_ =	swait.ge [sflag:s24], $0x1880  }
0x1cd: {  	[sflag:s24] =	ssyncset.done $0x0  }
0x1ce: {  	s1 =	simm.s32 $0x0;
	[sflag:s24] =	ssyncadd.s32 $0xFFFFE780  }
0x1cf: {  	s31 =	simm.s32 $0x40;
	v2 =	vld [tilespmem:s1+$0x1A6C0]  }
.LBB2_32:
0x1d0: {  	p0 =	sne.s32 s31, $0x61C0;
	v3 =	vld [tilespmem:s1+$0x18E40];
	_ =	sdelay $0x2  }
.Ltmp15:
0x1d1: {  	(pc) =	sbr.rel @p0 .LBB2_32-.Ltmp15, $4  }
0x1d2: {  	_ = 	snop  }
0x1d3: {  	v3 =	vadd.f32 v2, v3  }
0x1d4: {  	s3 =	sshra.s32 s31, $0x2  }
0x1d5: {  	s31 =	sadd.s32 $0x40, s31;
	v2 =	vld [tilespmem:s3+$0x1A6C0];
	[tilespmem:s1+$0x18E40] =	vst v3;
	s1 =	smov.u32 s3  }
0x1d6: {  	v3 =	vld [tilespmem:s1+$0x18E40];
	_ =	sdelay $0x4  }
0x1d7: {  	v2 =	vadd.f32 v2, v3;
	_ =	sdelay $0x1  }
0x1d8: {  	s3 =	simm.s32 $0x0;
	[tilespmem:s1+$0x18E40] =	vst v2  }
0x1d9: {  	[tilespmem:s30], [sflag:$0x3] =	stream.linear.gather [hbm4b:s19+s3], $0x1880, $0x38;
	[tilespmem:$0x1BF40] =	vst v63  }
0x1da: {  	_ =	swait.ge [sflag:s24], $0x1880  }
0x1db: {  	[sflag:s24] =	ssyncset.done $0x0  }
0x1dc: {  	s1 =	simm.s32 $0x0;
	[sflag:s24] =	ssyncadd.s32 $0xFFFFE780  }
0x1dd: {  	s31 =	simm.s32 $0x40;
	v2 =	vld [tilespmem:s1+$0x1A6C0]  }
.LBB2_34:
0x1de: {  	p0 =	sne.s32 s31, $0x61C0;
	v3 =	vld [tilespmem:s1+$0x18E40];
	_ =	sdelay $0x2  }
.Ltmp16:
0x1df: {  	(pc) =	sbr.rel @p0 .LBB2_34-.Ltmp16, $4  }
0x1e0: {  	_ = 	snop  }
0x1e1: {  	v3 =	vadd.f32 v2, v3  }
0x1e2: {  	s3 =	sshra.s32 s31, $0x2  }
0x1e3: {  	s31 =	sadd.s32 $0x40, s31;
	v2 =	vld [tilespmem:s3+$0x1A6C0];
	[tilespmem:s1+$0x18E40] =	vst v3;
	s1 =	smov.u32 s3  }
0x1e4: {  	v3 =	vld [tilespmem:s1+$0x18E40];
	_ =	sdelay $0x4  }
0x1e5: {  	s0 =	sadd.s32 $0x1, s0;
	v2 =	vadd.f32 v2, v3  }
0x1e6: {  	p0 =	sne.s32 s0, s21  }
.Ltmp17:
0x1e7: {  	s31 =	simm.s32 $0x18E40;
	[tilespmem:s1+$0x18E40] =	vst v2;
	(pc) =	sbr.rel @p0 .LBB2_1-.Ltmp17, $4  }
0x1e8: {  	[hbm4b:s20+s2] =	stream.linear.scatter [tilespmem:s31], [sflag:$0x3], $0x1880, $0x38;
	[tilespmem:$0x1BF40] =	vst v63  }
0x1e9: {  	_ =	swait.ge [sflag:s24], $0x1880  }
0x1ea: {  	[sflag:s24] =	ssyncset.done $0x0  }
0x1eb: {  	[sflag:s24] =	ssyncadd.s32 $0xFFFFE780  }
0x1ec: {  	_ =	sfence.sel $0x180000  }
0x1ed: {  	[bflag:$0x0] =	sbarrier.arrive $0xFFFF  }
0x1ee: {  	_ =	strace $0x9000004A  }
0x1ef: {  	s0 =	stileid.u32;
	[bflag:$0x2] =	sbarrier.arrive $0xFFFF  }
0x1f0: {  	p0 =	sne.s32 s0, $0x0;
	s0 =	rddreg [dreg:$0x2]  }
0x1f1: {  	s0 =	sadd.s32 @!p0 $0x100000, s0  }
0x1f2: {  	[sflag:s0] =	ssyncadd.tile.s32 @!p0 $0x1;
	_ =	shalt  }
.Lfunc_end2:
_tile_overlayer_lowered:
.L_overlay_start_2:
0x1f3: {  	(tag) =	ssettag $0x2  }
0x1f4: {  	s0 =	rddreg [dreg:$0x0];
	s2 =	stileid.u32  }
0x1f5: {  	s1 =	rddreg [dreg:$0x1];
	p0 =	sne.s32 s2, $0x0  }
0x1f6: {  	s3 =	rddreg [dreg:$0x2];
	[bflag:$0x3] =	sbarrier.arrive $0xFFFF;
	s2 =	simm.s32 @!p0 $0x1C03  }
0x1f7: {  	[timem:s3], [sflag:s2] =	dma.local @!p0 [hbm:s0], s1  }
0x1f8: {  	s0 =	simm.s32 @!p0 $0x3  }
0x1f9: {  	_ =	swait.ge @!p0 [sflag:s0], s1  }
0x1fa: {  	s1 =	ssub.s32 @!p0 $0x0, s1;
	[sflag:s0] =	ssyncset.done @!p0 $0x0  }
0x1fb: {  	[sflag:s0] =	ssyncadd.s32 @!p0 s1  }
0x1fc: {  	[bflag:$0x3] =	sbarrier.arrive $0xFFFF  }
0x1fd: {  	_ =	shalt  }

// kernel: kernel.9.cloned.1.call-start
scs
__scs_entry_jumppad:
0x0: {  	(pc) =	sbr.rel $0x88, $3  }
0x1: {  	(tag) =	ssettag $0x0;
	lr =	simm.s32 $0x1  }
0x2: {  	[smem:$0x3F9B] =	sst lr;
	_ =	strace $0xD0000000  }
0x3: {  	_ = 	snop  }
0x4: {  	_ = 	snop  }
0x5: {  	_ = 	snop  }
0x6: {  	_ = 	snop  }
0x7: {  	_ = 	snop  }
__scs_overlays_trampoline_lowered:
0x8: {  	[smem:$0x3FAA] =	sst s0  }
0x9: {  	[smem:$0x3FAB] =	sst s1  }
0xa: {  	[smem:$0x3FAC] =	sst s2  }
0xb: {  	[smem:$0x3FAD] =	sst s3  }
0xc: {  	[smem:$0x3FAE] =	sst s4  }
0xd: {  	[smem:$0x3FAF] =	sst s5  }
0xe: {  	[smem:$0x3FB0] =	sst s6  }
0xf: {  	[smem:$0x3FB1] =	sst s7  }
0x10: {  	[smem:$0x3FB2] =	sst s8  }
0x11: {  	[smem:$0x3FB3] =	sst s9;
	s0 =	simm.s32 @!p0 $0x0  }
0x12: {  	s1 =	sld [smem:$0x3F99];
	s0 =	simm.s32 @p0 $0x1  }
0x13: {  	[smem:$0x3FB4] =	sst s0;
	s0 =	simm.s32 @!p1 $0x0  }
0x14: {  	s2 =	sld [smem:$0x3F98];
	s0 =	simm.s32 @p1 $0x1  }
0x15: {  	[smem:$0x3FB5] =	sst s0;
	s0 =	simm.s32 @!p2 $0x0  }
0x16: {  	s3 =	sld [smem:$0x3FDB];
	s0 =	simm.s32 @p2 $0x1  }
0x17: {  	s4 =	simm.s32 $0x1BF5;
	[smem:$0x3FB7] =	sst s0  }
0x18: {  	s0 =	sld [smem:$0x3F9A];
	_ =	swait.ge [sflag:s4], $0x0  }
0x19: {  	s7 =	sld [smem:$0x3F9B]  }
0x1a: {  	s8 =	sadd.s32 $0xFFFFE003, lr  }
0x1b: {  	s9 =	sadd.s32 $0xFFFFFEF7, lr;
	s5 =	simm.s32 $0xFFFFFFFF;
	p2 =	slt.u32 s8, $0xFFFFF086  }
0x1c: {  	p1 =	slt.u32 s9, $0xF7A;
	s5 =	simm.s32 @!p2 $0x0  }
0x1d: {  	s5 =	simm.s32 @p1 $0x1;
	p0 =	seq.s32 s7, s2  }
0x1e: {  	s7 =	smul.u32 @!p0 $0xF7A, s2;
	p2 =	seq.s32 @!p0 s5, $0x0  }
0x1f: {  	s9 =	smul.u32 $0xF7A, s1;
	s8 =	simm.s32 @!p0 $0x1BF5;
	p2 =	por !p2, p0  }
0x20: {  	[sflag:s8] =	ssyncset.s32 @!p0 $0xFFFFF086;
	s6 =	sadd.s32 @!p0 s3, s7;
	s7 =	simm.s32 @!p0 $0x108  }
0x21: {  	s3 =	sadd.s32 s3, s9;
	s6 =	sadd.s32 @!p0 $0x88, s6;
	s7 =	simm.s32 @p2 $0x1082  }
0x22: {  	[simem:s7], [sflag:s8] =	dma.local @!p0 [hbm:s6], $0xF7A  }
0x23: {  	s9 =	sor.u32 $0xD0000000, s2;
	s6 =	simm.s32 $0x108;
	_ =	swait.ge @!p0 [sflag:s8], $0x0  }
0x24: {  	s3 =	sadd.s32 $0x88, s3;
	s6 =	simm.s32 @!p1 $0x1082;
	[sflag:s4] =	ssyncset.s32 $0xFFFFF086  }
0x25: {  	[simem:s6], [sflag:s4] =	dma.local [hbm:s3], $0xF7A  }
0x26: {  	[smem:$0x3F9B] =	sst s1;
	(tag) =	ssettag s2;
	_ =	strace s9  }
0x27: {  	s1 =	sld [smem:$0x3FAB]  }
0x28: {  	s2 =	sld [smem:$0x3FAC]  }
0x29: {  	s4 =	sld [smem:$0x3FAE]  }
0x2a: {  	p0 =	seq.s32 s5, $0x0;
	s5 =	sld [smem:$0x3FAF]  }
0x2b: {  	s6 =	sld [smem:$0x3FB0]  }
0x2c: {  	s7 =	sld [smem:$0x3FB1]  }
0x2d: {  	s3 =	simm.s32 $0x108;
	s8 =	sld [smem:$0x3FB2]  }
0x2e: {  	s3 =	simm.s32 @!p0 $0x1082;
	s9 =	sld [smem:$0x3FB3]  }
0x2f: {  	lr =	sadd.s32 s0, s3;
	s0 =	sld [smem:$0x3FAA]  }
0x30: {  	s3 =	sld [smem:$0x3FAD]  }
0x31: {  	[smem:$0x3FB6] =	sst s10  }
0x32: {  	s10 =	sld [smem:$0x3FB4];
	_ =	sdelay $0x3  }
0x33: {  	p0 =	seq.s32 s10, $0x1;
	s10 =	sld [smem:$0x3FB6];
	_ =	sdelay $0x3  }
0x34: {  	[smem:$0x3FB6] =	sst s10  }
0x35: {  	s10 =	sld [smem:$0x3FB5];
	_ =	sdelay $0x3  }
0x36: {  	p1 =	seq.s32 s10, $0x1;
	s10 =	sld [smem:$0x3FB6];
	_ =	sdelay $0x3  }
0x37: {  	[smem:$0x3FB6] =	sst s10  }
0x38: {  	s10 =	sld [smem:$0x3FB7]  }
0x39: {  	_ = 	snop;
	(pc) =	sbr.ind lr, $3  }
0x3a: {  	_ = 	snop  }
0x3b: {  	_ = 	snop  }
0x3c: {  	p2 =	seq.s32 s10, $0x1;
	s10 =	sld [smem:$0x3FB6]  }
0x3d: {  	_ =	shalt  }
0x3e: {  	_ =	shalt  }
0x3f: {  	_ =	shalt  }
0x40: {  	_ =	shalt  }
0x41: {  	_ =	shalt  }
0x42: {  	_ =	shalt  }
0x43: {  	_ =	shalt  }
0x44: {  	_ =	shalt  }
0x45: {  	_ =	shalt  }
0x46: {  	_ =	shalt  }
0x47: {  	_ =	shalt  }
0x48: {  	_ =	shalt  }
0x49: {  	_ =	shalt  }
0x4a: {  	_ =	shalt  }
0x4b: {  	_ =	shalt  }
0x4c: {  	_ =	shalt  }
0x4d: {  	_ =	shalt  }
0x4e: {  	_ =	shalt  }
0x4f: {  	_ =	shalt  }
0x50: {  	_ =	shalt  }
0x51: {  	_ =	shalt  }
0x52: {  	_ =	shalt  }
0x53: {  	_ =	shalt  }
0x54: {  	_ =	shalt  }
0x55: {  	_ =	shalt  }
0x56: {  	_ =	shalt  }
0x57: {  	_ =	shalt  }
0x58: {  	_ =	shalt  }
0x59: {  	_ =	shalt  }
0x5a: {  	_ =	shalt  }
0x5b: {  	_ =	shalt  }
0x5c: {  	_ =	shalt  }
0x5d: {  	_ =	shalt  }
0x5e: {  	_ =	shalt  }
0x5f: {  	_ =	shalt  }
0x60: {  	_ =	shalt  }
0x61: {  	_ =	shalt  }
0x62: {  	_ =	shalt  }
0x63: {  	_ =	shalt  }
0x64: {  	_ =	shalt  }
0x65: {  	_ =	shalt  }
0x66: {  	_ =	shalt  }
0x67: {  	_ =	shalt  }
0x68: {  	_ =	shalt  }
0x69: {  	_ =	shalt  }
0x6a: {  	_ =	shalt  }
0x6b: {  	_ =	shalt  }
0x6c: {  	_ =	shalt  }
0x6d: {  	_ =	shalt  }
0x6e: {  	_ =	shalt  }
0x6f: {  	_ =	shalt  }
0x70: {  	_ =	shalt  }
0x71: {  	_ =	shalt  }
0x72: {  	_ =	shalt  }
0x73: {  	_ =	shalt  }
0x74: {  	_ =	shalt  }
0x75: {  	_ =	shalt  }
0x76: {  	_ =	shalt  }
0x77: {  	_ =	shalt  }
0x78: {  	_ =	shalt  }
0x79: {  	_ =	shalt  }
0x7a: {  	_ =	shalt  }
0x7b: {  	_ =	shalt  }
0x7c: {  	_ =	shalt  }
0x7d: {  	_ =	shalt  }
0x7e: {  	_ =	shalt  }
0x7f: {  	_ =	shalt  }
0x80: {  	_ =	shalt  }
0x81: {  	_ =	shalt  }
0x82: {  	_ =	shalt  }
0x83: {  	_ =	shalt  }
0x84: {  	_ =	shalt  }
0x85: {  	_ =	shalt  }
0x86: {  	_ =	shalt  }
0x87: {  	_ =	shalt  }
.Lfunc_end0:
.L_simem_size_0:
called_computation.2_lowered:
.L_overlay_start_0:
0x88: {  	s2 =	sld [smem:$0x3FD9]  }
0x89: {  	s3 =	sld [smem:$0x3FFE];
	_ =	sdelay $0x1  }
0x8a: {  	s1 =	srdreg.scid  }
0x8b: {  	s0 =	sand.u32 $0x1, s1  }
0x8c: {  	s17 =	sshll.u32 s0, $0xA;
	s2 =	sadd.s32 s3, s2  }
0x8d: {  	s2 =	sadd.s32 s2, s17  }
0x8e: {  	[smem:$0x3FC2] =	sst s2  }
0x8f: {  	_ = 	snop  }
0x90: {  	s2 =	sld [smem:$0x3FD0];
	(tm) =	ssettm $0x1  }
0x91: {  	s18 =	sld [smem:$0x3FFB];
	_ =	sdelay $0x3  }
0x92: {  	_ =	strace s18  }
0x93: {  	s3 =	sld [smem:$0x3FFC];
	_ =	sdelay $0x3  }
0x94: {  	_ =	strace s3  }
0x95: {  	s3 =	sld [smem:$0x3FFD];
	_ =	sdelay $0x3  }
0x96: {  	_ =	strace s3  }
0x97: {  	_ =	strace $0x8FFFFFFF  }
0x98: {  	s19 =	sld [smem:$0x3FDB];
	_ =	sdelay $0x1  }
0x99: {  	s4 =	simm.s32 $_scs_section_size  }
0x9a: {  	s5 =	simm.s32 $_size__tile_overlayer_lowered;
	s6 =	simm.s32 $_tile_overlayer_lowered  }
0x9b: {  	s22 =	simm.s32 $0x1BFF;
	s21 =	sshll.u32 s6, $0x1;
	s3 =	sadd.s32 s4, s19  }
0x9c: {  	s7 =	simm.s32 $0x0;
	s20 =	sshll.u32 s5, $0x1;
	s5 =	sadd.s32 s21, s3  }
0x9d: {  	[timem:s7], [sflag:s22] =	dma.local [hbm:s5], s20  }
0x9e: {  	_ =	swait.ge [sflag:s22], s20  }
0x9f: {  	s4 =	ssub.s32 $0x0, s20;
	[sflag:s22] =	ssyncset.done $0x0  }
0xa0: {  	[sflag:s22] =	ssyncadd.s32 s4;
	_ =	sdelay $0x1  }
0xa1: {  	s23 =	simm.s32 $0x1B8B  }
0xa2: {  	_ =	swait.ge [sflag:s23], $0x1  }
0xa3: {  	[sflag:s23] =	ssyncset.done $0x0  }
0xa4: {  	s25 =	simm.s32 $0x1B8E;
	s24 =	sld [smem:$0x3FFE];
	[sflag:s23] =	ssyncadd.s32 $0xFFFFFFFF  }
0xa5: {  	s26 =	simm.s32 $execute0_lowered;
	[smem:$0x3FD2] =	sst s25  }
0xa6: {  	s5 =	sshll.u32 s26, $0x1;
	_ =	strace $0x8000004C;
	[dreg:$0x1] =	wrdreg $0xFFFFFFFF  }
0xa7: {  	s28 =	simm.s32 $_size_execute0_lowered;
	s3 =	sadd.s32 s3, s5;
	[dreg:$0x0] =	wrdreg $0x0  }
0xa8: {  	s5 =	sshll.u32 s28, $0x1;
	[dreg:$0x2] =	wrdreg s3  }
0xa9: {  	[dreg:$0x3] =	wrdreg s5  }
0xaa: {  	[dreg:$0x4] =	wrdreg $0xC0  }
0xab: {  	_ =	task [dreg:s7], $0x5FFFF  }
0xac: {  	[dreg:$0x1] =	wrdreg $0xFFFFFFFF  }
0xad: {  	[dreg:$0x0] =	wrdreg $0x60  }
0xae: {  	[dreg:$0x2] =	wrdreg s24  }
0xaf: {  	[dreg:$0x3] =	wrdreg s2  }
0xb0: {  	[dreg:$0x4] =	wrdreg $0x46500  }
0xb1: {  	[dreg:$0x5] =	wrdreg $0x9  }
0xb2: {  	_ =	task.clear_ibuf [dreg:s7], $0x6FFFF;
	_ =	strace $0x9000004C  }
0xb3: {  	s29 =	simm.s32 $0x9;
	_ =	strace $0x8000004E  }
0xb4: {  	_ =	swait.ge [sflag:s29], $0x1  }
0xb5: {  	[sflag:s29] =	ssyncadd.s32 $0xFFFFFFFF  }
0xb6: {  	_ =	strace $0x9000004E  }
0xb7: {  	_ =	sfence  }
0xb8: {  	s30 =	sld [smem:$0x0];
	_ =	sdelay $0x2  }
0xb9: {  	s31 =	sshll.u32 s1, $0xD;
	s1 =	sshrl.u32 s1, $0x2  }
0xba: {  	s3 =	sand.u32 $0x4000, s31;
	s1 =	sadd.s32 s1, s30  }
0xbb: {  	s0 =	sor.u32 s3, s0;
	s1 =	sshll.u32 s1, $0x11  }
0xbc: {  	s0 =	sor.u32 s1, s0  }
0xbd: {  	s0 =	sadd.s32 $0x8F2B, s0  }
0xbe: {  	[sflag:s0] =	ssyncadd.remote.s32 $0x1  }
0xbf: {  	_ =	sfence.sel $0xFFFF  }
0xc0: {  	[dreg:$0x0] =	wrdreg $0xFFFFFFFF;
	(pc) =	sbr.abs _section_cstart, $3  }
0xc1: {  	[dreg:$0x1] =	wrdreg $0xFFFFFFFF  }
0xc2: {  	_ =	task.clear_ibuf [dreg:s7], $0x2FFFF;
	_ =	strace $0x9FFFFFFF  }
0xc3: {  	(tm) =	ssettm $0x7FFFFFFF  }
tec
execute0_lowered:
.L_overlay_start_1:
0x0: {  	(tag) =	ssettag $0x1  }
0x1: {  	s6 =	rddreg [dreg:$0x0]  }
0x2: {  	s2 =	rddreg [dreg:$0x1]  }
0x3: {  	s3 =	rddreg [dreg:$0x2]  }
0x4: {  	s0 =	rddreg [dreg:$0x3]  }
0x5: {  	s5 =	srdreg.scid;
	s1 =	stileid.u32;
	s4 =	simm.s32 $0x0  }
0x6: {  	s14 =	simm.s32 $0x4268;
	s15 =	simm.s32 $0x1;
	s16 =	simm.s32 $0x3E8  }
0x7: {  	s17 =	simm.s32 $0x0;
	s7 =	sand.u32 $0x1, s5;
	s8 =	smul.u32 $0x186B0, s1  }
0x8: {  	[smem:$0x7FF] =	sst s4;
	s5 =	sadd.s32 $0x188200, s6;
	s11 =	smul.u32 $0x61A80, s1  }
0x9: {  	s10 =	sadd.s32 $0x1800, s6;
	s13 =	sshll.u32 s1, $0x6;
	s9 =	smul.u32 $0x186B00, s7  }
0xa: {  	_ =	strace $0x8000004D;
	s12 =	ssub.s32 $0x2, s7;
	s7 =	smul.u32 $0x30D40, s7  }
0xb: {  	s28 =	sshrl.u32 s12, $0x1;
	s29 =	sadd.s32 s8, s3;
	s9 =	sadd.s32 s8, s9  }
0xc: {  	s12 =	ssub.s32 s12, s28;
	s11 =	sadd.s32 s7, s11;
	s9 =	sshrl.u32 s9, $0x3  }
0xd: {  	s30 =	sadd.s32 $0x61A800, s11;
	s8 =	smax.u32 s12, $0x1;
	s11 =	sshrl.u32 s11, $0x3  }
0xe: {  	s12 =	simm.s32 $0x2;
	s9 =	sadd.s32 s9, s6;
	s6 =	sor.u32 $0x1C02, s13  }
0xf: {  	s31 =	sshrl.u32 s30, $0x3;
	s13 =	simm.s32 $0x3E80;
	s7 =	sadd.s32 $0x1B9200, s9  }
0x10: {  	s9 =	sadd.s32 s11, s10;
	s10 =	sadd.s32 s31, s10;
	s11 =	sshrl.u32 s29, $0x3  }
.LBB2_1:
0x11: {  	[spmem:s11], [sflag:s6] =	dma.local [hbm:s2], $0x30D6  }
0x12: {  	_ =	swait.ge [sflag:s12], $0x30D6  }
0x13: {  	[sflag:s12] =	ssyncset.done $0x0  }
0x14: {  	[sflag:s12] =	ssyncadd.s32 $0xFFFFCF2A  }
0x15: {  	s18 =	sadd.s32 $0x0, s9;
	[bflag:$0x0] =	sbarrier.arrive $0xFFFF  }
0x16: {  	[tilespmem:s13], [sflag:$0x1] =	stream.linear.gather [hbm4b:s18+s4], $0x3E8, $0x38;
	[tilespmem:$0x1CD00] =	vst v63  }
0x17: {  	s31 =	sadd.s32 $0x0, s10  }
0x18: {  	[tilespmem:s14], [sflag:$0x1] =	stream.linear.gather [hbm4b:s31+s4], $0x3E8, $0x38;
	[tilespmem:$0x1CD00] =	vst v63  }
0x19: {  	_ =	swait.ge [sflag:s15], $0x3E8  }
0x1a: {  	[sflag:s15] =	ssyncset.done $0x0  }
0x1b: {  	[sflag:s15] =	ssyncadd.s32 $0xFFFFFC18  }
0x1c: {  	_ =	swait.ge [sflag:s15], $0x3E8  }
0x1d: {  	[sflag:s15] =	ssyncset.done $0x0  }
0x1e: {  	[sflag:s15] =	ssyncadd.s32 $0xFFFFFC18  }
0x1f: {  	[tilespmem:s4], [sflag:$0x1] =	stream.indirect.gather [hbm4b:s5+s16], $0x10, s13, s16, $0xb8;
	[tilespmem:$0x1CD00] =	vst v63  }
0x20: {  	_ =	swait.ge [sflag:s15], $0x3E80  }
0x21: {  	[sflag:s15] =	ssyncset.done $0x0  }
0x22: {  	[sflag:s15] =	ssyncadd.s32 $0xFFFFC180  }
0x23: {  	[spmem:s3] =	stream.indirect.scatter.add.f32 [tilespmem:s4], [sflag:$0x1], $0x10, s14, s16, $0xb8;
	[tilespmem:$0x1CD00] =	vst v63  }
0x24: {  	_ =	swait.ge [sflag:s15], $0x3E80  }
0x25: {  	s19 =	simm.s32 $0xFA;
	s18 =	simm.s32 $0x7D;
	[sflag:s15] =	ssyncset.done $0x0  }
.LBB2_2:
0x26: {  	s20 =	sadd.s32 s18, s9  }
0x27: {  	[sflag:s15] =	ssyncadd.s32 $0xFFFFC180;
	s21 =	smov.u32 s19;
	s22 =	sadd.s32 $0x7D, s19  }
0x28: {  	[tilespmem:s13], [sflag:$0x1] =	stream.linear.gather [hbm4b:s20+s4], $0x3E8, $0x38;
	[tilespmem:$0x1CD00] =	vst v63  }
0x29: {  	p0 =	sne.s32 s19, $0x612B;
	s19 =	sadd.s32 s18, s10;
	s18 =	smov.u32 s21  }
0x2a: {  	[tilespmem:s14], [sflag:$0x1] =	stream.linear.gather [hbm4b:s19+s4], $0x3E8, $0x38;
	[tilespmem:$0x1CD00] =	vst v63  }
0x2b: {  	_ =	swait.ge [sflag:s15], $0x3E8  }
0x2c: {  	[sflag:s15] =	ssyncset.done $0x0  }
0x2d: {  	[sflag:s15] =	ssyncadd.s32 $0xFFFFFC18  }
0x2e: {  	_ =	swait.ge [sflag:s15], $0x3E8  }
0x2f: {  	[sflag:s15] =	ssyncset.done $0x0  }
0x30: {  	[sflag:s15] =	ssyncadd.s32 $0xFFFFFC18  }
0x31: {  	[tilespmem:s4], [sflag:$0x1] =	stream.indirect.gather [hbm4b:s5+s16], $0x10, s13, s16, $0xb8;
	[tilespmem:$0x1CD00] =	vst v63  }
0x32: {  	_ =	swait.ge [sflag:s15], $0x3E80  }
.Ltmp0:
0x33: {  	[sflag:s15] =	ssyncset.done $0x0;
	(pc) =	sbr.rel @p0 .LBB2_2-.Ltmp0, $4  }
0x34: {  	[sflag:s15] =	ssyncadd.s32 $0xFFFFC180  }
0x35: {  	[spmem:s3] =	stream.indirect.scatter.add.f32 [tilespmem:s4], [sflag:$0x1], $0x10, s14, s16, $0xb8;
	[tilespmem:$0x1CD00] =	vst v63  }
0x36: {  	_ =	swait.ge [sflag:s15], $0x3E80  }
0x37: {  	s19 =	smov.u32 s22;
	[sflag:s15] =	ssyncset.done $0x0  }
0x38: {  	s19 =	sadd.s32 s18, s9;
	[sflag:s15] =	ssyncadd.s32 $0xFFFFC180  }
0x39: {  	[tilespmem:s13], [sflag:$0x1] =	stream.linear.gather [hbm4b:s19+s4], $0x3E8, $0x38;
	[tilespmem:$0x1CD00] =	vst v63  }
0x3a: {  	s31 =	sadd.s32 s18, s10  }
0x3b: {  	[tilespmem:s14], [sflag:$0x1] =	stream.linear.gather [hbm4b:s31+s4], $0x3E8, $0x38;
	[tilespmem:$0x1CD00] =	vst v63  }
0x3c: {  	_ =	swait.ge [sflag:s15], $0x3E8  }
0x3d: {  	[sflag:s15] =	ssyncset.done $0x0  }
0x3e: {  	[sflag:s15] =	ssyncadd.s32 $0xFFFFFC18  }
0x3f: {  	_ =	swait.ge [sflag:s15], $0x3E8  }
0x40: {  	[sflag:s15] =	ssyncset.done $0x0  }
0x41: {  	[sflag:s15] =	ssyncadd.s32 $0xFFFFFC18  }
0x42: {  	[tilespmem:s4], [sflag:$0x1] =	stream.indirect.gather [hbm4b:s5+s16], $0x10, s13, s16, $0xb8;
	[tilespmem:$0x1CD00] =	vst v63  }
0x43: {  	_ =	swait.ge [sflag:s15], $0x3E80  }
0x44: {  	[sflag:s15] =	ssyncset.done $0x0  }
0x45: {  	[sflag:s15] =	ssyncadd.s32 $0xFFFFC180  }
0x46: {  	[spmem:s3] =	stream.indirect.scatter.add.f32 [tilespmem:s4], [sflag:$0x1], $0x10, s14, s16, $0xb8;
	[tilespmem:$0x1CD00] =	vst v63  }
0x47: {  	_ =	swait.ge [sflag:s15], $0x3E80  }
0x48: {  	s17 =	sadd.s32 $0x1, s17;
	[sflag:s15] =	ssyncset.done $0x0  }
0x49: {  	p0 =	sne.s32 s17, s8;
	[sflag:s15] =	ssyncadd.s32 $0xFFFFC180  }
.Ltmp1:
0x4a: {  	[bflag:$0x0] =	sbarrier.arrive $0xFFFF;
	(pc) =	sbr.rel @p0 .LBB2_1-.Ltmp1, $4  }
0x4b: {  	[hbm:s7], [sflag:s6] =	dma.local [spmem:s11], $0x30D6  }
0x4c: {  	_ =	swait.ge [sflag:s12], $0x30D6  }
0x4d: {  	[sflag:s12] =	ssyncset.done $0x0  }
0x4e: {  	[sflag:s12] =	ssyncadd.s32 $0xFFFFCF2A  }
0x4f: {  	_ =	sfence.sel $0x180000  }
0x50: {  	[bflag:$0x0] =	sbarrier.arrive $0xFFFF  }
0x51: {  	p0 =	sne.s32 s1, $0x0;
	_ =	strace $0x9000004D  }
0x52: {  	s0 =	sadd.s32 @!p0 $0x100000, s0;
	[bflag:$0x2] =	sbarrier.arrive $0xFFFF  }
0x53: {  	[sflag:s0] =	ssyncadd.tile.s32 @!p0 $0x1;
	_ =	shalt  }
.Lfunc_end2:
_tile_overlayer_lowered:
.L_overlay_start_2:
0x54: {  	(tag) =	ssettag $0x2  }
0x55: {  	s0 =	rddreg [dreg:$0x0];
	s2 =	stileid.u32  }
0x56: {  	s1 =	rddreg [dreg:$0x1];
	p0 =	sne.s32 s2, $0x0  }
0x57: {  	s3 =	rddreg [dreg:$0x2];
	[bflag:$0x3] =	sbarrier.arrive $0xFFFF;
	s2 =	simm.s32 @!p0 $0x1C02  }
0x58: {  	[timem:s3], [sflag:s2] =	dma.local @!p0 [hbm:s0], s1  }
0x59: {  	s0 =	simm.s32 @!p0 $0x2  }
0x5a: {  	_ =	swait.ge @!p0 [sflag:s0], s1  }
0x5b: {  	s1 =	ssub.s32 @!p0 $0x0, s1;
	[sflag:s0] =	ssyncset.done @!p0 $0x0  }
0x5c: {  	[sflag:s0] =	ssyncadd.s32 @!p0 s1  }
0x5d: {  	[bflag:$0x3] =	sbarrier.arrive $0xFFFF  }
0x5e: {  	_ =	shalt  }

// kernel: sparse-core-data-format-call.cloned.1.call-start
scs
called_computation_lowered:
.L_overlay_start_0:
0x0: {  	s2 =	sld [smem:$0x3FD9]  }
0x1: {  	s3 =	sld [smem:$0x3FFE];
	_ =	sdelay $0x1  }
0x2: {  	s1 =	srdreg.scid  }
0x3: {  	s0 =	sand.u32 $0x1, s1  }
0x4: {  	s18 =	sshll.u32 s0, $0xA;
	s2 =	sadd.s32 s3, s2  }
0x5: {  	s2 =	sadd.s32 s2, s18  }
0x6: {  	[smem:$0x3FC2] =	sst s2  }
0x7: {  	_ = 	snop  }
0x8: {  	s2 =	sld [smem:$0x3FC8];
	(tm) =	ssettm $0x1  }
0x9: {  	s19 =	sld [smem:$0x3FFB];
	_ =	sdelay $0x3  }
0xa: {  	_ =	strace s19  }
0xb: {  	s3 =	sld [smem:$0x3FFC];
	_ =	sdelay $0x3  }
0xc: {  	_ =	strace s3  }
0xd: {  	s3 =	sld [smem:$0x3FFD];
	_ =	sdelay $0x3  }
0xe: {  	_ =	strace s3  }
0xf: {  	_ =	strace $0x8FFFFFFF  }
0x10: {  	s20 =	sld [smem:$0x3FDB];
	_ =	sdelay $0x1  }
0x11: {  	s4 =	simm.s32 $_scs_section_size  }
0x12: {  	s5 =	simm.s32 $_size__tile_overlayer_lowered;
	s6 =	simm.s32 $_tile_overlayer_lowered  }
0x13: {  	s23 =	simm.s32 $0x1BFF;
	s22 =	sshll.u32 s6, $0x1;
	s3 =	sadd.s32 s4, s20  }
0x14: {  	s7 =	simm.s32 $0x0;
	s21 =	sshll.u32 s5, $0x1;
	s5 =	sadd.s32 s22, s3  }
0x15: {  	[timem:s7], [sflag:s23] =	dma.local [hbm:s5], s21  }
0x16: {  	_ =	swait.ge [sflag:s23], s21  }
0x17: {  	s4 =	ssub.s32 $0x0, s21;
	[sflag:s23] =	ssyncset.done $0x0  }
0x18: {  	[sflag:s23] =	ssyncadd.s32 s4;
	_ =	sdelay $0x1  }
0x19: {  	s24 =	simm.s32 $0x1B8B  }
0x1a: {  	_ =	swait.ge [sflag:s24], $0x1  }
0x1b: {  	[sflag:s24] =	ssyncset.done $0x0  }
0x1c: {  	s26 =	simm.s32 $0x1B8E;
	s25 =	sld [smem:$0x3FFE];
	[sflag:s24] =	ssyncadd.s32 $0xFFFFFFFF  }
0x1d: {  	s27 =	simm.s32 $execute0_lowered;
	[smem:$0x3FD2] =	sst s26  }
0x1e: {  	s5 =	sshll.u32 s27, $0x1;
	_ =	strace $0x80000046;
	[dreg:$0x1] =	wrdreg $0xFFFFFFFF  }
0x1f: {  	s28 =	simm.s32 $_size_execute0_lowered;
	s3 =	sadd.s32 s3, s5;
	[dreg:$0x0] =	wrdreg $0x0  }
0x20: {  	s5 =	sshll.u32 s28, $0x1;
	[dreg:$0x2] =	wrdreg s3  }
0x21: {  	[dreg:$0x3] =	wrdreg s5  }
0x22: {  	[dreg:$0x4] =	wrdreg $0xC0  }
0x23: {  	_ =	task [dreg:s7], $0x5FFFF  }
0x24: {  	[dreg:$0x1] =	wrdreg $0xFFFFFFFF  }
0x25: {  	[dreg:$0x0] =	wrdreg $0x60  }
0x26: {  	[dreg:$0x2] =	wrdreg s2  }
0x27: {  	[dreg:$0x3] =	wrdreg s25  }
0x28: {  	[dreg:$0x4] =	wrdreg $0x9  }
0x29: {  	_ =	task.clear_ibuf [dreg:s7], $0x5FFFF;
	_ =	strace $0x90000046  }
0x2a: {  	s29 =	simm.s32 $0x9;
	_ =	strace $0x80000048  }
0x2b: {  	_ =	swait.ge [sflag:s29], $0x1  }
0x2c: {  	[sflag:s29] =	ssyncadd.s32 $0xFFFFFFFF  }
0x2d: {  	_ =	strace $0x90000048  }
0x2e: {  	_ =	sfence  }
0x2f: {  	s30 =	sld [smem:$0x0];
	_ =	sdelay $0x2  }
0x30: {  	s31 =	sshll.u32 s1, $0xD;
	s1 =	sshrl.u32 s1, $0x2  }
0x31: {  	s3 =	sand.u32 $0x4000, s31;
	s1 =	sadd.s32 s1, s30  }
0x32: {  	s0 =	sor.u32 s3, s0;
	s1 =	sshll.u32 s1, $0x11  }
0x33: {  	s0 =	sor.u32 s1, s0  }
0x34: {  	s0 =	sadd.s32 $0x8F2B, s0  }
0x35: {  	[sflag:s0] =	ssyncadd.remote.s32 $0x1  }
0x36: {  	_ =	sfence.sel $0xFFFF  }
0x37: {  	[dreg:$0x0] =	wrdreg $0xFFFFFFFF;
	(pc) =	sbr.abs _section_cstart, $3  }
0x38: {  	[dreg:$0x1] =	wrdreg $0xFFFFFFFF  }
0x39: {  	_ =	task.clear_ibuf [dreg:s7], $0x2FFFF;
	_ =	strace $0x9FFFFFFF  }
0x3a: {  	(tm) =	ssettm $0x7FFFFFFF  }
0x3b: {  	_ =	shalt  }
tec
execute0_lowered:
.L_overlay_start_1:
0x0: {  	(tag) =	ssettag $0x1  }
0x1: {  	s0 =	stileid.u32;
	s7 =	rddreg [dreg:$0x0]  }
0x2: {  	s1 =	srdreg.scid;
	s4 =	rddreg [dreg:$0x1]  }
0x3: {  	s30 =	simm.s32 $0x2;
	s10 =	simm.s32 $0x0;
	s14 =	simm.s32 $0x0  }
0x4: {  	s15 =	simm.s32 $0x0;
	s11 =	simm.s32 $0x0;
	s13 =	simm.s32 $0x0  }
0x5: {  	s2 =	sand.u32 $0x1, s1;
	s3 =	sshll.u32 s0, $0x7;
	s1 =	rddreg [dreg:$0x2]  }
0x6: {  	_ =	strace $0x80000047;
	s5 =	ssub.s32 $0xC300, s3;
	s6 =	ssub.s32 $0x2, s2  }
.Ltmp0:
0x7: {  	s5 =	sshrl.u32 s5, $0xB;
	s8 =	sshrl.u32 s6, $0x1;
	(pc) =	sbr.rel .LBB1_1-.Ltmp0, $4  }
0x8: {  	s4 =	sadd.s32 $0x1800, s4;
	s9 =	sadd.s32 $0x1, s5;
	s6 =	ssub.s32 s6, s8  }
0x9: {  	s31 =	sshll.u32 s2, $0x4;
	s5 =	simm.s32 $0x1;
	s6 =	smul.u32 s9, s6  }
0xa: {  	s12 =	smov.u32 s3;
	s7 =	sadd.s32 s7, s31;
	[sflag:s5] =	ssyncpa.u1 $0x0  }
0xb: {  	s9 =	simm.s32 $0x0;
	[sflag:s30] =	ssyncpa.u1 $0x0;
	s8 =	sadd.s32 $0x1, s6  }
.LBB1_4:
0xc: {  	s21 =	simm.s32 $0x0  }
.LBB1_8:
0xd: {  	_ =	sdelay $0x3  }
0xe: {  	v6 =	vld [tilespmem:s18+$0xFFFFFFC0];
	[tilespmem:v0+s20+$0x30 ss:$0x1] =	vst.idx.msk @p0 $0xffff, v2  }
0xf: {  	v58 =	vld [tilespmem:s18+$0xFFFFFFD0];
	[tilespmem:v0+s20+$0x40 ss:$0x1] =	vst.idx.msk @p0 $0xffff, v3;
	s21 =	sadd.s32 @p0 $0x80, s21  }
0x10: {  	v59 =	vld [tilespmem:s18+$0xFFFFFFE0];
	[tilespmem:v0+s20+$0x50 ss:$0x1] =	vst.idx.msk @p0 $0xffff, v5;
	s19 =	smov.u32 @p0 s21  }
0x11: {  	v60 =	vld [tilespmem:s18+$0xFFFFFFF0];
	[tilespmem:v0+s20+$0x60 ss:$0x1] =	vst.idx.msk @p0 $0xffff, v4;
	s19 =	sand.u32 $0x3F80, s19  }
0x12: {  	v61 =	vld [tilespmem:s18+$0x0];
	[tilespmem:v0+s19+$0x70 ss:$0x1] =	vst.idx.msk $0xffff, v1  }
0x13: {  	v62 =	vld [tilespmem:s18+$0x10];
	[tilespmem:v0+s19+$0x0 ss:$0x1] =	vst.idx.msk $0xffff, v6  }
0x14: {  	v63 =	vld [tilespmem:s18+$0x20];
	[tilespmem:v0+s19+$0x10 ss:$0x1] =	vst.idx.msk $0xffff, v58  }
0x15: {  	[tilespmem:v0+s19+$0x20 ss:$0x1] =	vst.idx.msk $0xffff, v59  }
0x16: {  	[tilespmem:v0+s19+$0x30 ss:$0x1] =	vst.idx.msk $0xffff, v60  }
0x17: {  	[tilespmem:v0+s19+$0x40 ss:$0x1] =	vst.idx.msk $0xffff, v61  }
0x18: {  	[tilespmem:v0+s19+$0x50 ss:$0x1] =	vst.idx.msk $0xffff, v62  }
0x19: {  	[tilespmem:v0+s19+$0x60 ss:$0x1] =	vst.idx.msk $0xffff, v63  }
.LBB1_9:
0x1a: {  	s18 =	sand.u32 $0x1FFFFFF, s11  }
0x1b: {  	s19 =	smulhi.u32 $0x14F8B59, s18;
	_ =	sdelay $0x1  }
0x1c: {  	s19 =	sshrl.u32 s19, $0x8  }
0x1d: {  	s19 =	smul.u32 $0xC350, s19  }
0x1e: {  	s15 =	smul.u32 $0xC3500, s15  }
0x1f: {  	s18 =	ssub.s32 s18, s19  }
0x20: {  	s15 =	sadd.s32 s4, s15;
	s18 =	sshll.u32 s18, $0x4  }
0x21: {  	s15 =	sadd.s32 s18, s15  }
0x22: {  	[hbm4b:s15+s9] =	stream.linear.scatter [tilespmem:s17], [sflag:$0x2], s16, $0x38;
	[tilespmem:$0x10000] =	vst v63  }
.LBB1_10:
0x23: {  	p0 =	slt.u32 s13, $0x2  }
0x24: {  	p1 =	sgt.s32 @!p0 s14, $0xC2D0  }
0x25: {  	s15 =	smov.u32 s14;
	s16 =	sshra.s32 @!p0 s14, $0x1F;
	p1 =	por !p1, p0  }
0x26: {  	s14 =	sand.u32 @!p0 s16, s14;
	s15 =	simm.s32 @p1 $0xC2D0  }
0x27: {  	s14 =	ssub.s32 @!p0 s15, s14  }
0x28: {  	s14 =	sadd.s32 @!p0 $0xFFFF3D30, s14  }
0x29: {  	s15 =	sshll.u32 @!p0 s14, $0x7  }
0x2a: {  	p1 =	sgt.s32 @!p0 s14, $0x7F;
	s14 =	ssub.s32 @!p0 $0x4000, s15  }
0x2b: {  	s16 =	sadd.s32 $0x800, s12;
	p1 =	por !p1, p0;
	s14 =	sand.u32 @!p0 $0x3FFFFF80, s14  }
0x2c: {  	s14 =	simm.s32 @!p1 $0x0;
	p1 =	sgt.s32 s16, $0xC34F  }
0x2d: {  	s16 =	smov.u32 @p1 s3;
	p1 =	sne.s32 s13, s8  }
.Ltmp1:
0x2e: {  	_ = 	snop;
	(pc) =	sbr.rel @!p1 .LBB1_11-.Ltmp1, $4  }
0x2f: {  	s10 =	sadd.s32 $0x4000, s10;
	s15 =	simm.s32 @!p0 $0x2  }
0x30: {  	_ =	swait.ge @!p0 [sflag:s15], s14;
	s17 =	ssub.s32 @!p0 $0x0, s14;
	s14 =	smov.u32 s11  }
0x31: {  	s13 =	sadd.s32 $0x1, s13;
	s11 =	smov.u32 s12;
	[sflag:s15] =	ssyncset.done @!p0 $0x0  }
0x32: {  	s12 =	smov.u32 s16;
	[sflag:s15] =	ssyncadd.s32 @!p0 s17;
	s15 =	smov.u32 s2  }
.LBB1_1:
0x33: {  	p0 =	sge.u32 s13, s6  }
0x34: {  	p1 =	sgt.s32 @!p0 s12, $0xC2D0  }
0x35: {  	s16 =	smov.u32 s12;
	s17 =	sshra.s32 @!p0 s12, $0x1F;
	p1 =	por !p1, p0  }
0x36: {  	s17 =	sand.u32 @!p0 s17, s12;
	s16 =	simm.s32 @p1 $0xC2D0  }
0x37: {  	s16 =	ssub.s32 @!p0 s16, s17  }
0x38: {  	s31 =	sadd.s32 $0xFFFFFFFF, s13;
	s18 =	sxor.u32 @!p0 $0xFFFFFFFF, s13;
	s16 =	sadd.s32 @!p0 $0xFFFF3D30, s16  }
0x39: {  	s19 =	simm.s32 @!p0 $0x80;
	s20 =	simm.s32 @!p0 $0x100;
	s17 =	sshll.u32 @!p0 s16, $0x7  }
0x3a: {  	p1 =	sgt.s32 @!p0 s16, $0x7F;
	s16 =	ssub.s32 @!p0 $0x4000, s17;
	s17 =	sshll.u32 @!p0 s18, $0xE  }
0x3b: {  	p1 =	por !p1, p0;
	s18 =	sshll.u32 @!p0 s12, $0x5;
	s16 =	sand.u32 @!p0 $0x3FFFFF80, s16  }
0x3c: {  	s17 =	sand.u32 @!p0 $0x4000, s17;
	s18 =	sadd.s32 @!p0 s18, s7;
	s16 =	simm.s32 @!p1 $0x0  }
0x3d: {  	[tilespmem:s17], [sflag:$0x1] =	stream.strided.gather @!p0 [hbm4b:s18+s19], s16, s20, s19, $0x38;
	[tilespmem:$0x10000] =	vst v63  }
0x3e: {  	p0 =	sge.u32 s31, s6  }
.Ltmp2:
0x3f: {  	_ = 	snop;
	(pc) =	sbr.rel @p0 .LBB1_10-.Ltmp2, $1  }
0x40: {  	_ =	sdelay $0x3  }
0x41: {  	p0 =	sgt.s32 s11, $0xC2D0;
	s16 =	smov.u32 s11;
	s17 =	sshra.s32 s11, $0x1F  }
0x42: {  	s16 =	simm.s32 @!p0 $0xC2D0;
	s17 =	sand.u32 s17, s11  }
0x43: {  	s16 =	ssub.s32 s16, s17  }
0x44: {  	s16 =	sadd.s32 $0xFFFF3D30, s16  }
0x45: {  	s30 =	sshll.u32 s16, $0x7  }
0x46: {  	s17 =	ssub.s32 $0x4000, s30  }
0x47: {  	p0 =	sgt.s32 s16, $0x7F;
	s16 =	sand.u32 $0x3FFFFF80, s17;
	s17 =	sadd.s32 $0x80, s11  }
0x48: {  	s16 =	simm.s32 @p0 $0x0;
	p0 =	slt.s32 s17, $0xC350  }
0x49: {  	s17 =	simm.s32 @!p0 $0xC350  }
0x4a: {  	s20 =	ssub.s32 s17, s11  }
0x4b: {  	p0 =	slt.s32 s20, $0x1  }
.Ltmp3:
0x4c: {  	_ = 	snop;
	(pc) =	sbr.rel @p0 .LBB1_9-.Ltmp3, $4  }
0x4d: {  	_ = 	snop  }
0x4e: {  	s19 =	sshll.u32 s13, $0xE;
	_ =	swait.ge [sflag:s5], s16  }
0x4f: {  	s31 =	sand.u32 $0x4000, s19;
	s18 =	ssub.s32 $0x0, s16;
	[sflag:s5] =	ssyncset.done $0x0  }
0x50: {  	s17 =	sor.u32 $0x8000, s31;
	[sflag:s5] =	ssyncadd.s32 s18  }
0x51: {  	p1 =	sne.s32 s20, $0x1  }
.Ltmp4:
0x52: {  	v0 =	vmov s17;
	(pc) =	sbr.rel @!p1 .LBB1_4-.Ltmp4, $4  }
0x53: {  	_ = 	snop  }
0x54: {  	s18 =	sand.u32 $0x4000, s10  }
0x55: {  	s18 =	sor.u32 $0x40, s18  }
0x56: {  	s19 =	simm.s32 $0x0;
	s21 =	sadd.s32 $0xFFFFFFFF, s20;
	p0 =	por $0x0, $0x0;
	v1 =	vld [tilespmem:s18+$0x30]  }
0x57: {  	v4 =	vld [tilespmem:s18+$0xFFFFFFC0]  }
0x58: {  	v6 =	vld [tilespmem:s18+$0xFFFFFFD0]  }
0x59: {  	v7 =	vld [tilespmem:s18+$0xFFFFFFE0];
	p1 =	sne.s32 s21, $0x1  }
.Ltmp5:
0x5a: {  	v2 =	vld [tilespmem:s18+$0xFFFFFFF0];
	s20 =	sand.u32 $0x3F80, s19;
	(pc) =	sbr.rel @!p1 .LBB1_6-.Ltmp5, $4  }
0x5b: {  	v3 =	vld [tilespmem:s18+$0x0];
	[tilespmem:v0+s20+$0x70 ss:$0x1] =	vst.idx.msk $0xffff, v1  }
0x5c: {  	v5 =	vld [tilespmem:s18+$0x10];
	[tilespmem:v0+s20+$0x0 ss:$0x1] =	vst.idx.msk $0xffff, v4  }
0x5d: {  	v4 =	vld [tilespmem:s18+$0x20];
	[tilespmem:v0+s20+$0x10 ss:$0x1] =	vst.idx.msk $0xffff, v6;
	s18 =	sadd.s32 $0x80, s18  }
0x5e: {  	s22 =	sadd.s32 $0xFFFFFFFF, s21;
	p0 =	por $0x1, $0x1;
	s21 =	simm.s32 $0x0;
	[tilespmem:v0+s20+$0x20 ss:$0x1] =	vst.idx.msk $0xffff, v7;
	v1 =	vld [tilespmem:s18+$0x30]  }
.LBB1_7:
0x5f: {  	p1 =	sne.s32 s22, $0x1;
	v6 =	vld [tilespmem:s18+$0xFFFFFFC0];
	[tilespmem:v0+s20+$0x30 ss:$0x1] =	vst.idx.msk $0xffff, v2  }
0x60: {  	v7 =	vld [tilespmem:s18+$0xFFFFFFD0];
	[tilespmem:v0+s20+$0x40 ss:$0x1] =	vst.idx.msk $0xffff, v3  }
0x61: {  	s21 =	sadd.s32 $0x80, s21;
	v8 =	vld [tilespmem:s18+$0xFFFFFFE0];
	[tilespmem:v0+s20+$0x50 ss:$0x1] =	vst.idx.msk $0xffff, v5  }
.Ltmp6:
0x62: {  	v2 =	vld [tilespmem:s18+$0xFFFFFFF0];
	[tilespmem:v0+s20+$0x60 ss:$0x1] =	vst.idx.msk $0xffff, v4;
	s20 =	sand.u32 $0x3F80, s21;
	(pc) =	sbr.rel @p1 .LBB1_7-.Ltmp6, $4  }
0x63: {  	v3 =	vld [tilespmem:s18+$0x0];
	[tilespmem:v0+s20+$0x70 ss:$0x1] =	vst.idx.msk $0xffff, v1  }
0x64: {  	[tilespmem:v0+s20+$0x0 ss:$0x1] =	vst.idx.msk $0xffff, v6;
	v5 =	vld [tilespmem:s18+$0x10]  }
0x65: {  	[tilespmem:v0+s20+$0x10 ss:$0x1] =	vst.idx.msk $0xffff, v7;
	v4 =	vld [tilespmem:s18+$0x20];
	s18 =	sadd.s32 $0x80, s18  }
0x66: {  	s22 =	sadd.s32 $0xFFFFFFFF, s22;
	v1 =	vld [tilespmem:s18+$0x30];
	[tilespmem:v0+s20+$0x20 ss:$0x1] =	vst.idx.msk $0xffff, v8  }
.Ltmp7:
0x67: {  	_ = 	snop;
	(pc) =	sbr.rel .LBB1_8-.Ltmp7, $1  }
0x68: {  	_ =	sdelay $0x3  }
.LBB1_6:
.Ltmp8:
0x69: {  	(pc) =	sbr.rel .LBB1_8-.Ltmp8, $2  }
0x6a: {  	_ =	sdelay $0x2  }
0x6b: {  	s21 =	simm.s32 $0x0  }
.LBB1_11:
0x6c: {  	_ =	sfence.sel $0x180000  }
0x6d: {  	s2 =	simm.s32 $0x1;
	[bflag:$0x0] =	sbarrier.arrive $0xFFFF  }
0x6e: {  	s31 =	simm.s32 $0x2;
	[sflag:s2] =	ssyncpa.u1 $0x1  }
0x6f: {  	[sflag:s31] =	ssyncpa.u1 $0x1  }
0x70: {  	p0 =	sne.s32 s0, $0x0;
	_ =	strace $0x90000047  }
0x71: {  	s0 =	sadd.s32 @!p0 $0x100000, s1;
	[bflag:$0x2] =	sbarrier.arrive $0xFFFF  }
0x72: {  	[sflag:s0] =	ssyncadd.tile.s32 @!p0 $0x1;
	_ =	shalt  }
.Lfunc_end1:
_tile_overlayer_lowered:
.L_overlay_start_2:
0x73: {  	(tag) =	ssettag $0x2  }
0x74: {  	s0 =	rddreg [dreg:$0x0];
	s2 =	stileid.u32  }
0x75: {  	s1 =	rddreg [dreg:$0x1];
	p0 =	sne.s32 s2, $0x0  }
0x76: {  	s3 =	rddreg [dreg:$0x2];
	[bflag:$0x3] =	sbarrier.arrive $0xFFFF;
	s2 =	simm.s32 @!p0 $0x1C01  }
0x77: {  	[timem:s3], [sflag:s2] =	dma.local @!p0 [hbm:s0], s1  }
0x78: {  	s0 =	simm.s32 @!p0 $0x1  }
0x79: {  	_ =	swait.ge @!p0 [sflag:s0], s1  }
0x7a: {  	s1 =	ssub.s32 @!p0 $0x0, s1;
	[sflag:s0] =	ssyncset.done @!p0 $0x0  }
0x7b: {  	[sflag:s0] =	ssyncadd.s32 @!p0 s1  }
0x7c: {  	[bflag:$0x3] =	sbarrier.arrive $0xFFFF  }
0x7d: {  	_ =	shalt  }

</sc_bundles>
